<compile_context>
chip_gen: v7x
topology: tpu7x:2x2x1
jax: 0.10.2.dev20260603
libtpu: 0.0.44.dev20260713+nightly
codegen_flags: <defaults>
</compile_context>

<pallas_src>
import functools

import jax
import jax.numpy as jnp
from jax import lax
from jax.experimental import pallas as pl
from jax.experimental.pallas import tpu as pltpu
from jax.experimental.pallas import tpu_sc as plsc

_L = 128
_NC = 2
_NS = 16
_NW = _NC * _NS
_HPC = 2


@functools.lru_cache(maxsize=None)
def _make_gather(b: int, h: int, d: int):
    assert b == _NW * _L and d % 8 == 0
    e8 = d // 8
    bt = b // _L
    n_chunks = h // _HPC
    n_loop = (n_chunks + 1) // 2

    mesh = plsc.VectorSubcoreMesh(core_axis_name="c", subcore_axis_name="s")

    @functools.partial(
        pl.kernel,
        mesh=mesh,
        out_type=jax.ShapeDtypeStruct((h, e8, bt, 8, _L), jnp.float32),
        scratch_types=[
            pltpu.VMEM((h * 2, _L // 2), jnp.int32),
            pltpu.VMEM((_HPC * _L, d), jnp.float32),
            pltpu.VMEM((_HPC * _L, d), jnp.float32),
            pltpu.VMEM((_HPC, e8, 8, _L), jnp.float32),
            pltpu.VMEM((_HPC, e8, 8, _L), jnp.float32),
            pltpu.SemaphoreType.DMA,
            pltpu.SemaphoreType.DMA,
            pltpu.SemaphoreType.DMA,
            pltpu.SemaphoreType.DMA,
        ],
        compiler_params=pltpu.CompilerParams(
            use_tc_tiling_on_sc=False, needs_layout_passes=False
        ),
    )
    def gather_kernel(table_hbm, idx_hbm, out_hbm, idx_v,
                      ib0, ib1, ob0, ob1, g0, g1, o0, o1):
        wid = lax.axis_index("s") * _NC + lax.axis_index("c")
        lane = lax.iota(jnp.int32, 16)
        ibs = (ib0, ib1)
        obs = (ob0, ob1)
        gsems = (g0, g1)
        osems = (o0, o1)

        pltpu.sync_copy(idx_hbm.at[wid], idx_v)

        _NSPLIT = 2
        q = _L // _NSPLIT

        def fire_gathers(ci, p):
            for hh in range(_HPC):
                for k in range(_NSPLIT):
                    pltpu.async_copy(
                        table_hbm.at[idx_v.at[(ci * _HPC + hh) * _NSPLIT + k]],
                        ibs[p].at[pl.ds(hh * _L + k * q, q)],
                        gsems[p],
                    )

        def wait_gathers(ci, p):
            for hh in range(_HPC):
                for k in range(_NSPLIT):
                    pltpu.make_async_copy(
                        table_hbm.at[idx_v.at[(ci * _HPC + hh) * _NSPLIT + k]],
                        ibs[p].at[pl.ds(hh * _L + k * q, q)],
                        gsems[p],
                    ).wait()

        def fire_writes(ci, p):
            for hh in range(_HPC):
                pltpu.async_copy(
                    obs[p].at[hh],
                    out_hbm.at[ci * _HPC + hh, :, wid],
                    osems[p],
                )

        def wait_writes(ci, p):
            for hh in range(_HPC):
                pltpu.make_async_copy(
                    obs[p].at[hh],
                    out_hbm.at[ci * _HPC + hh, :, wid],
                    osems[p],
                ).wait()

        def retile(p):
            ib, ob = ibs[p], obs[p]

            def diag(d0, carry):
                cols = jnp.bitwise_and(lane + d0, d - 1)
                et_v = jnp.right_shift(cols, 3)
                es_v = jnp.bitwise_and(cols, 7)
                for hh in range(_HPC):
                    hh_v = jnp.full((16,), hh, jnp.int32)
                    for blg in range(_L // 16):
                        rows = hh * _L + blg * 16 + lane
                        vals = plsc.load_gather(ib, [rows, cols])
                        plsc.store_scatter(
                            ob, [hh_v, et_v, es_v, blg * 16 + lane], vals
                        )
                return carry

            lax.fori_loop(0, d, diag, 0, unroll=4)

        fire_gathers(0, 0)
        fire_gathers(1, 1)

        def body(j, carry):
            c0 = 2 * j
            c1 = c0 + 1
            wait_gathers(c0, 0)

            @pl.when(j > 0)
            def _():
                wait_writes(c0 - 2, 0)

            retile(0)
            fire_writes(c0, 0)

            @pl.when(c0 + 2 < n_chunks)
            def _():
                fire_gathers(c0 + 2, 0)

            @pl.when(c1 < n_chunks)
            def _():
                wait_gathers(c1, 1)

                @pl.when(j > 0)
                def _():
                    wait_writes(c1 - 2, 1)

                retile(1)
                fire_writes(c1, 1)

                @pl.when(c1 + 2 < n_chunks)
                def _():
                    fire_gathers(c1 + 2, 1)

            return carry

        lax.fori_loop(0, n_loop, body, 0)

        wait_writes(n_chunks - 2, 1)
        wait_writes(n_chunks - 1, 0)

    return gather_kernel


def kernel(table, input_ids):
    b, h = input_ids.shape
    d = table.shape[1]
    idx3 = (
        input_ids.T.reshape(h, _NW, _L)
        .transpose(1, 0, 2)
        .reshape(_NW, h * 2, _L // 2)
        .astype(jnp.int32)
    )
    out5 = _make_gather(b, h, d)(table, idx3)
    return out5.transpose(2, 4, 0, 1, 3).reshape(b, h, d)

# --- scband reference (transcript-rebuilt; emitter-appended) ---
"""Pipeline reference for scband-custom-embedding-10359461118620 (READ-ONLY COPY).

The authoritative reference and input builder live on the scoring server;
editing this copy changes nothing except your own understanding.
"""

import jax, jax.numpy as jnp
import numpy as np

VOCAB = 1000000
EMBED_DIM = 64
BATCH = 4096
HIST_LEN = 50

def setup_inputs(seed: int = 0) -> dict:
    key = jax.random.key(seed)
    k_ids, k_table = jax.random.split(key)
    input_ids = jax.random.randint(k_ids, (BATCH, HIST_LEN), 0, VOCAB, dtype=jnp.int64 if jax.config.jax_enable_x64 else jnp.int32)
    table = jax.random.normal(k_table, (VOCAB, EMBED_DIM), dtype=jnp.float32) * 0.02
    return {"table": table, "input_ids": input_ids}

def reference(table, input_ids):
    # CustomEmbedding.forward with empty self.modifications:
    # original_embeddings = self.original_embedding(input_ids)
    # (modifications dict is empty at init, so no mask overwrites occur)
    out = jnp.take(table, input_ids, axis=0)
    return out

if __name__ == "__main__":
    import jax
    _d = setup_inputs()
    print(jax.jit(kernel)(*tuple(_d.values())))

</pallas_src>

<mosaic_0001>
#map = affine_map<(d0, d1) -> (0, 0)>
#map1 = affine_map<(d0, d1) -> (0, 0, 0)>
#map2 = affine_map<(d0, d1) -> (0, 0, 0, 0, 0)>
module attributes {stable_mosaic.version = 14 : i64} {
  func.func @gather_kernel(%arg0: i32, %arg1: i32, %arg2: memref<1000000x64xf32, #tpu.memory_space<hbm>>, %arg3: memref<32x100x64xi32, #tpu.memory_space<hbm>>, %arg4: memref<50x8x32x8x128xf32, #tpu.memory_space<hbm>>, %arg5: memref<100x64xi32, #tpu.memory_space<vmem>>, %arg6: memref<256x64xf32, #tpu.memory_space<vmem>>, %arg7: memref<256x64xf32, #tpu.memory_space<vmem>>, %arg8: memref<2x8x8x128xf32, #tpu.memory_space<vmem>>, %arg9: memref<2x8x8x128xf32, #tpu.memory_space<vmem>>, %arg10: memref<!tpu.dma_semaphore, #tpu.memory_space<semaphore_mem>>, %arg11: memref<!tpu.dma_semaphore, #tpu.memory_space<semaphore_mem>>, %arg12: memref<!tpu.dma_semaphore, #tpu.memory_space<semaphore_mem>>, %arg13: memref<!tpu.dma_semaphore, #tpu.memory_space<semaphore_mem>>) attributes {dimension_semantics = [#tpu.dimension_semantics<core_parallel>, #tpu.dimension_semantics<subcore_parallel>], iteration_bounds = array<i64: 2, 16>, scalar_prefetch = 0 : i64, scratch_operands = 9 : i64, tpu.core_type = #tpu.core_type<sc_vector_subcore>, window_params = [{transform_indices = #map}, {transform_indices = #map1}, {transform_indices = #map2}]} {
    %mul3A = arith.constant 2 : i32
    %mul3A_0 = arith.muli %arg1, %mul3A : i32
    %add3A = arith.addi %mul3A_0, %arg0 : i32
    %iota3A = tpu.iota {dimensions = array<i32: 0>} : vector<16xi32>
    "tpu.region"() ({
      %run_scoped3A = tpu.sem_alloc : memref<!tpu.dma_semaphore, #tpu.memory_space<semaphore_mem>>
      %dma_start3A_172 = arith.constant 0 : i32
      %dma_start3A_173 = arith.constant 0 : i32
      %dma_start3A_174 = tpu.memref_slice %arg3[%add3A, %dma_start3A_172, %dma_start3A_173] : memref<32x100x64xi32, #tpu.memory_space<hbm>> -> memref<1x100x64xi32, #tpu.memory_space<hbm>>
      %dma_start3A_175 = tpu.memref_squeeze %dma_start3A_174 : memref<1x100x64xi32, #tpu.memory_space<hbm>> -> memref<100x64xi32, #tpu.memory_space<hbm>>
      %dma_start3A_176 = arith.constant 0 : i32
      %dma_start3A_177 = arith.constant 0 : i32
      %dma_start3A_178 = tpu.memref_slice %arg3[%add3A, %dma_start3A_176, %dma_start3A_177] : memref<32x100x64xi32, #tpu.memory_space<hbm>> -> memref<1x100x64xi32, #tpu.memory_space<hbm>>
      %dma_start3A_179 = tpu.memref_squeeze %dma_start3A_178 : memref<1x100x64xi32, #tpu.memory_space<hbm>> -> memref<100x64xi32, #tpu.memory_space<hbm>>
      tpu.enqueue_dma source(%dma_start3A_179 : memref<100x64xi32, #tpu.memory_space<hbm>>) target(%arg5 : memref<100x64xi32, #tpu.memory_space<vmem>>) target_semaphore(%run_scoped3A : memref<!tpu.dma_semaphore, #tpu.memory_space<semaphore_mem>>)
      %dma_wait3A_180 = arith.constant 0 : i32
      %dma_wait3A_181 = arith.constant 0 : i32
      %dma_wait3A_182 = tpu.memref_slice %arg3[%add3A, %dma_wait3A_180, %dma_wait3A_181] : memref<32x100x64xi32, #tpu.memory_space<hbm>> -> memref<1x100x64xi32, #tpu.memory_space<hbm>>
      %dma_wait3A_183 = tpu.memref_squeeze %dma_wait3A_182 : memref<1x100x64xi32, #tpu.memory_space<hbm>> -> memref<100x64xi32, #tpu.memory_space<hbm>>
      %dma_wait3A_184 = arith.constant 0 : i32
      %dma_wait3A_185 = arith.constant 0 : i32
      %dma_wait3A_186 = tpu.memref_slice %arg3[%add3A, %dma_wait3A_184, %dma_wait3A_185] : memref<32x100x64xi32, #tpu.memory_space<hbm>> -> memref<1x100x64xi32, #tpu.memory_space<hbm>>
      %dma_wait3A_187 = tpu.memref_squeeze %dma_wait3A_186 : memref<1x100x64xi32, #tpu.memory_space<hbm>> -> memref<100x64xi32, #tpu.memory_space<hbm>>
      tpu.wait_dma2 semaphore(%run_scoped3A : memref<!tpu.dma_semaphore, #tpu.memory_space<semaphore_mem>>) src(%dma_wait3A_187 : memref<100x64xi32, #tpu.memory_space<hbm>>) dst(%arg5 : memref<100x64xi32, #tpu.memory_space<vmem>>)
      tpu.yield
    }) : () -> ()
    %dma_start3A = arith.constant 0 : i32
    %dma_start3A_1 = arith.constant 0 : i32
    %dma_start3A_2 = arith.constant 0 : i32
    %dma_start3A_3 = tpu.memref_slice %arg6[%dma_start3A_1, %dma_start3A_2] : memref<256x64xf32, #tpu.memory_space<vmem>> -> memref<64x64xf32, #tpu.memory_space<vmem>>
    %dma_start3A_4 = arith.constant 0 : i32
    %dma_start3A_5 = tpu.memref_slice %arg5[%dma_start3A, %dma_start3A_4] : memref<100x64xi32, #tpu.memory_space<vmem>> -> memref<1x64xi32, #tpu.memory_space<vmem>>
    %dma_start3A_6 = tpu.memref_squeeze %dma_start3A_5 : memref<1x64xi32, #tpu.memory_space<vmem>> -> memref<64xi32, #tpu.memory_space<vmem>>
    %dma_start3A_7 = arith.constant 0 : i32
    %dma_start3A_8 = arith.constant 0 : i32
    %dma_start3A_9 = tpu.memref_slice %arg2[%dma_start3A_7, %dma_start3A_8] : memref<1000000x64xf32, #tpu.memory_space<hbm>> -> memref<1000000x64xf32, #tpu.memory_space<hbm>>
    tpu.enqueue_indirect_dma source(%dma_start3A_9 : memref<1000000x64xf32, #tpu.memory_space<hbm>>) target(%dma_start3A_3 : memref<64x64xf32, #tpu.memory_space<vmem>>) offsets(%dma_start3A_6 : memref<64xi32, #tpu.memory_space<vmem>>) semaphore(%arg10 : memref<!tpu.dma_semaphore, #tpu.memory_space<semaphore_mem>>)
    %dma_start3A_10 = arith.constant 1 : i32
    %dma_start3A_11 = arith.constant 64 : i32
    %dma_start3A_12 = arith.constant 0 : i32
    %dma_start3A_13 = tpu.memref_slice %arg6[%dma_start3A_11, %dma_start3A_12] : memref<256x64xf32, #tpu.memory_space<vmem>> -> memref<64x64xf32, #tpu.memory_space<vmem>>
    %dma_start3A_14 = arith.constant 0 : i32
    %dma_start3A_15 = tpu.memref_slice %arg5[%dma_start3A_10, %dma_start3A_14] : memref<100x64xi32, #tpu.memory_space<vmem>> -> memref<1x64xi32, #tpu.memory_space<vmem>>
    %dma_start3A_16 = tpu.memref_squeeze %dma_start3A_15 : memref<1x64xi32, #tpu.memory_space<vmem>> -> memref<64xi32, #tpu.memory_space<vmem>>
    %dma_start3A_17 = arith.constant 0 : i32
    %dma_start3A_18 = arith.constant 0 : i32
    %dma_start3A_19 = tpu.memref_slice %arg2[%dma_start3A_17, %dma_start3A_18] : memref<1000000x64xf32, #tpu.memory_space<hbm>> -> memref<1000000x64xf32, #tpu.memory_space<hbm>>
    tpu.enqueue_indirect_dma source(%dma_start3A_19 : memref<1000000x64xf32, #tpu.memory_space<hbm>>) target(%dma_start3A_13 : memref<64x64xf32, #tpu.memory_space<vmem>>) offsets(%dma_start3A_16 : memref<64xi32, #tpu.memory_space<vmem>>) semaphore(%arg10 : memref<!tpu.dma_semaphore, #tpu.memory_space<semaphore_mem>>)
    %dma_start3A_20 = arith.constant 2 : i32
    %dma_start3A_21 = arith.constant 128 : i32
    %dma_start3A_22 = arith.constant 0 : i32
    %dma_start3A_23 = tpu.memref_slice %arg6[%dma_start3A_21, %dma_start3A_22] : memref<256x64xf32, #tpu.memory_space<vmem>> -> memref<64x64xf32, #tpu.memory_space<vmem>>
    %dma_start3A_24 = arith.constant 0 : i32
    %dma_start3A_25 = tpu.memref_slice %arg5[%dma_start3A_20, %dma_start3A_24] : memref<100x64xi32, #tpu.memory_space<vmem>> -> memref<1x64xi32, #tpu.memory_space<vmem>>
    %dma_start3A_26 = tpu.memref_squeeze %dma_start3A_25 : memref<1x64xi32, #tpu.memory_space<vmem>> -> memref<64xi32, #tpu.memory_space<vmem>>
    %dma_start3A_27 = arith.constant 0 : i32
    %dma_start3A_28 = arith.constant 0 : i32
    %dma_start3A_29 = tpu.memref_slice %arg2[%dma_start3A_27, %dma_start3A_28] : memref<1000000x64xf32, #tpu.memory_space<hbm>> -> memref<1000000x64xf32, #tpu.memory_space<hbm>>
    tpu.enqueue_indirect_dma source(%dma_start3A_29 : memref<1000000x64xf32, #tpu.memory_space<hbm>>) target(%dma_start3A_23 : memref<64x64xf32, #tpu.memory_space<vmem>>) offsets(%dma_start3A_26 : memref<64xi32, #tpu.memory_space<vmem>>) semaphore(%arg10 : memref<!tpu.dma_semaphore, #tpu.memory_space<semaphore_mem>>)
    %dma_start3A_30 = arith.constant 3 : i32
    %dma_start3A_31 = arith.constant 192 : i32
    %dma_start3A_32 = arith.constant 0 : i32
    %dma_start3A_33 = tpu.memref_slice %arg6[%dma_start3A_31, %dma_start3A_32] : memref<256x64xf32, #tpu.memory_space<vmem>> -> memref<64x64xf32, #tpu.memory_space<vmem>>
    %dma_start3A_34 = arith.constant 0 : i32
    %dma_start3A_35 = tpu.memref_slice %arg5[%dma_start3A_30, %dma_start3A_34] : memref<100x64xi32, #tpu.memory_space<vmem>> -> memref<1x64xi32, #tpu.memory_space<vmem>>
    %dma_start3A_36 = tpu.memref_squeeze %dma_start3A_35 : memref<1x64xi32, #tpu.memory_space<vmem>> -> memref<64xi32, #tpu.memory_space<vmem>>
    %dma_start3A_37 = arith.constant 0 : i32
    %dma_start3A_38 = arith.constant 0 : i32
    %dma_start3A_39 = tpu.memref_slice %arg2[%dma_start3A_37, %dma_start3A_38] : memref<1000000x64xf32, #tpu.memory_space<hbm>> -> memref<1000000x64xf32, #tpu.memory_space<hbm>>
    tpu.enqueue_indirect_dma source(%dma_start3A_39 : memref<1000000x64xf32, #tpu.memory_space<hbm>>) target(%dma_start3A_33 : memref<64x64xf32, #tpu.memory_space<vmem>>) offsets(%dma_start3A_36 : memref<64xi32, #tpu.memory_space<vmem>>) semaphore(%arg10 : memref<!tpu.dma_semaphore, #tpu.memory_space<semaphore_mem>>)
    %dma_start3A_40 = arith.constant 4 : i32
    %dma_start3A_41 = arith.constant 0 : i32
    %dma_start3A_42 = arith.constant 0 : i32
    %dma_start3A_43 = tpu.memref_slice %arg7[%dma_start3A_41, %dma_start3A_42] : memref<256x64xf32, #tpu.memory_space<vmem>> -> memref<64x64xf32, #tpu.memory_space<vmem>>
    %dma_start3A_44 = arith.constant 0 : i32
    %dma_start3A_45 = tpu.memref_slice %arg5[%dma_start3A_40, %dma_start3A_44] : memref<100x64xi32, #tpu.memory_space<vmem>> -> memref<1x64xi32, #tpu.memory_space<vmem>>
    %dma_start3A_46 = tpu.memref_squeeze %dma_start3A_45 : memref<1x64xi32, #tpu.memory_space<vmem>> -> memref<64xi32, #tpu.memory_space<vmem>>
    %dma_start3A_47 = arith.constant 0 : i32
    %dma_start3A_48 = arith.constant 0 : i32
    %dma_start3A_49 = tpu.memref_slice %arg2[%dma_start3A_47, %dma_start3A_48] : memref<1000000x64xf32, #tpu.memory_space<hbm>> -> memref<1000000x64xf32, #tpu.memory_space<hbm>>
    tpu.enqueue_indirect_dma source(%dma_start3A_49 : memref<1000000x64xf32, #tpu.memory_space<hbm>>) target(%dma_start3A_43 : memref<64x64xf32, #tpu.memory_space<vmem>>) offsets(%dma_start3A_46 : memref<64xi32, #tpu.memory_space<vmem>>) semaphore(%arg11 : memref<!tpu.dma_semaphore, #tpu.memory_space<semaphore_mem>>)
    %dma_start3A_50 = arith.constant 5 : i32
    %dma_start3A_51 = arith.constant 64 : i32
    %dma_start3A_52 = arith.constant 0 : i32
    %dma_start3A_53 = tpu.memref_slice %arg7[%dma_start3A_51, %dma_start3A_52] : memref<256x64xf32, #tpu.memory_space<vmem>> -> memref<64x64xf32, #tpu.memory_space<vmem>>
    %dma_start3A_54 = arith.constant 0 : i32
    %dma_start3A_55 = tpu.memref_slice %arg5[%dma_start3A_50, %dma_start3A_54] : memref<100x64xi32, #tpu.memory_space<vmem>> -> memref<1x64xi32, #tpu.memory_space<vmem>>
    %dma_start3A_56 = tpu.memref_squeeze %dma_start3A_55 : memref<1x64xi32, #tpu.memory_space<vmem>> -> memref<64xi32, #tpu.memory_space<vmem>>
    %dma_start3A_57 = arith.constant 0 : i32
    %dma_start3A_58 = arith.constant 0 : i32
    %dma_start3A_59 = tpu.memref_slice %arg2[%dma_start3A_57, %dma_start3A_58] : memref<1000000x64xf32, #tpu.memory_space<hbm>> -> memref<1000000x64xf32, #tpu.memory_space<hbm>>
    tpu.enqueue_indirect_dma source(%dma_start3A_59 : memref<1000000x64xf32, #tpu.memory_space<hbm>>) target(%dma_start3A_53 : memref<64x64xf32, #tpu.memory_space<vmem>>) offsets(%dma_start3A_56 : memref<64xi32, #tpu.memory_space<vmem>>) semaphore(%arg11 : memref<!tpu.dma_semaphore, #tpu.memory_space<semaphore_mem>>)
    %dma_start3A_60 = arith.constant 6 : i32
    %dma_start3A_61 = arith.constant 128 : i32
    %dma_start3A_62 = arith.constant 0 : i32
    %dma_start3A_63 = tpu.memref_slice %arg7[%dma_start3A_61, %dma_start3A_62] : memref<256x64xf32, #tpu.memory_space<vmem>> -> memref<64x64xf32, #tpu.memory_space<vmem>>
    %dma_start3A_64 = arith.constant 0 : i32
    %dma_start3A_65 = tpu.memref_slice %arg5[%dma_start3A_60, %dma_start3A_64] : memref<100x64xi32, #tpu.memory_space<vmem>> -> memref<1x64xi32, #tpu.memory_space<vmem>>
    %dma_start3A_66 = tpu.memref_squeeze %dma_start3A_65 : memref<1x64xi32, #tpu.memory_space<vmem>> -> memref<64xi32, #tpu.memory_space<vmem>>
    %dma_start3A_67 = arith.constant 0 : i32
    %dma_start3A_68 = arith.constant 0 : i32
    %dma_start3A_69 = tpu.memref_slice %arg2[%dma_start3A_67, %dma_start3A_68] : memref<1000000x64xf32, #tpu.memory_space<hbm>> -> memref<1000000x64xf32, #tpu.memory_space<hbm>>
    tpu.enqueue_indirect_dma source(%dma_start3A_69 : memref<1000000x64xf32, #tpu.memory_space<hbm>>) target(%dma_start3A_63 : memref<64x64xf32, #tpu.memory_space<vmem>>) offsets(%dma_start3A_66 : memref<64xi32, #tpu.memory_space<vmem>>) semaphore(%arg11 : memref<!tpu.dma_semaphore, #tpu.memory_space<semaphore_mem>>)
    %dma_start3A_70 = arith.constant 7 : i32
    %dma_start3A_71 = arith.constant 192 : i32
    %dma_start3A_72 = arith.constant 0 : i32
    %dma_start3A_73 = tpu.memref_slice %arg7[%dma_start3A_71, %dma_start3A_72] : memref<256x64xf32, #tpu.memory_space<vmem>> -> memref<64x64xf32, #tpu.memory_space<vmem>>
    %dma_start3A_74 = arith.constant 0 : i32
    %dma_start3A_75 = tpu.memref_slice %arg5[%dma_start3A_70, %dma_start3A_74] : memref<100x64xi32, #tpu.memory_space<vmem>> -> memref<1x64xi32, #tpu.memory_space<vmem>>
    %dma_start3A_76 = tpu.memref_squeeze %dma_start3A_75 : memref<1x64xi32, #tpu.memory_space<vmem>> -> memref<64xi32, #tpu.memory_space<vmem>>
    %dma_start3A_77 = arith.constant 0 : i32
    %dma_start3A_78 = arith.constant 0 : i32
    %dma_start3A_79 = tpu.memref_slice %arg2[%dma_start3A_77, %dma_start3A_78] : memref<1000000x64xf32, #tpu.memory_space<hbm>> -> memref<1000000x64xf32, #tpu.memory_space<hbm>>
    tpu.enqueue_indirect_dma source(%dma_start3A_79 : memref<1000000x64xf32, #tpu.memory_space<hbm>>) target(%dma_start3A_73 : memref<64x64xf32, #tpu.memory_space<vmem>>) offsets(%dma_start3A_76 : memref<64xi32, #tpu.memory_space<vmem>>) semaphore(%arg11 : memref<!tpu.dma_semaphore, #tpu.memory_space<semaphore_mem>>)
    %scan3A = arith.constant 0 : i32
    %scan3A_80 = arith.constant 0 : i32
    %scan3A_81 = arith.constant 13 : i32
    %scan3A_82 = arith.addi %scan3A_80, %scan3A_81 : i32
    %scan3A_83 = arith.constant 1 : i32
    scf.for %scan3A_172 = %scan3A_80 to %scan3A_82 step %scan3A_83  : i32 {
      %mul3A_173 = arith.constant 2 : i32
      %mul3A_174 = arith.muli %mul3A_173, %scan3A_172 : i32
      %add3A_175 = arith.constant 1 : i32
      %add3A_176 = arith.addi %mul3A_174, %add3A_175 : i32
      %mul3A_177 = arith.constant 2 : i32
      %mul3A_178 = arith.muli %mul3A_174, %mul3A_177 : i32
      %add3A_179 = arith.constant 0 : i32
      %add3A_180 = arith.addi %mul3A_178, %add3A_179 : i32
      %mul3A_181 = arith.constant 2 : i32
      %mul3A_182 = arith.muli %add3A_180, %mul3A_181 : i32
      %add3A_183 = arith.constant 0 : i32
      %add3A_184 = arith.addi %mul3A_182, %add3A_183 : i32
      %dma_wait3A_185 = arith.constant 0 : i32
      %dma_wait3A_186 = arith.constant 0 : i32
      %dma_wait3A_187 = tpu.memref_slice %arg6[%dma_wait3A_185, %dma_wait3A_186] : memref<256x64xf32, #tpu.memory_space<vmem>> -> memref<64x64xf32, #tpu.memory_space<vmem>>
      %dma_wait3A_188 = arith.constant 0 : i32
      %dma_wait3A_189 = tpu.memref_slice %arg5[%add3A_184, %dma_wait3A_188] : memref<100x64xi32, #tpu.memory_space<vmem>> -> memref<1x64xi32, #tpu.memory_space<vmem>>
      %dma_wait3A_190 = tpu.memref_squeeze %dma_wait3A_189 : memref<1x64xi32, #tpu.memory_space<vmem>> -> memref<64xi32, #tpu.memory_space<vmem>>
      %dma_wait3A_191 = arith.constant 0 : i32
      %dma_wait3A_192 = arith.constant 0 : i32
      %dma_wait3A_193 = tpu.memref_slice %arg2[%dma_wait3A_191, %dma_wait3A_192] : memref<1000000x64xf32, #tpu.memory_space<hbm>> -> memref<1000000x64xf32, #tpu.memory_space<hbm>>
      tpu.wait_indirect_dma semaphore(%arg10 : memref<!tpu.dma_semaphore, #tpu.memory_space<semaphore_mem>>) src(%dma_wait3A_193 : memref<1000000x64xf32, #tpu.memory_space<hbm>>) dst(%dma_wait3A_187 : memref<64x64xf32, #tpu.memory_space<vmem>>)
      %mul3A_194 = arith.constant 2 : i32
      %mul3A_195 = arith.muli %mul3A_174, %mul3A_194 : i32
      %add3A_196 = arith.constant 0 : i32
      %add3A_197 = arith.addi %mul3A_195, %add3A_196 : i32
      %mul3A_198 = arith.constant 2 : i32
      %mul3A_199 = arith.muli %add3A_197, %mul3A_198 : i32
      %add3A_200 = arith.constant 1 : i32
      %add3A_201 = arith.addi %mul3A_199, %add3A_200 : i32
      %dma_wait3A_202 = arith.constant 64 : i32
      %dma_wait3A_203 = arith.constant 0 : i32
      %dma_wait3A_204 = tpu.memref_slice %arg6[%dma_wait3A_202, %dma_wait3A_203] : memref<256x64xf32, #tpu.memory_space<vmem>> -> memref<64x64xf32, #tpu.memory_space<vmem>>
      %dma_wait3A_205 = arith.constant 0 : i32
      %dma_wait3A_206 = tpu.memref_slice %arg5[%add3A_201, %dma_wait3A_205] : memref<100x64xi32, #tpu.memory_space<vmem>> -> memref<1x64xi32, #tpu.memory_space<vmem>>
      %dma_wait3A_207 = tpu.memref_squeeze %dma_wait3A_206 : memref<1x64xi32, #tpu.memory_space<vmem>> -> memref<64xi32, #tpu.memory_space<vmem>>
      %dma_wait3A_208 = arith.constant 0 : i32
      %dma_wait3A_209 = arith.constant 0 : i32
      %dma_wait3A_210 = tpu.memref_slice %arg2[%dma_wait3A_208, %dma_wait3A_209] : memref<1000000x64xf32, #tpu.memory_space<hbm>> -> memref<1000000x64xf32, #tpu.memory_space<hbm>>
      tpu.wait_indirect_dma semaphore(%arg10 : memref<!tpu.dma_semaphore, #tpu.memory_space<semaphore_mem>>) src(%dma_wait3A_210 : memref<1000000x64xf32, #tpu.memory_space<hbm>>) dst(%dma_wait3A_204 : memref<64x64xf32, #tpu.memory_space<vmem>>)
      %mul3A_211 = arith.constant 2 : i32
      %mul3A_212 = arith.muli %mul3A_174, %mul3A_211 : i32
      %add3A_213 = arith.constant 1 : i32
      %add3A_214 = arith.addi %mul3A_212, %add3A_213 : i32
      %mul3A_215 = arith.constant 2 : i32
      %mul3A_216 = arith.muli %add3A_214, %mul3A_215 : i32
      %add3A_217 = arith.constant 0 : i32
      %add3A_218 = arith.addi %mul3A_216, %add3A_217 : i32
      %dma_wait3A_219 = arith.constant 128 : i32
      %dma_wait3A_220 = arith.constant 0 : i32
      %dma_wait3A_221 = tpu.memref_slice %arg6[%dma_wait3A_219, %dma_wait3A_220] : memref<256x64xf32, #tpu.memory_space<vmem>> -> memref<64x64xf32, #tpu.memory_space<vmem>>
      %dma_wait3A_222 = arith.constant 0 : i32
      %dma_wait3A_223 = tpu.memref_slice %arg5[%add3A_218, %dma_wait3A_222] : memref<100x64xi32, #tpu.memory_space<vmem>> -> memref<1x64xi32, #tpu.memory_space<vmem>>
      %dma_wait3A_224 = tpu.memref_squeeze %dma_wait3A_223 : memref<1x64xi32, #tpu.memory_space<vmem>> -> memref<64xi32, #tpu.memory_space<vmem>>
      %dma_wait3A_225 = arith.constant 0 : i32
      %dma_wait3A_226 = arith.constant 0 : i32
      %dma_wait3A_227 = tpu.memref_slice %arg2[%dma_wait3A_225, %dma_wait3A_226] : memref<1000000x64xf32, #tpu.memory_space<hbm>> -> memref<1000000x64xf32, #tpu.memory_space<hbm>>
      tpu.wait_indirect_dma semaphore(%arg10 : memref<!tpu.dma_semaphore, #tpu.memory_space<semaphore_mem>>) src(%dma_wait3A_227 : memref<1000000x64xf32, #tpu.memory_space<hbm>>) dst(%dma_wait3A_221 : memref<64x64xf32, #tpu.memory_space<vmem>>)
      %mul3A_228 = arith.constant 2 : i32
      %mul3A_229 = arith.muli %mul3A_174, %mul3A_228 : i32
      %add3A_230 = arith.constant 1 : i32
      %add3A_231 = arith.addi %mul3A_229, %add3A_230 : i32
      %mul3A_232 = arith.constant 2 : i32
      %mul3A_233 = arith.muli %add3A_231, %mul3A_232 : i32
      %add3A_234 = arith.constant 1 : i32
      %add3A_235 = arith.addi %mul3A_233, %add3A_234 : i32
      %dma_wait3A_236 = arith.constant 192 : i32
      %dma_wait3A_237 = arith.constant 0 : i32
      %dma_wait3A_238 = tpu.memref_slice %arg6[%dma_wait3A_236, %dma_wait3A_237] : memref<256x64xf32, #tpu.memory_space<vmem>> -> memref<64x64xf32, #tpu.memory_space<vmem>>
      %dma_wait3A_239 = arith.constant 0 : i32
      %dma_wait3A_240 = tpu.memref_slice %arg5[%add3A_235, %dma_wait3A_239] : memref<100x64xi32, #tpu.memory_space<vmem>> -> memref<1x64xi32, #tpu.memory_space<vmem>>
      %dma_wait3A_241 = tpu.memref_squeeze %dma_wait3A_240 : memref<1x64xi32, #tpu.memory_space<vmem>> -> memref<64xi32, #tpu.memory_space<vmem>>
      %dma_wait3A_242 = arith.constant 0 : i32
      %dma_wait3A_243 = arith.constant 0 : i32
      %dma_wait3A_244 = tpu.memref_slice %arg2[%dma_wait3A_242, %dma_wait3A_243] : memref<1000000x64xf32, #tpu.memory_space<hbm>> -> memref<1000000x64xf32, #tpu.memory_space<hbm>>
      tpu.wait_indirect_dma semaphore(%arg10 : memref<!tpu.dma_semaphore, #tpu.memory_space<semaphore_mem>>) src(%dma_wait3A_244 : memref<1000000x64xf32, #tpu.memory_space<hbm>>) dst(%dma_wait3A_238 : memref<64x64xf32, #tpu.memory_space<vmem>>)
      %gt3A = arith.constant 0 : i32
      %gt3A_245 = arith.cmpi sgt, %scan3A_172, %gt3A : i32
      %convert_element_type3A = arith.extui %gt3A_245 : i1 to i32
      %cond3A = arith.constant 0 : i32
      %cond3A_246 = arith.cmpi ne, %convert_element_type3A, %cond3A : i32
      scf.if %cond3A_246 {
        %sub3A = arith.constant 2 : i32
        %sub3A_314 = arith.subi %mul3A_174, %sub3A : i32
        %mul3A_315 = arith.constant 2 : i32
        %mul3A_316 = arith.muli %sub3A_314, %mul3A_315 : i32
        %add3A_317 = arith.constant 0 : i32
        %add3A_318 = arith.addi %mul3A_316, %add3A_317 : i32
        %dma_wait3A_319 = arith.constant 0 : i32
        %dma_wait3A_320 = arith.constant 0 : i32
        %dma_wait3A_321 = arith.constant 0 : i32
        %dma_wait3A_322 = arith.constant 0 : i32
        %dma_wait3A_323 = tpu.memref_slice %arg8[%dma_wait3A_319, %dma_wait3A_320, %dma_wait3A_321, %dma_wait3A_322] : memref<2x8x8x128xf32, #tpu.memory_space<vmem>> -> memref<1x8x8x128xf32, #tpu.memory_space<vmem>>
        %dma_wait3A_324 = tpu.memref_squeeze %dma_wait3A_323 : memref<1x8x8x128xf32, #tpu.memory_space<vmem>> -> memref<8x8x128xf32, #tpu.memory_space<vmem>>
        %dma_wait3A_325 = arith.constant 0 : i32
        %dma_wait3A_326 = arith.constant 0 : i32
        %dma_wait3A_327 = arith.constant 0 : i32
        %dma_wait3A_328 = tpu.memref_slice %arg4[%add3A_318, %dma_wait3A_325, %add3A, %dma_wait3A_326, %dma_wait3A_327] : memref<50x8x32x8x128xf32, #tpu.memory_space<hbm>> -> memref<1x8x1x8x128xf32, #tpu.memory_space<hbm>>
        %dma_wait3A_329 = tpu.memref_squeeze %dma_wait3A_328 : memref<1x8x1x8x128xf32, #tpu.memory_space<hbm>> -> memref<8x8x128xf32, #tpu.memory_space<hbm>>
        %dma_wait3A_330 = arith.constant 0 : i32
        %dma_wait3A_331 = arith.constant 0 : i32
        %dma_wait3A_332 = arith.constant 0 : i32
        %dma_wait3A_333 = tpu.memref_slice %arg4[%add3A_318, %dma_wait3A_330, %add3A, %dma_wait3A_331, %dma_wait3A_332] : memref<50x8x32x8x128xf32, #tpu.memory_space<hbm>> -> memref<1x8x1x8x128xf32, #tpu.memory_space<hbm>>
        %dma_wait3A_334 = tpu.memref_squeeze %dma_wait3A_333 : memref<1x8x1x8x128xf32, #tpu.memory_space<hbm>> -> memref<8x8x128xf32, #tpu.memory_space<hbm>>
        %dma_wait3A_335 = arith.constant 0 : i32
        %dma_wait3A_336 = arith.constant 0 : i32
        %dma_wait3A_337 = arith.constant 0 : i32
        %dma_wait3A_338 = tpu.memref_slice %arg8[%dma_wait3A_319, %dma_wait3A_335, %dma_wait3A_336, %dma_wait3A_337] : memref<2x8x8x128xf32, #tpu.memory_space<vmem>> -> memref<1x8x8x128xf32, #tpu.memory_space<vmem>>
        %dma_wait3A_339 = tpu.memref_squeeze %dma_wait3A_338 : memref<1x8x8x128xf32, #tpu.memory_space<vmem>> -> memref<8x8x128xf32, #tpu.memory_space<vmem>>
        tpu.wait_dma2 semaphore(%arg12 : memref<!tpu.dma_semaphore, #tpu.memory_space<semaphore_mem>>) src(%dma_wait3A_339 : memref<8x8x128xf32, #tpu.memory_space<vmem>>) dst(%dma_wait3A_334 : memref<8x8x128xf32, #tpu.memory_space<hbm>>)
        %mul3A_340 = arith.constant 2 : i32
        %mul3A_341 = arith.muli %sub3A_314, %mul3A_340 : i32
        %add3A_342 = arith.constant 1 : i32
        %add3A_343 = arith.addi %mul3A_341, %add3A_342 : i32
        %dma_wait3A_344 = arith.constant 1 : i32
        %dma_wait3A_345 = arith.constant 0 : i32
        %dma_wait3A_346 = arith.constant 0 : i32
        %dma_wait3A_347 = arith.constant 0 : i32
        %dma_wait3A_348 = tpu.memref_slice %arg8[%dma_wait3A_344, %dma_wait3A_345, %dma_wait3A_346, %dma_wait3A_347] : memref<2x8x8x128xf32, #tpu.memory_space<vmem>> -> memref<1x8x8x128xf32, #tpu.memory_space<vmem>>
        %dma_wait3A_349 = tpu.memref_squeeze %dma_wait3A_348 : memref<1x8x8x128xf32, #tpu.memory_space<vmem>> -> memref<8x8x128xf32, #tpu.memory_space<vmem>>
        %dma_wait3A_350 = arith.constant 0 : i32
        %dma_wait3A_351 = arith.constant 0 : i32
        %dma_wait3A_352 = arith.constant 0 : i32
        %dma_wait3A_353 = tpu.memref_slice %arg4[%add3A_343, %dma_wait3A_350, %add3A, %dma_wait3A_351, %dma_wait3A_352] : memref<50x8x32x8x128xf32, #tpu.memory_space<hbm>> -> memref<1x8x1x8x128xf32, #tpu.memory_space<hbm>>
        %dma_wait3A_354 = tpu.memref_squeeze %dma_wait3A_353 : memref<1x8x1x8x128xf32, #tpu.memory_space<hbm>> -> memref<8x8x128xf32, #tpu.memory_space<hbm>>
        %dma_wait3A_355 = arith.constant 0 : i32
        %dma_wait3A_356 = arith.constant 0 : i32
        %dma_wait3A_357 = arith.constant 0 : i32
        %dma_wait3A_358 = tpu.memref_slice %arg4[%add3A_343, %dma_wait3A_355, %add3A, %dma_wait3A_356, %dma_wait3A_357] : memref<50x8x32x8x128xf32, #tpu.memory_space<hbm>> -> memref<1x8x1x8x128xf32, #tpu.memory_space<hbm>>
        %dma_wait3A_359 = tpu.memref_squeeze %dma_wait3A_358 : memref<1x8x1x8x128xf32, #tpu.memory_space<hbm>> -> memref<8x8x128xf32, #tpu.memory_space<hbm>>
        %dma_wait3A_360 = arith.constant 0 : i32
        %dma_wait3A_361 = arith.constant 0 : i32
        %dma_wait3A_362 = arith.constant 0 : i32
        %dma_wait3A_363 = tpu.memref_slice %arg8[%dma_wait3A_344, %dma_wait3A_360, %dma_wait3A_361, %dma_wait3A_362] : memref<2x8x8x128xf32, #tpu.memory_space<vmem>> -> memref<1x8x8x128xf32, #tpu.memory_space<vmem>>
        %dma_wait3A_364 = tpu.memref_squeeze %dma_wait3A_363 : memref<1x8x8x128xf32, #tpu.memory_space<vmem>> -> memref<8x8x128xf32, #tpu.memory_space<vmem>>
        tpu.wait_dma2 semaphore(%arg12 : memref<!tpu.dma_semaphore, #tpu.memory_space<semaphore_mem>>) src(%dma_wait3A_364 : memref<8x8x128xf32, #tpu.memory_space<vmem>>) dst(%dma_wait3A_359 : memref<8x8x128xf32, #tpu.memory_space<hbm>>)
      } else {
      }
      %scan3A_247 = arith.constant 0 : i32
      %scan3A_248 = arith.constant 0 : i32
      %scan3A_249 = arith.constant 64 : i32
      %scan3A_250 = arith.addi %scan3A_248, %scan3A_249 : i32
      %scan3A_251 = arith.constant 4 : i32
      scf.for %scan3A_314 = %scan3A_248 to %scan3A_250 step %scan3A_251  : i32 {
        %add3A_315 = vector.broadcast %scan3A_314 : i32 to vector<16xi32>
        %add3A_316 = arith.addi %iota3A, %add3A_315 : vector<16xi32>
        %and3A = arith.constant 63 : i32
        %and3A_317 = vector.broadcast %and3A : i32 to vector<16xi32>
        %and3A_318 = arith.andi %add3A_316, %and3A_317 : vector<16xi32>
        %shift_right_arithmetic3A = arith.constant 3 : i32
        %shift_right_arithmetic3A_319 = vector.broadcast %shift_right_arithmetic3A : i32 to vector<16xi32>
        %shift_right_arithmetic3A_320 = arith.shrsi %and3A_318, %shift_right_arithmetic3A_319 : vector<16xi32>
        %and3A_321 = arith.constant 7 : i32
        %and3A_322 = vector.broadcast %and3A_321 : i32 to vector<16xi32>
        %and3A_323 = arith.andi %and3A_318, %and3A_322 : vector<16xi32>
        %broadcast_in_dim3A = arith.constant 0 : i32
        %broadcast_in_dim3A_324 = vector.broadcast %broadcast_in_dim3A : i32 to vector<16xi32>
        %add3A_325 = arith.constant 0 : i32
        %add3A_326 = vector.broadcast %add3A_325 : i32 to vector<16xi32>
        %add3A_327 = arith.addi %add3A_326, %iota3A : vector<16xi32>
        %gather3A = tpu.vector_load_idx %arg6[%add3A_327, %and3A_318] : memref<256x64xf32, #tpu.memory_space<vmem>>[vector<16xi32>, vector<16xi32>], vector<16xf32>,
        %add3A_328 = arith.constant 0 : i32
        %add3A_329 = vector.broadcast %add3A_328 : i32 to vector<16xi32>
        %add3A_330 = arith.addi %add3A_329, %iota3A : vector<16xi32>
        tpu.vector_store_idx %arg8[%broadcast_in_dim3A_324, %shift_right_arithmetic3A_320, %and3A_323, %add3A_330], %gather3A : memref<2x8x8x128xf32, #tpu.memory_space<vmem>>[vector<16xi32>, vector<16xi32>, vector<16xi32>, vector<16xi32>], vector<16xf32>,
        %add3A_331 = arith.constant 16 : i32
        %add3A_332 = vector.broadcast %add3A_331 : i32 to vector<16xi32>
        %add3A_333 = arith.addi %add3A_332, %iota3A : vector<16xi32>
        %gather3A_334 = tpu.vector_load_idx %arg6[%add3A_333, %and3A_318] : memref<256x64xf32, #tpu.memory_space<vmem>>[vector<16xi32>, vector<16xi32>], vector<16xf32>,
        %add3A_335 = arith.constant 16 : i32
        %add3A_336 = vector.broadcast %add3A_335 : i32 to vector<16xi32>
        %add3A_337 = arith.addi %add3A_336, %iota3A : vector<16xi32>
        tpu.vector_store_idx %arg8[%broadcast_in_dim3A_324, %shift_right_arithmetic3A_320, %and3A_323, %add3A_337], %gather3A_334 : memref<2x8x8x128xf32, #tpu.memory_space<vmem>>[vector<16xi32>, vector<16xi32>, vector<16xi32>, vector<16xi32>], vector<16xf32>,
        %add3A_338 = arith.constant 32 : i32
        %add3A_339 = vector.broadcast %add3A_338 : i32 to vector<16xi32>
        %add3A_340 = arith.addi %add3A_339, %iota3A : vector<16xi32>
        %gather3A_341 = tpu.vector_load_idx %arg6[%add3A_340, %and3A_318] : memref<256x64xf32, #tpu.memory_space<vmem>>[vector<16xi32>, vector<16xi32>], vector<16xf32>,
        %add3A_342 = arith.constant 32 : i32
        %add3A_343 = vector.broadcast %add3A_342 : i32 to vector<16xi32>
        %add3A_344 = arith.addi %add3A_343, %iota3A : vector<16xi32>
        tpu.vector_store_idx %arg8[%broadcast_in_dim3A_324, %shift_right_arithmetic3A_320, %and3A_323, %add3A_344], %gather3A_341 : memref<2x8x8x128xf32, #tpu.memory_space<vmem>>[vector<16xi32>, vector<16xi32>, vector<16xi32>, vector<16xi32>], vector<16xf32>,
        %add3A_345 = arith.constant 48 : i32
        %add3A_346 = vector.broadcast %add3A_345 : i32 to vector<16xi32>
        %add3A_347 = arith.addi %add3A_346, %iota3A : vector<16xi32>
        %gather3A_348 = tpu.vector_load_idx %arg6[%add3A_347, %and3A_318] : memref<256x64xf32, #tpu.memory_space<vmem>>[vector<16xi32>, vector<16xi32>], vector<16xf32>,
        %add3A_349 = arith.constant 48 : i32
        %add3A_350 = vector.broadcast %add3A_349 : i32 to vector<16xi32>
        %add3A_351 = arith.addi %add3A_350, %iota3A : vector<16xi32>
        tpu.vector_store_idx %arg8[%broadcast_in_dim3A_324, %shift_right_arithmetic3A_320, %and3A_323, %add3A_351], %gather3A_348 : memref<2x8x8x128xf32, #tpu.memory_space<vmem>>[vector<16xi32>, vector<16xi32>, vector<16xi32>, vector<16xi32>], vector<16xf32>,
        %add3A_352 = arith.constant 64 : i32
        %add3A_353 = vector.broadcast %add3A_352 : i32 to vector<16xi32>
        %add3A_354 = arith.addi %add3A_353, %iota3A : vector<16xi32>
        %gather3A_355 = tpu.vector_load_idx %arg6[%add3A_354, %and3A_318] : memref<256x64xf32, #tpu.memory_space<vmem>>[vector<16xi32>, vector<16xi32>], vector<16xf32>,
        %add3A_356 = arith.constant 64 : i32
        %add3A_357 = vector.broadcast %add3A_356 : i32 to vector<16xi32>
        %add3A_358 = arith.addi %add3A_357, %iota3A : vector<16xi32>
        tpu.vector_store_idx %arg8[%broadcast_in_dim3A_324, %shift_right_arithmetic3A_320, %and3A_323, %add3A_358], %gather3A_355 : memref<2x8x8x128xf32, #tpu.memory_space<vmem>>[vector<16xi32>, vector<16xi32>, vector<16xi32>, vector<16xi32>], vector<16xf32>,
        %add3A_359 = arith.constant 80 : i32
        %add3A_360 = vector.broadcast %add3A_359 : i32 to vector<16xi32>
        %add3A_361 = arith.addi %add3A_360, %iota3A : vector<16xi32>
        %gather3A_362 = tpu.vector_load_idx %arg6[%add3A_361, %and3A_318] : memref<256x64xf32, #tpu.memory_space<vmem>>[vector<16xi32>, vector<16xi32>], vector<16xf32>,
        %add3A_363 = arith.constant 80 : i32
        %add3A_364 = vector.broadcast %add3A_363 : i32 to vector<16xi32>
        %add3A_365 = arith.addi %add3A_364, %iota3A : vector<16xi32>
        tpu.vector_store_idx %arg8[%broadcast_in_dim3A_324, %shift_right_arithmetic3A_320, %and3A_323, %add3A_365], %gather3A_362 : memref<2x8x8x128xf32, #tpu.memory_space<vmem>>[vector<16xi32>, vector<16xi32>, vector<16xi32>, vector<16xi32>], vector<16xf32>,
        %add3A_366 = arith.constant 96 : i32
        %add3A_367 = vector.broadcast %add3A_366 : i32 to vector<16xi32>
        %add3A_368 = arith.addi %add3A_367, %iota3A : vector<16xi32>
        %gather3A_369 = tpu.vector_load_idx %arg6[%add3A_368, %and3A_318] : memref<256x64xf32, #tpu.memory_space<vmem>>[vector<16xi32>, vector<16xi32>], vector<16xf32>,
        %add3A_370 = arith.constant 96 : i32
        %add3A_371 = vector.broadcast %add3A_370 : i32 to vector<16xi32>
        %add3A_372 = arith.addi %add3A_371, %iota3A : vector<16xi32>
        tpu.vector_store_idx %arg8[%broadcast_in_dim3A_324, %shift_right_arithmetic3A_320, %and3A_323, %add3A_372], %gather3A_369 : memref<2x8x8x128xf32, #tpu.memory_space<vmem>>[vector<16xi32>, vector<16xi32>, vector<16xi32>, vector<16xi32>], vector<16xf32>,
        %add3A_373 = arith.constant 112 : i32
        %add3A_374 = vector.broadcast %add3A_373 : i32 to vector<16xi32>
        %add3A_375 = arith.addi %add3A_374, %iota3A : vector<16xi32>
        %gather3A_376 = tpu.vector_load_idx %arg6[%add3A_375, %and3A_318] : memref<256x64xf32, #tpu.memory_space<vmem>>[vector<16xi32>, vector<16xi32>], vector<16xf32>,
        %add3A_377 = arith.constant 112 : i32
        %add3A_378 = vector.broadcast %add3A_377 : i32 to vector<16xi32>
        %add3A_379 = arith.addi %add3A_378, %iota3A : vector<16xi32>
        tpu.vector_store_idx %arg8[%broadcast_in_dim3A_324, %shift_right_arithmetic3A_320, %and3A_323, %add3A_379], %gather3A_376 : memref<2x8x8x128xf32, #tpu.memory_space<vmem>>[vector<16xi32>, vector<16xi32>, vector<16xi32>, vector<16xi32>], vector<16xf32>,
        %broadcast_in_dim3A_380 = arith.constant 1 : i32
        %broadcast_in_dim3A_381 = vector.broadcast %broadcast_in_dim3A_380 : i32 to vector<16xi32>
        %add3A_382 = arith.constant 128 : i32
        %add3A_383 = vector.broadcast %add3A_382 : i32 to vector<16xi32>
        %add3A_384 = arith.addi %add3A_383, %iota3A : vector<16xi32>
        %gather3A_385 = tpu.vector_load_idx %arg6[%add3A_384, %and3A_318] : memref<256x64xf32, #tpu.memory_space<vmem>>[vector<16xi32>, vector<16xi32>], vector<16xf32>,
        %add3A_386 = arith.constant 0 : i32
        %add3A_387 = vector.broadcast %add3A_386 : i32 to vector<16xi32>
        %add3A_388 = arith.addi %add3A_387, %iota3A : vector<16xi32>
        tpu.vector_store_idx %arg8[%broadcast_in_dim3A_381, %shift_right_arithmetic3A_320, %and3A_323, %add3A_388], %gather3A_385 : memref<2x8x8x128xf32, #tpu.memory_space<vmem>>[vector<16xi32>, vector<16xi32>, vector<16xi32>, vector<16xi32>], vector<16xf32>,
        %add3A_389 = arith.constant 144 : i32
        %add3A_390 = vector.broadcast %add3A_389 : i32 to vector<16xi32>
        %add3A_391 = arith.addi %add3A_390, %iota3A : vector<16xi32>
        %gather3A_392 = tpu.vector_load_idx %arg6[%add3A_391, %and3A_318] : memref<256x64xf32, #tpu.memory_space<vmem>>[vector<16xi32>, vector<16xi32>], vector<16xf32>,
        %add3A_393 = arith.constant 16 : i32
        %add3A_394 = vector.broadcast %add3A_393 : i32 to vector<16xi32>
        %add3A_395 = arith.addi %add3A_394, %iota3A : vector<16xi32>
        tpu.vector_store_idx %arg8[%broadcast_in_dim3A_381, %shift_right_arithmetic3A_320, %and3A_323, %add3A_395], %gather3A_392 : memref<2x8x8x128xf32, #tpu.memory_space<vmem>>[vector<16xi32>, vector<16xi32>, vector<16xi32>, vector<16xi32>], vector<16xf32>,
        %add3A_396 = arith.constant 160 : i32
        %add3A_397 = vector.broadcast %add3A_396 : i32 to vector<16xi32>
        %add3A_398 = arith.addi %add3A_397, %iota3A : vector<16xi32>
        %gather3A_399 = tpu.vector_load_idx %arg6[%add3A_398, %and3A_318] : memref<256x64xf32, #tpu.memory_space<vmem>>[vector<16xi32>, vector<16xi32>], vector<16xf32>,
        %add3A_400 = arith.constant 32 : i32
        %add3A_401 = vector.broadcast %add3A_400 : i32 to vector<16xi32>
        %add3A_402 = arith.addi %add3A_401, %iota3A : vector<16xi32>
        tpu.vector_store_idx %arg8[%broadcast_in_dim3A_381, %shift_right_arithmetic3A_320, %and3A_323, %add3A_402], %gather3A_399 : memref<2x8x8x128xf32, #tpu.memory_space<vmem>>[vector<16xi32>, vector<16xi32>, vector<16xi32>, vector<16xi32>], vector<16xf32>,
        %add3A_403 = arith.constant 176 : i32
        %add3A_404 = vector.broadcast %add3A_403 : i32 to vector<16xi32>
        %add3A_405 = arith.addi %add3A_404, %iota3A : vector<16xi32>
        %gather3A_406 = tpu.vector_load_idx %arg6[%add3A_405, %and3A_318] : memref<256x64xf32, #tpu.memory_space<vmem>>[vector<16xi32>, vector<16xi32>], vector<16xf32>,
        %add3A_407 = arith.constant 48 : i32
        %add3A_408 = vector.broadcast %add3A_407 : i32 to vector<16xi32>
        %add3A_409 = arith.addi %add3A_408, %iota3A : vector<16xi32>
        tpu.vector_store_idx %arg8[%broadcast_in_dim3A_381, %shift_right_arithmetic3A_320, %and3A_323, %add3A_409], %gather3A_406 : memref<2x8x8x128xf32, #tpu.memory_space<vmem>>[vector<16xi32>, vector<16xi32>, vector<16xi32>, vector<16xi32>], vector<16xf32>,
        %add3A_410 = arith.constant 192 : i32
        %add3A_411 = vector.broadcast %add3A_410 : i32 to vector<16xi32>
        %add3A_412 = arith.addi %add3A_411, %iota3A : vector<16xi32>
        %gather3A_413 = tpu.vector_load_idx %arg6[%add3A_412, %and3A_318] : memref<256x64xf32, #tpu.memory_space<vmem>>[vector<16xi32>, vector<16xi32>], vector<16xf32>,
        %add3A_414 = arith.constant 64 : i32
        %add3A_415 = vector.broadcast %add3A_414 : i32 to vector<16xi32>
        %add3A_416 = arith.addi %add3A_415, %iota3A : vector<16xi32>
        tpu.vector_store_idx %arg8[%broadcast_in_dim3A_381, %shift_right_arithmetic3A_320, %and3A_323, %add3A_416], %gather3A_413 : memref<2x8x8x128xf32, #tpu.memory_space<vmem>>[vector<16xi32>, vector<16xi32>, vector<16xi32>, vector<16xi32>], vector<16xf32>,
        %add3A_417 = arith.constant 208 : i32
        %add3A_418 = vector.broadcast %add3A_417 : i32 to vector<16xi32>
        %add3A_419 = arith.addi %add3A_418, %iota3A : vector<16xi32>
        %gather3A_420 = tpu.vector_load_idx %arg6[%add3A_419, %and3A_318] : memref<256x64xf32, #tpu.memory_space<vmem>>[vector<16xi32>, vector<16xi32>], vector<16xf32>,
        %add3A_421 = arith.constant 80 : i32
        %add3A_422 = vector.broadcast %add3A_421 : i32 to vector<16xi32>
        %add3A_423 = arith.addi %add3A_422, %iota3A : vector<16xi32>
        tpu.vector_store_idx %arg8[%broadcast_in_dim3A_381, %shift_right_arithmetic3A_320, %and3A_323, %add3A_423], %gather3A_420 : memref<2x8x8x128xf32, #tpu.memory_space<vmem>>[vector<16xi32>, vector<16xi32>, vector<16xi32>, vector<16xi32>], vector<16xf32>,
        %add3A_424 = arith.constant 224 : i32
        %add3A_425 = vector.broadcast %add3A_424 : i32 to vector<16xi32>
        %add3A_426 = arith.addi %add3A_425, %iota3A : vector<16xi32>
        %gather3A_427 = tpu.vector_load_idx %arg6[%add3A_426, %and3A_318] : memref<256x64xf32, #tpu.memory_space<vmem>>[vector<16xi32>, vector<16xi32>], vector<16xf32>,
        %add3A_428 = arith.constant 96 : i32
        %add3A_429 = vector.broadcast %add3A_428 : i32 to vector<16xi32>
        %add3A_430 = arith.addi %add3A_429, %iota3A : vector<16xi32>
        tpu.vector_store_idx %arg8[%broadcast_in_dim3A_381, %shift_right_arithmetic3A_320, %and3A_323, %add3A_430], %gather3A_427 : memref<2x8x8x128xf32, #tpu.memory_space<vmem>>[vector<16xi32>, vector<16xi32>, vector<16xi32>, vector<16xi32>], vector<16xf32>,
        %add3A_431 = arith.constant 240 : i32
        %add3A_432 = vector.broadcast %add3A_431 : i32 to vector<16xi32>
        %add3A_433 = arith.addi %add3A_432, %iota3A : vector<16xi32>
        %gather3A_434 = tpu.vector_load_idx %arg6[%add3A_433, %and3A_318] : memref<256x64xf32, #tpu.memory_space<vmem>>[vector<16xi32>, vector<16xi32>], vector<16xf32>,
        %add3A_435 = arith.constant 112 : i32
        %add3A_436 = vector.broadcast %add3A_435 : i32 to vector<16xi32>
        %add3A_437 = arith.addi %add3A_436, %iota3A : vector<16xi32>
        tpu.vector_store_idx %arg8[%broadcast_in_dim3A_381, %shift_right_arithmetic3A_320, %and3A_323, %add3A_437], %gather3A_434 : memref<2x8x8x128xf32, #tpu.memory_space<vmem>>[vector<16xi32>, vector<16xi32>, vector<16xi32>, vector<16xi32>], vector<16xf32>,
        %scan3A_438 = arith.constant 1 : i32
        %scan3A_439 = arith.addi %scan3A_314, %scan3A_438 : i32
        %add3A_440 = vector.broadcast %scan3A_439 : i32 to vector<16xi32>
        %add3A_441 = arith.addi %iota3A, %add3A_440 : vector<16xi32>
        %and3A_442 = arith.constant 63 : i32
        %and3A_443 = vector.broadcast %and3A_442 : i32 to vector<16xi32>
        %and3A_444 = arith.andi %add3A_441, %and3A_443 : vector<16xi32>
        %shift_right_arithmetic3A_445 = arith.constant 3 : i32
        %shift_right_arithmetic3A_446 = vector.broadcast %shift_right_arithmetic3A_445 : i32 to vector<16xi32>
        %shift_right_arithmetic3A_447 = arith.shrsi %and3A_444, %shift_right_arithmetic3A_446 : vector<16xi32>
        %and3A_448 = arith.constant 7 : i32
        %and3A_449 = vector.broadcast %and3A_448 : i32 to vector<16xi32>
        %and3A_450 = arith.andi %and3A_444, %and3A_449 : vector<16xi32>
        %broadcast_in_dim3A_451 = arith.constant 0 : i32
        %broadcast_in_dim3A_452 = vector.broadcast %broadcast_in_dim3A_451 : i32 to vector<16xi32>
        %add3A_453 = arith.constant 0 : i32
        %add3A_454 = vector.broadcast %add3A_453 : i32 to vector<16xi32>
        %add3A_455 = arith.addi %add3A_454, %iota3A : vector<16xi32>
        %gather3A_456 = tpu.vector_load_idx %arg6[%add3A_455, %and3A_444] : memref<256x64xf32, #tpu.memory_space<vmem>>[vector<16xi32>, vector<16xi32>], vector<16xf32>,
        %add3A_457 = arith.constant 0 : i32
        %add3A_458 = vector.broadcast %add3A_457 : i32 to vector<16xi32>
        %add3A_459 = arith.addi %add3A_458, %iota3A : vector<16xi32>
        tpu.vector_store_idx %arg8[%broadcast_in_dim3A_452, %shift_right_arithmetic3A_447, %and3A_450, %add3A_459], %gather3A_456 : memref<2x8x8x128xf32, #tpu.memory_space<vmem>>[vector<16xi32>, vector<16xi32>, vector<16xi32>, vector<16xi32>], vector<16xf32>,
        %add3A_460 = arith.constant 16 : i32
        %add3A_461 = vector.broadcast %add3A_460 : i32 to vector<16xi32>
        %add3A_462 = arith.addi %add3A_461, %iota3A : vector<16xi32>
        %gather3A_463 = tpu.vector_load_idx %arg6[%add3A_462, %and3A_444] : memref<256x64xf32, #tpu.memory_space<vmem>>[vector<16xi32>, vector<16xi32>], vector<16xf32>,
        %add3A_464 = arith.constant 16 : i32
        %add3A_465 = vector.broadcast %add3A_464 : i32 to vector<16xi32>
        %add3A_466 = arith.addi %add3A_465, %iota3A : vector<16xi32>
        tpu.vector_store_idx %arg8[%broadcast_in_dim3A_452, %shift_right_arithmetic3A_447, %and3A_450, %add3A_466], %gather3A_463 : memref<2x8x8x128xf32, #tpu.memory_space<vmem>>[vector<16xi32>, vector<16xi32>, vector<16xi32>, vector<16xi32>], vector<16xf32>,
        %add3A_467 = arith.constant 32 : i32
        %add3A_468 = vector.broadcast %add3A_467 : i32 to vector<16xi32>
        %add3A_469 = arith.addi %add3A_468, %iota3A : vector<16xi32>
        %gather3A_470 = tpu.vector_load_idx %arg6[%add3A_469, %and3A_444] : memref<256x64xf32, #tpu.memory_space<vmem>>[vector<16xi32>, vector<16xi32>], vector<16xf32>,
        %add3A_471 = arith.constant 32 : i32
        %add3A_472 = vector.broadcast %add3A_471 : i32 to vector<16xi32>
        %add3A_473 = arith.addi %add3A_472, %iota3A : vector<16xi32>
        tpu.vector_store_idx %arg8[%broadcast_in_dim3A_452, %shift_right_arithmetic3A_447, %and3A_450, %add3A_473], %gather3A_470 : memref<2x8x8x128xf32, #tpu.memory_space<vmem>>[vector<16xi32>, vector<16xi32>, vector<16xi32>, vector<16xi32>], vector<16xf32>,
        %add3A_474 = arith.constant 48 : i32
        %add3A_475 = vector.broadcast %add3A_474 : i32 to vector<16xi32>
        %add3A_476 = arith.addi %add3A_475, %iota3A : vector<16xi32>
        %gather3A_477 = tpu.vector_load_idx %arg6[%add3A_476, %and3A_444] : memref<256x64xf32, #tpu.memory_space<vmem>>[vector<16xi32>, vector<16xi32>], vector<16xf32>,
        %add3A_478 = arith.constant 48 : i32
        %add3A_479 = vector.broadcast %add3A_478 : i32 to vector<16xi32>
        %add3A_480 = arith.addi %add3A_479, %iota3A : vector<16xi32>
        tpu.vector_store_idx %arg8[%broadcast_in_dim3A_452, %shift_right_arithmetic3A_447, %and3A_450, %add3A_480], %gather3A_477 : memref<2x8x8x128xf32, #tpu.memory_space<vmem>>[vector<16xi32>, vector<16xi32>, vector<16xi32>, vector<16xi32>], vector<16xf32>,
        %add3A_481 = arith.constant 64 : i32
        %add3A_482 = vector.broadcast %add3A_481 : i32 to vector<16xi32>
        %add3A_483 = arith.addi %add3A_482, %iota3A : vector<16xi32>
        %gather3A_484 = tpu.vector_load_idx %arg6[%add3A_483, %and3A_444] : memref<256x64xf32, #tpu.memory_space<vmem>>[vector<16xi32>, vector<16xi32>], vector<16xf32>,
        %add3A_485 = arith.constant 64 : i32
        %add3A_486 = vector.broadcast %add3A_485 : i32 to vector<16xi32>
        %add3A_487 = arith.addi %add3A_486, %iota3A : vector<16xi32>
        tpu.vector_store_idx %arg8[%broadcast_in_dim3A_452, %shift_right_arithmetic3A_447, %and3A_450, %add3A_487], %gather3A_484 : memref<2x8x8x128xf32, #tpu.memory_space<vmem>>[vector<16xi32>, vector<16xi32>, vector<16xi32>, vector<16xi32>], vector<16xf32>,
        %add3A_488 = arith.constant 80 : i32
        %add3A_489 = vector.broadcast %add3A_488 : i32 to vector<16xi32>
        %add3A_490 = arith.addi %add3A_489, %iota3A : vector<16xi32>
        %gather3A_491 = tpu.vector_load_idx %arg6[%add3A_490, %and3A_444] : memref<256x64xf32, #tpu.memory_space<vmem>>[vector<16xi32>, vector<16xi32>], vector<16xf32>,
        %add3A_492 = arith.constant 80 : i32
        %add3A_493 = vector.broadcast %add3A_492 : i32 to vector<16xi32>
        %add3A_494 = arith.addi %add3A_493, %iota3A : vector<16xi32>
        tpu.vector_store_idx %arg8[%broadcast_in_dim3A_452, %shift_right_arithmetic3A_447, %and3A_450, %add3A_494], %gather3A_491 : memref<2x8x8x128xf32, #tpu.memory_space<vmem>>[vector<16xi32>, vector<16xi32>, vector<16xi32>, vector<16xi32>], vector<16xf32>,
        %add3A_495 = arith.constant 96 : i32
        %add3A_496 = vector.broadcast %add3A_495 : i32 to vector<16xi32>
        %add3A_497 = arith.addi %add3A_496, %iota3A : vector<16xi32>
        %gather3A_498 = tpu.vector_load_idx %arg6[%add3A_497, %and3A_444] : memref<256x64xf32, #tpu.memory_space<vmem>>[vector<16xi32>, vector<16xi32>], vector<16xf32>,
        %add3A_499 = arith.constant 96 : i32
        %add3A_500 = vector.broadcast %add3A_499 : i32 to vector<16xi32>
        %add3A_501 = arith.addi %add3A_500, %iota3A : vector<16xi32>
        tpu.vector_store_idx %arg8[%broadcast_in_dim3A_452, %shift_right_arithmetic3A_447, %and3A_450, %add3A_501], %gather3A_498 : memref<2x8x8x128xf32, #tpu.memory_space<vmem>>[vector<16xi32>, vector<16xi32>, vector<16xi32>, vector<16xi32>], vector<16xf32>,
        %add3A_502 = arith.constant 112 : i32
        %add3A_503 = vector.broadcast %add3A_502 : i32 to vector<16xi32>
        %add3A_504 = arith.addi %add3A_503, %iota3A : vector<16xi32>
        %gather3A_505 = tpu.vector_load_idx %arg6[%add3A_504, %and3A_444] : memref<256x64xf32, #tpu.memory_space<vmem>>[vector<16xi32>, vector<16xi32>], vector<16xf32>,
        %add3A_506 = arith.constant 112 : i32
        %add3A_507 = vector.broadcast %add3A_506 : i32 to vector<16xi32>
        %add3A_508 = arith.addi %add3A_507, %iota3A : vector<16xi32>
        tpu.vector_store_idx %arg8[%broadcast_in_dim3A_452, %shift_right_arithmetic3A_447, %and3A_450, %add3A_508], %gather3A_505 : memref<2x8x8x128xf32, #tpu.memory_space<vmem>>[vector<16xi32>, vector<16xi32>, vector<16xi32>, vector<16xi32>], vector<16xf32>,
        %broadcast_in_dim3A_509 = arith.constant 1 : i32
        %broadcast_in_dim3A_510 = vector.broadcast %broadcast_in_dim3A_509 : i32 to vector<16xi32>
        %add3A_511 = arith.constant 128 : i32
        %add3A_512 = vector.broadcast %add3A_511 : i32 to vector<16xi32>
        %add3A_513 = arith.addi %add3A_512, %iota3A : vector<16xi32>
        %gather3A_514 = tpu.vector_load_idx %arg6[%add3A_513, %and3A_444] : memref<256x64xf32, #tpu.memory_space<vmem>>[vector<16xi32>, vector<16xi32>], vector<16xf32>,
        %add3A_515 = arith.constant 0 : i32
        %add3A_516 = vector.broadcast %add3A_515 : i32 to vector<16xi32>
        %add3A_517 = arith.addi %add3A_516, %iota3A : vector<16xi32>
        tpu.vector_store_idx %arg8[%broadcast_in_dim3A_510, %shift_right_arithmetic3A_447, %and3A_450, %add3A_517], %gather3A_514 : memref<2x8x8x128xf32, #tpu.memory_space<vmem>>[vector<16xi32>, vector<16xi32>, vector<16xi32>, vector<16xi32>], vector<16xf32>,
        %add3A_518 = arith.constant 144 : i32
        %add3A_519 = vector.broadcast %add3A_518 : i32 to vector<16xi32>
        %add3A_520 = arith.addi %add3A_519, %iota3A : vector<16xi32>
        %gather3A_521 = tpu.vector_load_idx %arg6[%add3A_520, %and3A_444] : memref<256x64xf32, #tpu.memory_space<vmem>>[vector<16xi32>, vector<16xi32>], vector<16xf32>,
        %add3A_522 = arith.constant 16 : i32
        %add3A_523 = vector.broadcast %add3A_522 : i32 to vector<16xi32>
        %add3A_524 = arith.addi %add3A_523, %iota3A : vector<16xi32>
        tpu.vector_store_idx %arg8[%broadcast_in_dim3A_510, %shift_right_arithmetic3A_447, %and3A_450, %add3A_524], %gather3A_521 : memref<2x8x8x128xf32, #tpu.memory_space<vmem>>[vector<16xi32>, vector<16xi32>, vector<16xi32>, vector<16xi32>], vector<16xf32>,
        %add3A_525 = arith.constant 160 : i32
        %add3A_526 = vector.broadcast %add3A_525 : i32 to vector<16xi32>
        %add3A_527 = arith.addi %add3A_526, %iota3A : vector<16xi32>
        %gather3A_528 = tpu.vector_load_idx %arg6[%add3A_527, %and3A_444] : memref<256x64xf32, #tpu.memory_space<vmem>>[vector<16xi32>, vector<16xi32>], vector<16xf32>,
        %add3A_529 = arith.constant 32 : i32
        %add3A_530 = vector.broadcast %add3A_529 : i32 to vector<16xi32>
        %add3A_531 = arith.addi %add3A_530, %iota3A : vector<16xi32>
        tpu.vector_store_idx %arg8[%broadcast_in_dim3A_510, %shift_right_arithmetic3A_447, %and3A_450, %add3A_531], %gather3A_528 : memref<2x8x8x128xf32, #tpu.memory_space<vmem>>[vector<16xi32>, vector<16xi32>, vector<16xi32>, vector<16xi32>], vector<16xf32>,
        %add3A_532 = arith.constant 176 : i32
        %add3A_533 = vector.broadcast %add3A_532 : i32 to vector<16xi32>
        %add3A_534 = arith.addi %add3A_533, %iota3A : vector<16xi32>
        %gather3A_535 = tpu.vector_load_idx %arg6[%add3A_534, %and3A_444] : memref<256x64xf32, #tpu.memory_space<vmem>>[vector<16xi32>, vector<16xi32>], vector<16xf32>,
        %add3A_536 = arith.constant 48 : i32
        %add3A_537 = vector.broadcast %add3A_536 : i32 to vector<16xi32>
        %add3A_538 = arith.addi %add3A_537, %iota3A : vector<16xi32>
        tpu.vector_store_idx %arg8[%broadcast_in_dim3A_510, %shift_right_arithmetic3A_447, %and3A_450, %add3A_538], %gather3A_535 : memref<2x8x8x128xf32, #tpu.memory_space<vmem>>[vector<16xi32>, vector<16xi32>, vector<16xi32>, vector<16xi32>], vector<16xf32>,
        %add3A_539 = arith.constant 192 : i32
        %add3A_540 = vector.broadcast %add3A_539 : i32 to vector<16xi32>
        %add3A_541 = arith.addi %add3A_540, %iota3A : vector<16xi32>
        %gather3A_542 = tpu.vector_load_idx %arg6[%add3A_541, %and3A_444] : memref<256x64xf32, #tpu.memory_space<vmem>>[vector<16xi32>, vector<16xi32>], vector<16xf32>,
        %add3A_543 = arith.constant 64 : i32
        %add3A_544 = vector.broadcast %add3A_543 : i32 to vector<16xi32>
        %add3A_545 = arith.addi %add3A_544, %iota3A : vector<16xi32>
        tpu.vector_store_idx %arg8[%broadcast_in_dim3A_510, %shift_right_arithmetic3A_447, %and3A_450, %add3A_545], %gather3A_542 : memref<2x8x8x128xf32, #tpu.memory_space<vmem>>[vector<16xi32>, vector<16xi32>, vector<16xi32>, vector<16xi32>], vector<16xf32>,
        %add3A_546 = arith.constant 208 : i32
        %add3A_547 = vector.broadcast %add3A_546 : i32 to vector<16xi32>
        %add3A_548 = arith.addi %add3A_547, %iota3A : vector<16xi32>
        %gather3A_549 = tpu.vector_load_idx %arg6[%add3A_548, %and3A_444] : memref<256x64xf32, #tpu.memory_space<vmem>>[vector<16xi32>, vector<16xi32>], vector<16xf32>,
        %add3A_550 = arith.constant 80 : i32
        %add3A_551 = vector.broadcast %add3A_550 : i32 to vector<16xi32>
        %add3A_552 = arith.addi %add3A_551, %iota3A : vector<16xi32>
        tpu.vector_store_idx %arg8[%broadcast_in_dim3A_510, %shift_right_arithmetic3A_447, %and3A_450, %add3A_552], %gather3A_549 : memref<2x8x8x128xf32, #tpu.memory_space<vmem>>[vector<16xi32>, vector<16xi32>, vector<16xi32>, vector<16xi32>], vector<16xf32>,
        %add3A_553 = arith.constant 224 : i32
        %add3A_554 = vector.broadcast %add3A_553 : i32 to vector<16xi32>
        %add3A_555 = arith.addi %add3A_554, %iota3A : vector<16xi32>
        %gather3A_556 = tpu.vector_load_idx %arg6[%add3A_555, %and3A_444] : memref<256x64xf32, #tpu.memory_space<vmem>>[vector<16xi32>, vector<16xi32>], vector<16xf32>,
        %add3A_557 = arith.constant 96 : i32
        %add3A_558 = vector.broadcast %add3A_557 : i32 to vector<16xi32>
        %add3A_559 = arith.addi %add3A_558, %iota3A : vector<16xi32>
        tpu.vector_store_idx %arg8[%broadcast_in_dim3A_510, %shift_right_arithmetic3A_447, %and3A_450, %add3A_559], %gather3A_556 : memref<2x8x8x128xf32, #tpu.memory_space<vmem>>[vector<16xi32>, vector<16xi32>, vector<16xi32>, vector<16xi32>], vector<16xf32>,
        %add3A_560 = arith.constant 240 : i32
        %add3A_561 = vector.broadcast %add3A_560 : i32 to vector<16xi32>
        %add3A_562 = arith.addi %add3A_561, %iota3A : vector<16xi32>
        %gather3A_563 = tpu.vector_load_idx %arg6[%add3A_562, %and3A_444] : memref<256x64xf32, #tpu.memory_space<vmem>>[vector<16xi32>, vector<16xi32>], vector<16xf32>,
        %add3A_564 = arith.constant 112 : i32
        %add3A_565 = vector.broadcast %add3A_564 : i32 to vector<16xi32>
        %add3A_566 = arith.addi %add3A_565, %iota3A : vector<16xi32>
        tpu.vector_store_idx %arg8[%broadcast_in_dim3A_510, %shift_right_arithmetic3A_447, %and3A_450, %add3A_566], %gather3A_563 : memref<2x8x8x128xf32, #tpu.memory_space<vmem>>[vector<16xi32>, vector<16xi32>, vector<16xi32>, vector<16xi32>], vector<16xf32>,
        %scan3A_567 = arith.constant 2 : i32
        %scan3A_568 = arith.addi %scan3A_314, %scan3A_567 : i32
        %add3A_569 = vector.broadcast %scan3A_568 : i32 to vector<16xi32>
        %add3A_570 = arith.addi %iota3A, %add3A_569 : vector<16xi32>
        %and3A_571 = arith.constant 63 : i32
        %and3A_572 = vector.broadcast %and3A_571 : i32 to vector<16xi32>
        %and3A_573 = arith.andi %add3A_570, %and3A_572 : vector<16xi32>
        %shift_right_arithmetic3A_574 = arith.constant 3 : i32
        %shift_right_arithmetic3A_575 = vector.broadcast %shift_right_arithmetic3A_574 : i32 to vector<16xi32>
        %shift_right_arithmetic3A_576 = arith.shrsi %and3A_573, %shift_right_arithmetic3A_575 : vector<16xi32>
        %and3A_577 = arith.constant 7 : i32
        %and3A_578 = vector.broadcast %and3A_577 : i32 to vector<16xi32>
        %and3A_579 = arith.andi %and3A_573, %and3A_578 : vector<16xi32>
        %broadcast_in_dim3A_580 = arith.constant 0 : i32
        %broadcast_in_dim3A_581 = vector.broadcast %broadcast_in_dim3A_580 : i32 to vector<16xi32>
        %add3A_582 = arith.constant 0 : i32
        %add3A_583 = vector.broadcast %add3A_582 : i32 to vector<16xi32>
        %add3A_584 = arith.addi %add3A_583, %iota3A : vector<16xi32>
        %gather3A_585 = tpu.vector_load_idx %arg6[%add3A_584, %and3A_573] : memref<256x64xf32, #tpu.memory_space<vmem>>[vector<16xi32>, vector<16xi32>], vector<16xf32>,
        %add3A_586 = arith.constant 0 : i32
        %add3A_587 = vector.broadcast %add3A_586 : i32 to vector<16xi32>
        %add3A_588 = arith.addi %add3A_587, %iota3A : vector<16xi32>
        tpu.vector_store_idx %arg8[%broadcast_in_dim3A_581, %shift_right_arithmetic3A_576, %and3A_579, %add3A_588], %gather3A_585 : memref<2x8x8x128xf32, #tpu.memory_space<vmem>>[vector<16xi32>, vector<16xi32>, vector<16xi32>, vector<16xi32>], vector<16xf32>,
        %add3A_589 = arith.constant 16 : i32
        %add3A_590 = vector.broadcast %add3A_589 : i32 to vector<16xi32>
        %add3A_591 = arith.addi %add3A_590, %iota3A : vector<16xi32>
        %gather3A_592 = tpu.vector_load_idx %arg6[%add3A_591, %and3A_573] : memref<256x64xf32, #tpu.memory_space<vmem>>[vector<16xi32>, vector<16xi32>], vector<16xf32>,
        %add3A_593 = arith.constant 16 : i32
        %add3A_594 = vector.broadcast %add3A_593 : i32 to vector<16xi32>
        %add3A_595 = arith.addi %add3A_594, %iota3A : vector<16xi32>
        tpu.vector_store_idx %arg8[%broadcast_in_dim3A_581, %shift_right_arithmetic3A_576, %and3A_579, %add3A_595], %gather3A_592 : memref<2x8x8x128xf32, #tpu.memory_space<vmem>>[vector<16xi32>, vector<16xi32>, vector<16xi32>, vector<16xi32>], vector<16xf32>,
        %add3A_596 = arith.constant 32 : i32
        %add3A_597 = vector.broadcast %add3A_596 : i32 to vector<16xi32>
        %add3A_598 = arith.addi %add3A_597, %iota3A : vector<16xi32>
        %gather3A_599 = tpu.vector_load_idx %arg6[%add3A_598, %and3A_573] : memref<256x64xf32, #tpu.memory_space<vmem>>[vector<16xi32>, vector<16xi32>], vector<16xf32>,
        %add3A_600 = arith.constant 32 : i32
        %add3A_601 = vector.broadcast %add3A_600 : i32 to vector<16xi32>
        %add3A_602 = arith.addi %add3A_601, %iota3A : vector<16xi32>
        tpu.vector_store_idx %arg8[%broadcast_in_dim3A_581, %shift_right_arithmetic3A_576, %and3A_579, %add3A_602], %gather3A_599 : memref<2x8x8x128xf32, #tpu.memory_space<vmem>>[vector<16xi32>, vector<16xi32>, vector<16xi32>, vector<16xi32>], vector<16xf32>,
        %add3A_603 = arith.constant 48 : i32
        %add3A_604 = vector.broadcast %add3A_603 : i32 to vector<16xi32>
        %add3A_605 = arith.addi %add3A_604, %iota3A : vector<16xi32>
        %gather3A_606 = tpu.vector_load_idx %arg6[%add3A_605, %and3A_573] : memref<256x64xf32, #tpu.memory_space<vmem>>[vector<16xi32>, vector<16xi32>], vector<16xf32>,
        %add3A_607 = arith.constant 48 : i32
        %add3A_608 = vector.broadcast %add3A_607 : i32 to vector<16xi32>
        %add3A_609 = arith.addi %add3A_608, %iota3A : vector<16xi32>
        tpu.vector_store_idx %arg8[%broadcast_in_dim3A_581, %shift_right_arithmetic3A_576, %and3A_579, %add3A_609], %gather3A_606 : memref<2x8x8x128xf32, #tpu.memory_space<vmem>>[vector<16xi32>, vector<16xi32>, vector<16xi32>, vector<16xi32>], vector<16xf32>,
        %add3A_610 = arith.constant 64 : i32
        %add3A_611 = vector.broadcast %add3A_610 : i32 to vector<16xi32>
        %add3A_612 = arith.addi %add3A_611, %iota3A : vector<16xi32>
        %gather3A_613 = tpu.vector_load_idx %arg6[%add3A_612, %and3A_573] : memref<256x64xf32, #tpu.memory_space<vmem>>[vector<16xi32>, vector<16xi32>], vector<16xf32>,
        %add3A_614 = arith.constant 64 : i32
        %add3A_615 = vector.broadcast %add3A_614 : i32 to vector<16xi32>
        %add3A_616 = arith.addi %add3A_615, %iota3A : vector<16xi32>
        tpu.vector_store_idx %arg8[%broadcast_in_dim3A_581, %shift_right_arithmetic3A_576, %and3A_579, %add3A_616], %gather3A_613 : memref<2x8x8x128xf32, #tpu.memory_space<vmem>>[vector<16xi32>, vector<16xi32>, vector<16xi32>, vector<16xi32>], vector<16xf32>,
        %add3A_617 = arith.constant 80 : i32
        %add3A_618 = vector.broadcast %add3A_617 : i32 to vector<16xi32>
        %add3A_619 = arith.addi %add3A_618, %iota3A : vector<16xi32>
        %gather3A_620 = tpu.vector_load_idx %arg6[%add3A_619, %and3A_573] : memref<256x64xf32, #tpu.memory_space<vmem>>[vector<16xi32>, vector<16xi32>], vector<16xf32>,
        %add3A_621 = arith.constant 80 : i32
        %add3A_622 = vector.broadcast %add3A_621 : i32 to vector<16xi32>
        %add3A_623 = arith.addi %add3A_622, %iota3A : vector<16xi32>
        tpu.vector_store_idx %arg8[%broadcast_in_dim3A_581, %shift_right_arithmetic3A_576, %and3A_579, %add3A_623], %gather3A_620 : memref<2x8x8x128xf32, #tpu.memory_space<vmem>>[vector<16xi32>, vector<16xi32>, vector<16xi32>, vector<16xi32>], vector<16xf32>,
        %add3A_624 = arith.constant 96 : i32
        %add3A_625 = vector.broadcast %add3A_624 : i32 to vector<16xi32>
        %add3A_626 = arith.addi %add3A_625, %iota3A : vector<16xi32>
        %gather3A_627 = tpu.vector_load_idx %arg6[%add3A_626, %and3A_573] : memref<256x64xf32, #tpu.memory_space<vmem>>[vector<16xi32>, vector<16xi32>], vector<16xf32>,
        %add3A_628 = arith.constant 96 : i32
        %add3A_629 = vector.broadcast %add3A_628 : i32 to vector<16xi32>
        %add3A_630 = arith.addi %add3A_629, %iota3A : vector<16xi32>
        tpu.vector_store_idx %arg8[%broadcast_in_dim3A_581, %shift_right_arithmetic3A_576, %and3A_579, %add3A_630], %gather3A_627 : memref<2x8x8x128xf32, #tpu.memory_space<vmem>>[vector<16xi32>, vector<16xi32>, vector<16xi32>, vector<16xi32>], vector<16xf32>,
        %add3A_631 = arith.constant 112 : i32
        %add3A_632 = vector.broadcast %add3A_631 : i32 to vector<16xi32>
        %add3A_633 = arith.addi %add3A_632, %iota3A : vector<16xi32>
        %gather3A_634 = tpu.vector_load_idx %arg6[%add3A_633, %and3A_573] : memref<256x64xf32, #tpu.memory_space<vmem>>[vector<16xi32>, vector<16xi32>], vector<16xf32>,
        %add3A_635 = arith.constant 112 : i32
        %add3A_636 = vector.broadcast %add3A_635 : i32 to vector<16xi32>
        %add3A_637 = arith.addi %add3A_636, %iota3A : vector<16xi32>
        tpu.vector_store_idx %arg8[%broadcast_in_dim3A_581, %shift_right_arithmetic3A_576, %and3A_579, %add3A_637], %gather3A_634 : memref<2x8x8x128xf32, #tpu.memory_space<vmem>>[vector<16xi32>, vector<16xi32>, vector<16xi32>, vector<16xi32>], vector<16xf32>,
        %broadcast_in_dim3A_638 = arith.constant 1 : i32
        %broadcast_in_dim3A_639 = vector.broadcast %broadcast_in_dim3A_638 : i32 to vector<16xi32>
        %add3A_640 = arith.constant 128 : i32
        %add3A_641 = vector.broadcast %add3A_640 : i32 to vector<16xi32>
        %add3A_642 = arith.addi %add3A_641, %iota3A : vector<16xi32>
        %gather3A_643 = tpu.vector_load_idx %arg6[%add3A_642, %and3A_573] : memref<256x64xf32, #tpu.memory_space<vmem>>[vector<16xi32>, vector<16xi32>], vector<16xf32>,
        %add3A_644 = arith.constant 0 : i32
        %add3A_645 = vector.broadcast %add3A_644 : i32 to vector<16xi32>
        %add3A_646 = arith.addi %add3A_645, %iota3A : vector<16xi32>
        tpu.vector_store_idx %arg8[%broadcast_in_dim3A_639, %shift_right_arithmetic3A_576, %and3A_579, %add3A_646], %gather3A_643 : memref<2x8x8x128xf32, #tpu.memory_space<vmem>>[vector<16xi32>, vector<16xi32>, vector<16xi32>, vector<16xi32>], vector<16xf32>,
        %add3A_647 = arith.constant 144 : i32
        %add3A_648 = vector.broadcast %add3A_647 : i32 to vector<16xi32>
        %add3A_649 = arith.addi %add3A_648, %iota3A : vector<16xi32>
        %gather3A_650 = tpu.vector_load_idx %arg6[%add3A_649, %and3A_573] : memref<256x64xf32, #tpu.memory_space<vmem>>[vector<16xi32>, vector<16xi32>], vector<16xf32>,
        %add3A_651 = arith.constant 16 : i32
        %add3A_652 = vector.broadcast %add3A_651 : i32 to vector<16xi32>
        %add3A_653 = arith.addi %add3A_652, %iota3A : vector<16xi32>
        tpu.vector_store_idx %arg8[%broadcast_in_dim3A_639, %shift_right_arithmetic3A_576, %and3A_579, %add3A_653], %gather3A_650 : memref<2x8x8x128xf32, #tpu.memory_space<vmem>>[vector<16xi32>, vector<16xi32>, vector<16xi32>, vector<16xi32>], vector<16xf32>,
        %add3A_654 = arith.constant 160 : i32
        %add3A_655 = vector.broadcast %add3A_654 : i32 to vector<16xi32>
        %add3A_656 = arith.addi %add3A_655, %iota3A : vector<16xi32>
        %gather3A_657 = tpu.vector_load_idx %arg6[%add3A_656, %and3A_573] : memref<256x64xf32, #tpu.memory_space<vmem>>[vector<16xi32>, vector<16xi32>], vector<16xf32>,
        %add3A_658 = arith.constant 32 : i32
        %add3A_659 = vector.broadcast %add3A_658 : i32 to vector<16xi32>
        %add3A_660 = arith.addi %add3A_659, %iota3A : vector<16xi32>
        tpu.vector_store_idx %arg8[%broadcast_in_dim3A_639, %shift_right_arithmetic3A_576, %and3A_579, %add3A_660], %gather3A_657 : memref<2x8x8x128xf32, #tpu.memory_space<vmem>>[vector<16xi32>, vector<16xi32>, vector<16xi32>, vector<16xi32>], vector<16xf32>,
        %add3A_661 = arith.constant 176 : i32
        %add3A_662 = vector.broadcast %add3A_661 : i32 to vector<16xi32>
        %add3A_663 = arith.addi %add3A_662, %iota3A : vector<16xi32>
        %gather3A_664 = tpu.vector_load_idx %arg6[%add3A_663, %and3A_573] : memref<256x64xf32, #tpu.memory_space<vmem>>[vector<16xi32>, vector<16xi32>], vector<16xf32>,
        %add3A_665 = arith.constant 48 : i32
        %add3A_666 = vector.broadcast %add3A_665 : i32 to vector<16xi32>
        %add3A_667 = arith.addi %add3A_666, %iota3A : vector<16xi32>
        tpu.vector_store_idx %arg8[%broadcast_in_dim3A_639, %shift_right_arithmetic3A_576, %and3A_579, %add3A_667], %gather3A_664 : memref<2x8x8x128xf32, #tpu.memory_space<vmem>>[vector<16xi32>, vector<16xi32>, vector<16xi32>, vector<16xi32>], vector<16xf32>,
        %add3A_668 = arith.constant 192 : i32
        %add3A_669 = vector.broadcast %add3A_668 : i32 to vector<16xi32>
        %add3A_670 = arith.addi %add3A_669, %iota3A : vector<16xi32>
        %gather3A_671 = tpu.vector_load_idx %arg6[%add3A_670, %and3A_573] : memref<256x64xf32, #tpu.memory_space<vmem>>[vector<16xi32>, vector<16xi32>], vector<16xf32>,
        %add3A_672 = arith.constant 64 : i32
        %add3A_673 = vector.broadcast %add3A_672 : i32 to vector<16xi32>
        %add3A_674 = arith.addi %add3A_673, %iota3A : vector<16xi32>
        tpu.vector_store_idx %arg8[%broadcast_in_dim3A_639, %shift_right_arithmetic3A_576, %and3A_579, %add3A_674], %gather3A_671 : memref<2x8x8x128xf32, #tpu.memory_space<vmem>>[vector<16xi32>, vector<16xi32>, vector<16xi32>, vector<16xi32>], vector<16xf32>,
        %add3A_675 = arith.constant 208 : i32
        %add3A_676 = vector.broadcast %add3A_675 : i32 to vector<16xi32>
        %add3A_677 = arith.addi %add3A_676, %iota3A : vector<16xi32>
        %gather3A_678 = tpu.vector_load_idx %arg6[%add3A_677, %and3A_573] : memref<256x64xf32, #tpu.memory_space<vmem>>[vector<16xi32>, vector<16xi32>], vector<16xf32>,
        %add3A_679 = arith.constant 80 : i32
        %add3A_680 = vector.broadcast %add3A_679 : i32 to vector<16xi32>
        %add3A_681 = arith.addi %add3A_680, %iota3A : vector<16xi32>
        tpu.vector_store_idx %arg8[%broadcast_in_dim3A_639, %shift_right_arithmetic3A_576, %and3A_579, %add3A_681], %gather3A_678 : memref<2x8x8x128xf32, #tpu.memory_space<vmem>>[vector<16xi32>, vector<16xi32>, vector<16xi32>, vector<16xi32>], vector<16xf32>,
        %add3A_682 = arith.constant 224 : i32
        %add3A_683 = vector.broadcast %add3A_682 : i32 to vector<16xi32>
        %add3A_684 = arith.addi %add3A_683, %iota3A : vector<16xi32>
        %gather3A_685 = tpu.vector_load_idx %arg6[%add3A_684, %and3A_573] : memref<256x64xf32, #tpu.memory_space<vmem>>[vector<16xi32>, vector<16xi32>], vector<16xf32>,
        %add3A_686 = arith.constant 96 : i32
        %add3A_687 = vector.broadcast %add3A_686 : i32 to vector<16xi32>
        %add3A_688 = arith.addi %add3A_687, %iota3A : vector<16xi32>
        tpu.vector_store_idx %arg8[%broadcast_in_dim3A_639, %shift_right_arithmetic3A_576, %and3A_579, %add3A_688], %gather3A_685 : memref<2x8x8x128xf32, #tpu.memory_space<vmem>>[vector<16xi32>, vector<16xi32>, vector<16xi32>, vector<16xi32>], vector<16xf32>,
        %add3A_689 = arith.constant 240 : i32
        %add3A_690 = vector.broadcast %add3A_689 : i32 to vector<16xi32>
        %add3A_691 = arith.addi %add3A_690, %iota3A : vector<16xi32>
        %gather3A_692 = tpu.vector_load_idx %arg6[%add3A_691, %and3A_573] : memref<256x64xf32, #tpu.memory_space<vmem>>[vector<16xi32>, vector<16xi32>], vector<16xf32>,
        %add3A_693 = arith.constant 112 : i32
        %add3A_694 = vector.broadcast %add3A_693 : i32 to vector<16xi32>
        %add3A_695 = arith.addi %add3A_694, %iota3A : vector<16xi32>
        tpu.vector_store_idx %arg8[%broadcast_in_dim3A_639, %shift_right_arithmetic3A_576, %and3A_579, %add3A_695], %gather3A_692 : memref<2x8x8x128xf32, #tpu.memory_space<vmem>>[vector<16xi32>, vector<16xi32>, vector<16xi32>, vector<16xi32>], vector<16xf32>,
        %scan3A_696 = arith.constant 3 : i32
        %scan3A_697 = arith.addi %scan3A_314, %scan3A_696 : i32
        %add3A_698 = vector.broadcast %scan3A_697 : i32 to vector<16xi32>
        %add3A_699 = arith.addi %iota3A, %add3A_698 : vector<16xi32>
        %and3A_700 = arith.constant 63 : i32
        %and3A_701 = vector.broadcast %and3A_700 : i32 to vector<16xi32>
        %and3A_702 = arith.andi %add3A_699, %and3A_701 : vector<16xi32>
        %shift_right_arithmetic3A_703 = arith.constant 3 : i32
        %shift_right_arithmetic3A_704 = vector.broadcast %shift_right_arithmetic3A_703 : i32 to vector<16xi32>
        %shift_right_arithmetic3A_705 = arith.shrsi %and3A_702, %shift_right_arithmetic3A_704 : vector<16xi32>
        %and3A_706 = arith.constant 7 : i32
        %and3A_707 = vector.broadcast %and3A_706 : i32 to vector<16xi32>
        %and3A_708 = arith.andi %and3A_702, %and3A_707 : vector<16xi32>
        %broadcast_in_dim3A_709 = arith.constant 0 : i32
        %broadcast_in_dim3A_710 = vector.broadcast %broadcast_in_dim3A_709 : i32 to vector<16xi32>
        %add3A_711 = arith.constant 0 : i32
        %add3A_712 = vector.broadcast %add3A_711 : i32 to vector<16xi32>
        %add3A_713 = arith.addi %add3A_712, %iota3A : vector<16xi32>
        %gather3A_714 = tpu.vector_load_idx %arg6[%add3A_713, %and3A_702] : memref<256x64xf32, #tpu.memory_space<vmem>>[vector<16xi32>, vector<16xi32>], vector<16xf32>,
        %add3A_715 = arith.constant 0 : i32
        %add3A_716 = vector.broadcast %add3A_715 : i32 to vector<16xi32>
        %add3A_717 = arith.addi %add3A_716, %iota3A : vector<16xi32>
        tpu.vector_store_idx %arg8[%broadcast_in_dim3A_710, %shift_right_arithmetic3A_705, %and3A_708, %add3A_717], %gather3A_714 : memref<2x8x8x128xf32, #tpu.memory_space<vmem>>[vector<16xi32>, vector<16xi32>, vector<16xi32>, vector<16xi32>], vector<16xf32>,
        %add3A_718 = arith.constant 16 : i32
        %add3A_719 = vector.broadcast %add3A_718 : i32 to vector<16xi32>
        %add3A_720 = arith.addi %add3A_719, %iota3A : vector<16xi32>
        %gather3A_721 = tpu.vector_load_idx %arg6[%add3A_720, %and3A_702] : memref<256x64xf32, #tpu.memory_space<vmem>>[vector<16xi32>, vector<16xi32>], vector<16xf32>,
        %add3A_722 = arith.constant 16 : i32
        %add3A_723 = vector.broadcast %add3A_722 : i32 to vector<16xi32>
        %add3A_724 = arith.addi %add3A_723, %iota3A : vector<16xi32>
        tpu.vector_store_idx %arg8[%broadcast_in_dim3A_710, %shift_right_arithmetic3A_705, %and3A_708, %add3A_724], %gather3A_721 : memref<2x8x8x128xf32, #tpu.memory_space<vmem>>[vector<16xi32>, vector<16xi32>, vector<16xi32>, vector<16xi32>], vector<16xf32>,
        %add3A_725 = arith.constant 32 : i32
        %add3A_726 = vector.broadcast %add3A_725 : i32 to vector<16xi32>
        %add3A_727 = arith.addi %add3A_726, %iota3A : vector<16xi32>
        %gather3A_728 = tpu.vector_load_idx %arg6[%add3A_727, %and3A_702] : memref<256x64xf32, #tpu.memory_space<vmem>>[vector<16xi32>, vector<16xi32>], vector<16xf32>,
        %add3A_729 = arith.constant 32 : i32
        %add3A_730 = vector.broadcast %add3A_729 : i32 to vector<16xi32>
        %add3A_731 = arith.addi %add3A_730, %iota3A : vector<16xi32>
        tpu.vector_store_idx %arg8[%broadcast_in_dim3A_710, %shift_right_arithmetic3A_705, %and3A_708, %add3A_731], %gather3A_728 : memref<2x8x8x128xf32, #tpu.memory_space<vmem>>[vector<16xi32>, vector<16xi32>, vector<16xi32>, vector<16xi32>], vector<16xf32>,
        %add3A_732 = arith.constant 48 : i32
        %add3A_733 = vector.broadcast %add3A_732 : i32 to vector<16xi32>
        %add3A_734 = arith.addi %add3A_733, %iota3A : vector<16xi32>
        %gather3A_735 = tpu.vector_load_idx %arg6[%add3A_734, %and3A_702] : memref<256x64xf32, #tpu.memory_space<vmem>>[vector<16xi32>, vector<16xi32>], vector<16xf32>,
        %add3A_736 = arith.constant 48 : i32
        %add3A_737 = vector.broadcast %add3A_736 : i32 to vector<16xi32>
        %add3A_738 = arith.addi %add3A_737, %iota3A : vector<16xi32>
        tpu.vector_store_idx %arg8[%broadcast_in_dim3A_710, %shift_right_arithmetic3A_705, %and3A_708, %add3A_738], %gather3A_735 : memref<2x8x8x128xf32, #tpu.memory_space<vmem>>[vector<16xi32>, vector<16xi32>, vector<16xi32>, vector<16xi32>], vector<16xf32>,
        %add3A_739 = arith.constant 64 : i32
        %add3A_740 = vector.broadcast %add3A_739 : i32 to vector<16xi32>
        %add3A_741 = arith.addi %add3A_740, %iota3A : vector<16xi32>
        %gather3A_742 = tpu.vector_load_idx %arg6[%add3A_741, %and3A_702] : memref<256x64xf32, #tpu.memory_space<vmem>>[vector<16xi32>, vector<16xi32>], vector<16xf32>,
        %add3A_743 = arith.constant 64 : i32
        %add3A_744 = vector.broadcast %add3A_743 : i32 to vector<16xi32>
        %add3A_745 = arith.addi %add3A_744, %iota3A : vector<16xi32>
        tpu.vector_store_idx %arg8[%broadcast_in_dim3A_710, %shift_right_arithmetic3A_705, %and3A_708, %add3A_745], %gather3A_742 : memref<2x8x8x128xf32, #tpu.memory_space<vmem>>[vector<16xi32>, vector<16xi32>, vector<16xi32>, vector<16xi32>], vector<16xf32>,
        %add3A_746 = arith.constant 80 : i32
        %add3A_747 = vector.broadcast %add3A_746 : i32 to vector<16xi32>
        %add3A_748 = arith.addi %add3A_747, %iota3A : vector<16xi32>
        %gather3A_749 = tpu.vector_load_idx %arg6[%add3A_748, %and3A_702] : memref<256x64xf32, #tpu.memory_space<vmem>>[vector<16xi32>, vector<16xi32>], vector<16xf32>,
        %add3A_750 = arith.constant 80 : i32
        %add3A_751 = vector.broadcast %add3A_750 : i32 to vector<16xi32>
        %add3A_752 = arith.addi %add3A_751, %iota3A : vector<16xi32>
        tpu.vector_store_idx %arg8[%broadcast_in_dim3A_710, %shift_right_arithmetic3A_705, %and3A_708, %add3A_752], %gather3A_749 : memref<2x8x8x128xf32, #tpu.memory_space<vmem>>[vector<16xi32>, vector<16xi32>, vector<16xi32>, vector<16xi32>], vector<16xf32>,
        %add3A_753 = arith.constant 96 : i32
        %add3A_754 = vector.broadcast %add3A_753 : i32 to vector<16xi32>
        %add3A_755 = arith.addi %add3A_754, %iota3A : vector<16xi32>
        %gather3A_756 = tpu.vector_load_idx %arg6[%add3A_755, %and3A_702] : memref<256x64xf32, #tpu.memory_space<vmem>>[vector<16xi32>, vector<16xi32>], vector<16xf32>,
        %add3A_757 = arith.constant 96 : i32
        %add3A_758 = vector.broadcast %add3A_757 : i32 to vector<16xi32>
        %add3A_759 = arith.addi %add3A_758, %iota3A : vector<16xi32>
        tpu.vector_store_idx %arg8[%broadcast_in_dim3A_710, %shift_right_arithmetic3A_705, %and3A_708, %add3A_759], %gather3A_756 : memref<2x8x8x128xf32, #tpu.memory_space<vmem>>[vector<16xi32>, vector<16xi32>, vector<16xi32>, vector<16xi32>], vector<16xf32>,
        %add3A_760 = arith.constant 112 : i32
        %add3A_761 = vector.broadcast %add3A_760 : i32 to vector<16xi32>
        %add3A_762 = arith.addi %add3A_761, %iota3A : vector<16xi32>
        %gather3A_763 = tpu.vector_load_idx %arg6[%add3A_762, %and3A_702] : memref<256x64xf32, #tpu.memory_space<vmem>>[vector<16xi32>, vector<16xi32>], vector<16xf32>,
        %add3A_764 = arith.constant 112 : i32
        %add3A_765 = vector.broadcast %add3A_764 : i32 to vector<16xi32>
        %add3A_766 = arith.addi %add3A_765, %iota3A : vector<16xi32>
        tpu.vector_store_idx %arg8[%broadcast_in_dim3A_710, %shift_right_arithmetic3A_705, %and3A_708, %add3A_766], %gather3A_763 : memref<2x8x8x128xf32, #tpu.memory_space<vmem>>[vector<16xi32>, vector<16xi32>, vector<16xi32>, vector<16xi32>], vector<16xf32>,
        %broadcast_in_dim3A_767 = arith.constant 1 : i32
        %broadcast_in_dim3A_768 = vector.broadcast %broadcast_in_dim3A_767 : i32 to vector<16xi32>
        %add3A_769 = arith.constant 128 : i32
        %add3A_770 = vector.broadcast %add3A_769 : i32 to vector<16xi32>
        %add3A_771 = arith.addi %add3A_770, %iota3A : vector<16xi32>
        %gather3A_772 = tpu.vector_load_idx %arg6[%add3A_771, %and3A_702] : memref<256x64xf32, #tpu.memory_space<vmem>>[vector<16xi32>, vector<16xi32>], vector<16xf32>,
        %add3A_773 = arith.constant 0 : i32
        %add3A_774 = vector.broadcast %add3A_773 : i32 to vector<16xi32>
        %add3A_775 = arith.addi %add3A_774, %iota3A : vector<16xi32>
        tpu.vector_store_idx %arg8[%broadcast_in_dim3A_768, %shift_right_arithmetic3A_705, %and3A_708, %add3A_775], %gather3A_772 : memref<2x8x8x128xf32, #tpu.memory_space<vmem>>[vector<16xi32>, vector<16xi32>, vector<16xi32>, vector<16xi32>], vector<16xf32>,
        %add3A_776 = arith.constant 144 : i32
        %add3A_777 = vector.broadcast %add3A_776 : i32 to vector<16xi32>
        %add3A_778 = arith.addi %add3A_777, %iota3A : vector<16xi32>
        %gather3A_779 = tpu.vector_load_idx %arg6[%add3A_778, %and3A_702] : memref<256x64xf32, #tpu.memory_space<vmem>>[vector<16xi32>, vector<16xi32>], vector<16xf32>,
        %add3A_780 = arith.constant 16 : i32
        %add3A_781 = vector.broadcast %add3A_780 : i32 to vector<16xi32>
        %add3A_782 = arith.addi %add3A_781, %iota3A : vector<16xi32>
        tpu.vector_store_idx %arg8[%broadcast_in_dim3A_768, %shift_right_arithmetic3A_705, %and3A_708, %add3A_782], %gather3A_779 : memref<2x8x8x128xf32, #tpu.memory_space<vmem>>[vector<16xi32>, vector<16xi32>, vector<16xi32>, vector<16xi32>], vector<16xf32>,
        %add3A_783 = arith.constant 160 : i32
        %add3A_784 = vector.broadcast %add3A_783 : i32 to vector<16xi32>
        %add3A_785 = arith.addi %add3A_784, %iota3A : vector<16xi32>
        %gather3A_786 = tpu.vector_load_idx %arg6[%add3A_785, %and3A_702] : memref<256x64xf32, #tpu.memory_space<vmem>>[vector<16xi32>, vector<16xi32>], vector<16xf32>,
        %add3A_787 = arith.constant 32 : i32
        %add3A_788 = vector.broadcast %add3A_787 : i32 to vector<16xi32>
        %add3A_789 = arith.addi %add3A_788, %iota3A : vector<16xi32>
        tpu.vector_store_idx %arg8[%broadcast_in_dim3A_768, %shift_right_arithmetic3A_705, %and3A_708, %add3A_789], %gather3A_786 : memref<2x8x8x128xf32, #tpu.memory_space<vmem>>[vector<16xi32>, vector<16xi32>, vector<16xi32>, vector<16xi32>], vector<16xf32>,
        %add3A_790 = arith.constant 176 : i32
        %add3A_791 = vector.broadcast %add3A_790 : i32 to vector<16xi32>
        %add3A_792 = arith.addi %add3A_791, %iota3A : vector<16xi32>
        %gather3A_793 = tpu.vector_load_idx %arg6[%add3A_792, %and3A_702] : memref<256x64xf32, #tpu.memory_space<vmem>>[vector<16xi32>, vector<16xi32>], vector<16xf32>,
        %add3A_794 = arith.constant 48 : i32
        %add3A_795 = vector.broadcast %add3A_794 : i32 to vector<16xi32>
        %add3A_796 = arith.addi %add3A_795, %iota3A : vector<16xi32>
        tpu.vector_store_idx %arg8[%broadcast_in_dim3A_768, %shift_right_arithmetic3A_705, %and3A_708, %add3A_796], %gather3A_793 : memref<2x8x8x128xf32, #tpu.memory_space<vmem>>[vector<16xi32>, vector<16xi32>, vector<16xi32>, vector<16xi32>], vector<16xf32>,
        %add3A_797 = arith.constant 192 : i32
        %add3A_798 = vector.broadcast %add3A_797 : i32 to vector<16xi32>
        %add3A_799 = arith.addi %add3A_798, %iota3A : vector<16xi32>
        %gather3A_800 = tpu.vector_load_idx %arg6[%add3A_799, %and3A_702] : memref<256x64xf32, #tpu.memory_space<vmem>>[vector<16xi32>, vector<16xi32>], vector<16xf32>,
        %add3A_801 = arith.constant 64 : i32
        %add3A_802 = vector.broadcast %add3A_801 : i32 to vector<16xi32>
        %add3A_803 = arith.addi %add3A_802, %iota3A : vector<16xi32>
        tpu.vector_store_idx %arg8[%broadcast_in_dim3A_768, %shift_right_arithmetic3A_705, %and3A_708, %add3A_803], %gather3A_800 : memref<2x8x8x128xf32, #tpu.memory_space<vmem>>[vector<16xi32>, vector<16xi32>, vector<16xi32>, vector<16xi32>], vector<16xf32>,
        %add3A_804 = arith.constant 208 : i32
        %add3A_805 = vector.broadcast %add3A_804 : i32 to vector<16xi32>
        %add3A_806 = arith.addi %add3A_805, %iota3A : vector<16xi32>
        %gather3A_807 = tpu.vector_load_idx %arg6[%add3A_806, %and3A_702] : memref<256x64xf32, #tpu.memory_space<vmem>>[vector<16xi32>, vector<16xi32>], vector<16xf32>,
        %add3A_808 = arith.constant 80 : i32
        %add3A_809 = vector.broadcast %add3A_808 : i32 to vector<16xi32>
        %add3A_810 = arith.addi %add3A_809, %iota3A : vector<16xi32>
        tpu.vector_store_idx %arg8[%broadcast_in_dim3A_768, %shift_right_arithmetic3A_705, %and3A_708, %add3A_810], %gather3A_807 : memref<2x8x8x128xf32, #tpu.memory_space<vmem>>[vector<16xi32>, vector<16xi32>, vector<16xi32>, vector<16xi32>], vector<16xf32>,
        %add3A_811 = arith.constant 224 : i32
        %add3A_812 = vector.broadcast %add3A_811 : i32 to vector<16xi32>
        %add3A_813 = arith.addi %add3A_812, %iota3A : vector<16xi32>
        %gather3A_814 = tpu.vector_load_idx %arg6[%add3A_813, %and3A_702] : memref<256x64xf32, #tpu.memory_space<vmem>>[vector<16xi32>, vector<16xi32>], vector<16xf32>,
        %add3A_815 = arith.constant 96 : i32
        %add3A_816 = vector.broadcast %add3A_815 : i32 to vector<16xi32>
        %add3A_817 = arith.addi %add3A_816, %iota3A : vector<16xi32>
        tpu.vector_store_idx %arg8[%broadcast_in_dim3A_768, %shift_right_arithmetic3A_705, %and3A_708, %add3A_817], %gather3A_814 : memref<2x8x8x128xf32, #tpu.memory_space<vmem>>[vector<16xi32>, vector<16xi32>, vector<16xi32>, vector<16xi32>], vector<16xf32>,
        %add3A_818 = arith.constant 240 : i32
        %add3A_819 = vector.broadcast %add3A_818 : i32 to vector<16xi32>
        %add3A_820 = arith.addi %add3A_819, %iota3A : vector<16xi32>
        %gather3A_821 = tpu.vector_load_idx %arg6[%add3A_820, %and3A_702] : memref<256x64xf32, #tpu.memory_space<vmem>>[vector<16xi32>, vector<16xi32>], vector<16xf32>,
        %add3A_822 = arith.constant 112 : i32
        %add3A_823 = vector.broadcast %add3A_822 : i32 to vector<16xi32>
        %add3A_824 = arith.addi %add3A_823, %iota3A : vector<16xi32>
        tpu.vector_store_idx %arg8[%broadcast_in_dim3A_768, %shift_right_arithmetic3A_705, %and3A_708, %add3A_824], %gather3A_821 : memref<2x8x8x128xf32, #tpu.memory_space<vmem>>[vector<16xi32>, vector<16xi32>, vector<16xi32>, vector<16xi32>], vector<16xf32>,
      }
      %scan3A_252 = arith.constant 64 : i32
      %mul3A_253 = arith.constant 2 : i32
      %mul3A_254 = arith.muli %mul3A_174, %mul3A_253 : i32
      %add3A_255 = arith.constant 0 : i32
      %add3A_256 = arith.addi %mul3A_254, %add3A_255 : i32
      %dma_start3A_257 = arith.constant 0 : i32
      %dma_start3A_258 = arith.constant 0 : i32
      %dma_start3A_259 = arith.constant 0 : i32
      %dma_start3A_260 = arith.constant 0 : i32
      %dma_start3A_261 = tpu.memref_slice %arg8[%dma_start3A_257, %dma_start3A_258, %dma_start3A_259, %dma_start3A_260] : memref<2x8x8x128xf32, #tpu.memory_space<vmem>> -> memref<1x8x8x128xf32, #tpu.memory_space<vmem>>
      %dma_start3A_262 = tpu.memref_squeeze %dma_start3A_261 : memref<1x8x8x128xf32, #tpu.memory_space<vmem>> -> memref<8x8x128xf32, #tpu.memory_space<vmem>>
      %dma_start3A_263 = arith.constant 0 : i32
      %dma_start3A_264 = arith.constant 0 : i32
      %dma_start3A_265 = arith.constant 0 : i32
      %dma_start3A_266 = tpu.memref_slice %arg4[%add3A_256, %dma_start3A_263, %add3A, %dma_start3A_264, %dma_start3A_265] : memref<50x8x32x8x128xf32, #tpu.memory_space<hbm>> -> memref<1x8x1x8x128xf32, #tpu.memory_space<hbm>>
      %dma_start3A_267 = tpu.memref_squeeze %dma_start3A_266 : memref<1x8x1x8x128xf32, #tpu.memory_space<hbm>> -> memref<8x8x128xf32, #tpu.memory_space<hbm>>
      %dma_start3A_268 = arith.constant 0 : i32
      %dma_start3A_269 = arith.constant 0 : i32
      %dma_start3A_270 = arith.constant 0 : i32
      %dma_start3A_271 = tpu.memref_slice %arg4[%add3A_256, %dma_start3A_268, %add3A, %dma_start3A_269, %dma_start3A_270] : memref<50x8x32x8x128xf32, #tpu.memory_space<hbm>> -> memref<1x8x1x8x128xf32, #tpu.memory_space<hbm>>
      %dma_start3A_272 = tpu.memref_squeeze %dma_start3A_271 : memref<1x8x1x8x128xf32, #tpu.memory_space<hbm>> -> memref<8x8x128xf32, #tpu.memory_space<hbm>>
      %dma_start3A_273 = arith.constant 0 : i32
      %dma_start3A_274 = arith.constant 0 : i32
      %dma_start3A_275 = arith.constant 0 : i32
      %dma_start3A_276 = tpu.memref_slice %arg8[%dma_start3A_257, %dma_start3A_273, %dma_start3A_274, %dma_start3A_275] : memref<2x8x8x128xf32, #tpu.memory_space<vmem>> -> memref<1x8x8x128xf32, #tpu.memory_space<vmem>>
      %dma_start3A_277 = tpu.memref_squeeze %dma_start3A_276 : memref<1x8x8x128xf32, #tpu.memory_space<vmem>> -> memref<8x8x128xf32, #tpu.memory_space<vmem>>
      tpu.enqueue_dma source(%dma_start3A_277 : memref<8x8x128xf32, #tpu.memory_space<vmem>>) target(%dma_start3A_272 : memref<8x8x128xf32, #tpu.memory_space<hbm>>) target_semaphore(%arg12 : memref<!tpu.dma_semaphore, #tpu.memory_space<semaphore_mem>>)
      %mul3A_278 = arith.constant 2 : i32
      %mul3A_279 = arith.muli %mul3A_174, %mul3A_278 : i32
      %add3A_280 = arith.constant 1 : i32
      %add3A_281 = arith.addi %mul3A_279, %add3A_280 : i32
      %dma_start3A_282 = arith.constant 1 : i32
      %dma_start3A_283 = arith.constant 0 : i32
      %dma_start3A_284 = arith.constant 0 : i32
      %dma_start3A_285 = arith.constant 0 : i32
      %dma_start3A_286 = tpu.memref_slice %arg8[%dma_start3A_282, %dma_start3A_283, %dma_start3A_284, %dma_start3A_285] : memref<2x8x8x128xf32, #tpu.memory_space<vmem>> -> memref<1x8x8x128xf32, #tpu.memory_space<vmem>>
      %dma_start3A_287 = tpu.memref_squeeze %dma_start3A_286 : memref<1x8x8x128xf32, #tpu.memory_space<vmem>> -> memref<8x8x128xf32, #tpu.memory_space<vmem>>
      %dma_start3A_288 = arith.constant 0 : i32
      %dma_start3A_289 = arith.constant 0 : i32
      %dma_start3A_290 = arith.constant 0 : i32
      %dma_start3A_291 = tpu.memref_slice %arg4[%add3A_281, %dma_start3A_288, %add3A, %dma_start3A_289, %dma_start3A_290] : memref<50x8x32x8x128xf32, #tpu.memory_space<hbm>> -> memref<1x8x1x8x128xf32, #tpu.memory_space<hbm>>
      %dma_start3A_292 = tpu.memref_squeeze %dma_start3A_291 : memref<1x8x1x8x128xf32, #tpu.memory_space<hbm>> -> memref<8x8x128xf32, #tpu.memory_space<hbm>>
      %dma_start3A_293 = arith.constant 0 : i32
      %dma_start3A_294 = arith.constant 0 : i32
      %dma_start3A_295 = arith.constant 0 : i32
      %dma_start3A_296 = tpu.memref_slice %arg4[%add3A_281, %dma_start3A_293, %add3A, %dma_start3A_294, %dma_start3A_295] : memref<50x8x32x8x128xf32, #tpu.memory_space<hbm>> -> memref<1x8x1x8x128xf32, #tpu.memory_space<hbm>>
      %dma_start3A_297 = tpu.memref_squeeze %dma_start3A_296 : memref<1x8x1x8x128xf32, #tpu.memory_space<hbm>> -> memref<8x8x128xf32, #tpu.memory_space<hbm>>
      %dma_start3A_298 = arith.constant 0 : i32
      %dma_start3A_299 = arith.constant 0 : i32
      %dma_start3A_300 = arith.constant 0 : i32
      %dma_start3A_301 = tpu.memref_slice %arg8[%dma_start3A_282, %dma_start3A_298, %dma_start3A_299, %dma_start3A_300] : memref<2x8x8x128xf32, #tpu.memory_space<vmem>> -> memref<1x8x8x128xf32, #tpu.memory_space<vmem>>
      %dma_start3A_302 = tpu.memref_squeeze %dma_start3A_301 : memref<1x8x8x128xf32, #tpu.memory_space<vmem>> -> memref<8x8x128xf32, #tpu.memory_space<vmem>>
      tpu.enqueue_dma source(%dma_start3A_302 : memref<8x8x128xf32, #tpu.memory_space<vmem>>) target(%dma_start3A_297 : memref<8x8x128xf32, #tpu.memory_space<hbm>>) target_semaphore(%arg12 : memref<!tpu.dma_semaphore, #tpu.memory_space<semaphore_mem>>)
      %add3A_303 = arith.constant 2 : i32
      %add3A_304 = arith.addi %mul3A_174, %add3A_303 : i32
      %lt3A = arith.constant 25 : i32
      %lt3A_305 = arith.cmpi slt, %add3A_304, %lt3A : i32
      %convert_element_type3A_306 = arith.extui %lt3A_305 : i1 to i32
      %cond3A_307 = arith.constant 0 : i32
      %cond3A_308 = arith.cmpi ne, %convert_element_type3A_306, %cond3A_307 : i32
      scf.if %cond3A_308 {
        %add3A_314 = arith.constant 2 : i32
        %add3A_315 = arith.addi %mul3A_174, %add3A_314 : i32
        %mul3A_316 = arith.constant 2 : i32
        %mul3A_317 = arith.muli %add3A_315, %mul3A_316 : i32
        %add3A_318 = arith.constant 0 : i32
        %add3A_319 = arith.addi %mul3A_317, %add3A_318 : i32
        %mul3A_320 = arith.constant 2 : i32
        %mul3A_321 = arith.muli %add3A_319, %mul3A_320 : i32
        %add3A_322 = arith.constant 0 : i32
        %add3A_323 = arith.addi %mul3A_321, %add3A_322 : i32
        %dma_start3A_324 = arith.constant 0 : i32
        %dma_start3A_325 = arith.constant 0 : i32
        %dma_start3A_326 = tpu.memref_slice %arg6[%dma_start3A_324, %dma_start3A_325] : memref<256x64xf32, #tpu.memory_space<vmem>> -> memref<64x64xf32, #tpu.memory_space<vmem>>
        %dma_start3A_327 = arith.constant 0 : i32
        %dma_start3A_328 = tpu.memref_slice %arg5[%add3A_323, %dma_start3A_327] : memref<100x64xi32, #tpu.memory_space<vmem>> -> memref<1x64xi32, #tpu.memory_space<vmem>>
        %dma_start3A_329 = tpu.memref_squeeze %dma_start3A_328 : memref<1x64xi32, #tpu.memory_space<vmem>> -> memref<64xi32, #tpu.memory_space<vmem>>
        %dma_start3A_330 = arith.constant 0 : i32
        %dma_start3A_331 = arith.constant 0 : i32
        %dma_start3A_332 = tpu.memref_slice %arg2[%dma_start3A_330, %dma_start3A_331] : memref<1000000x64xf32, #tpu.memory_space<hbm>> -> memref<1000000x64xf32, #tpu.memory_space<hbm>>
        tpu.enqueue_indirect_dma source(%dma_start3A_332 : memref<1000000x64xf32, #tpu.memory_space<hbm>>) target(%dma_start3A_326 : memref<64x64xf32, #tpu.memory_space<vmem>>) offsets(%dma_start3A_329 : memref<64xi32, #tpu.memory_space<vmem>>) semaphore(%arg10 : memref<!tpu.dma_semaphore, #tpu.memory_space<semaphore_mem>>)
        %mul3A_333 = arith.constant 2 : i32
        %mul3A_334 = arith.muli %add3A_315, %mul3A_333 : i32
        %add3A_335 = arith.constant 0 : i32
        %add3A_336 = arith.addi %mul3A_334, %add3A_335 : i32
        %mul3A_337 = arith.constant 2 : i32
        %mul3A_338 = arith.muli %add3A_336, %mul3A_337 : i32
        %add3A_339 = arith.constant 1 : i32
        %add3A_340 = arith.addi %mul3A_338, %add3A_339 : i32
        %dma_start3A_341 = arith.constant 64 : i32
        %dma_start3A_342 = arith.constant 0 : i32
        %dma_start3A_343 = tpu.memref_slice %arg6[%dma_start3A_341, %dma_start3A_342] : memref<256x64xf32, #tpu.memory_space<vmem>> -> memref<64x64xf32, #tpu.memory_space<vmem>>
        %dma_start3A_344 = arith.constant 0 : i32
        %dma_start3A_345 = tpu.memref_slice %arg5[%add3A_340, %dma_start3A_344] : memref<100x64xi32, #tpu.memory_space<vmem>> -> memref<1x64xi32, #tpu.memory_space<vmem>>
        %dma_start3A_346 = tpu.memref_squeeze %dma_start3A_345 : memref<1x64xi32, #tpu.memory_space<vmem>> -> memref<64xi32, #tpu.memory_space<vmem>>
        %dma_start3A_347 = arith.constant 0 : i32
        %dma_start3A_348 = arith.constant 0 : i32
        %dma_start3A_349 = tpu.memref_slice %arg2[%dma_start3A_347, %dma_start3A_348] : memref<1000000x64xf32, #tpu.memory_space<hbm>> -> memref<1000000x64xf32, #tpu.memory_space<hbm>>
        tpu.enqueue_indirect_dma source(%dma_start3A_349 : memref<1000000x64xf32, #tpu.memory_space<hbm>>) target(%dma_start3A_343 : memref<64x64xf32, #tpu.memory_space<vmem>>) offsets(%dma_start3A_346 : memref<64xi32, #tpu.memory_space<vmem>>) semaphore(%arg10 : memref<!tpu.dma_semaphore, #tpu.memory_space<semaphore_mem>>)
        %mul3A_350 = arith.constant 2 : i32
        %mul3A_351 = arith.muli %add3A_315, %mul3A_350 : i32
        %add3A_352 = arith.constant 1 : i32
        %add3A_353 = arith.addi %mul3A_351, %add3A_352 : i32
        %mul3A_354 = arith.constant 2 : i32
        %mul3A_355 = arith.muli %add3A_353, %mul3A_354 : i32
        %add3A_356 = arith.constant 0 : i32
        %add3A_357 = arith.addi %mul3A_355, %add3A_356 : i32
        %dma_start3A_358 = arith.constant 128 : i32
        %dma_start3A_359 = arith.constant 0 : i32
        %dma_start3A_360 = tpu.memref_slice %arg6[%dma_start3A_358, %dma_start3A_359] : memref<256x64xf32, #tpu.memory_space<vmem>> -> memref<64x64xf32, #tpu.memory_space<vmem>>
        %dma_start3A_361 = arith.constant 0 : i32
        %dma_start3A_362 = tpu.memref_slice %arg5[%add3A_357, %dma_start3A_361] : memref<100x64xi32, #tpu.memory_space<vmem>> -> memref<1x64xi32, #tpu.memory_space<vmem>>
        %dma_start3A_363 = tpu.memref_squeeze %dma_start3A_362 : memref<1x64xi32, #tpu.memory_space<vmem>> -> memref<64xi32, #tpu.memory_space<vmem>>
        %dma_start3A_364 = arith.constant 0 : i32
        %dma_start3A_365 = arith.constant 0 : i32
        %dma_start3A_366 = tpu.memref_slice %arg2[%dma_start3A_364, %dma_start3A_365] : memref<1000000x64xf32, #tpu.memory_space<hbm>> -> memref<1000000x64xf32, #tpu.memory_space<hbm>>
        tpu.enqueue_indirect_dma source(%dma_start3A_366 : memref<1000000x64xf32, #tpu.memory_space<hbm>>) target(%dma_start3A_360 : memref<64x64xf32, #tpu.memory_space<vmem>>) offsets(%dma_start3A_363 : memref<64xi32, #tpu.memory_space<vmem>>) semaphore(%arg10 : memref<!tpu.dma_semaphore, #tpu.memory_space<semaphore_mem>>)
        %mul3A_367 = arith.constant 2 : i32
        %mul3A_368 = arith.muli %add3A_315, %mul3A_367 : i32
        %add3A_369 = arith.constant 1 : i32
        %add3A_370 = arith.addi %mul3A_368, %add3A_369 : i32
        %mul3A_371 = arith.constant 2 : i32
        %mul3A_372 = arith.muli %add3A_370, %mul3A_371 : i32
        %add3A_373 = arith.constant 1 : i32
        %add3A_374 = arith.addi %mul3A_372, %add3A_373 : i32
        %dma_start3A_375 = arith.constant 192 : i32
        %dma_start3A_376 = arith.constant 0 : i32
        %dma_start3A_377 = tpu.memref_slice %arg6[%dma_start3A_375, %dma_start3A_376] : memref<256x64xf32, #tpu.memory_space<vmem>> -> memref<64x64xf32, #tpu.memory_space<vmem>>
        %dma_start3A_378 = arith.constant 0 : i32
        %dma_start3A_379 = tpu.memref_slice %arg5[%add3A_374, %dma_start3A_378] : memref<100x64xi32, #tpu.memory_space<vmem>> -> memref<1x64xi32, #tpu.memory_space<vmem>>
        %dma_start3A_380 = tpu.memref_squeeze %dma_start3A_379 : memref<1x64xi32, #tpu.memory_space<vmem>> -> memref<64xi32, #tpu.memory_space<vmem>>
        %dma_start3A_381 = arith.constant 0 : i32
        %dma_start3A_382 = arith.constant 0 : i32
        %dma_start3A_383 = tpu.memref_slice %arg2[%dma_start3A_381, %dma_start3A_382] : memref<1000000x64xf32, #tpu.memory_space<hbm>> -> memref<1000000x64xf32, #tpu.memory_space<hbm>>
        tpu.enqueue_indirect_dma source(%dma_start3A_383 : memref<1000000x64xf32, #tpu.memory_space<hbm>>) target(%dma_start3A_377 : memref<64x64xf32, #tpu.memory_space<vmem>>) offsets(%dma_start3A_380 : memref<64xi32, #tpu.memory_space<vmem>>) semaphore(%arg10 : memref<!tpu.dma_semaphore, #tpu.memory_space<semaphore_mem>>)
      } else {
      }
      %lt3A_309 = arith.constant 25 : i32
      %lt3A_310 = arith.cmpi slt, %add3A_176, %lt3A_309 : i32
      %convert_element_type3A_311 = arith.extui %lt3A_310 : i1 to i32
      %cond3A_312 = arith.constant 0 : i32
      %cond3A_313 = arith.cmpi ne, %convert_element_type3A_311, %cond3A_312 : i32
      scf.if %cond3A_313 {
        %mul3A_314 = arith.constant 2 : i32
        %mul3A_315 = arith.muli %add3A_176, %mul3A_314 : i32
        %add3A_316 = arith.constant 0 : i32
        %add3A_317 = arith.addi %mul3A_315, %add3A_316 : i32
        %mul3A_318 = arith.constant 2 : i32
        %mul3A_319 = arith.muli %add3A_317, %mul3A_318 : i32
        %add3A_320 = arith.constant 0 : i32
        %add3A_321 = arith.addi %mul3A_319, %add3A_320 : i32
        %dma_wait3A_322 = arith.constant 0 : i32
        %dma_wait3A_323 = arith.constant 0 : i32
        %dma_wait3A_324 = tpu.memref_slice %arg7[%dma_wait3A_322, %dma_wait3A_323] : memref<256x64xf32, #tpu.memory_space<vmem>> -> memref<64x64xf32, #tpu.memory_space<vmem>>
        %dma_wait3A_325 = arith.constant 0 : i32
        %dma_wait3A_326 = tpu.memref_slice %arg5[%add3A_321, %dma_wait3A_325] : memref<100x64xi32, #tpu.memory_space<vmem>> -> memref<1x64xi32, #tpu.memory_space<vmem>>
        %dma_wait3A_327 = tpu.memref_squeeze %dma_wait3A_326 : memref<1x64xi32, #tpu.memory_space<vmem>> -> memref<64xi32, #tpu.memory_space<vmem>>
        %dma_wait3A_328 = arith.constant 0 : i32
        %dma_wait3A_329 = arith.constant 0 : i32
        %dma_wait3A_330 = tpu.memref_slice %arg2[%dma_wait3A_328, %dma_wait3A_329] : memref<1000000x64xf32, #tpu.memory_space<hbm>> -> memref<1000000x64xf32, #tpu.memory_space<hbm>>
        tpu.wait_indirect_dma semaphore(%arg11 : memref<!tpu.dma_semaphore, #tpu.memory_space<semaphore_mem>>) src(%dma_wait3A_330 : memref<1000000x64xf32, #tpu.memory_space<hbm>>) dst(%dma_wait3A_324 : memref<64x64xf32, #tpu.memory_space<vmem>>)
        %mul3A_331 = arith.constant 2 : i32
        %mul3A_332 = arith.muli %add3A_176, %mul3A_331 : i32
        %add3A_333 = arith.constant 0 : i32
        %add3A_334 = arith.addi %mul3A_332, %add3A_333 : i32
        %mul3A_335 = arith.constant 2 : i32
        %mul3A_336 = arith.muli %add3A_334, %mul3A_335 : i32
        %add3A_337 = arith.constant 1 : i32
        %add3A_338 = arith.addi %mul3A_336, %add3A_337 : i32
        %dma_wait3A_339 = arith.constant 64 : i32
        %dma_wait3A_340 = arith.constant 0 : i32
        %dma_wait3A_341 = tpu.memref_slice %arg7[%dma_wait3A_339, %dma_wait3A_340] : memref<256x64xf32, #tpu.memory_space<vmem>> -> memref<64x64xf32, #tpu.memory_space<vmem>>
        %dma_wait3A_342 = arith.constant 0 : i32
        %dma_wait3A_343 = tpu.memref_slice %arg5[%add3A_338, %dma_wait3A_342] : memref<100x64xi32, #tpu.memory_space<vmem>> -> memref<1x64xi32, #tpu.memory_space<vmem>>
        %dma_wait3A_344 = tpu.memref_squeeze %dma_wait3A_343 : memref<1x64xi32, #tpu.memory_space<vmem>> -> memref<64xi32, #tpu.memory_space<vmem>>
        %dma_wait3A_345 = arith.constant 0 : i32
        %dma_wait3A_346 = arith.constant 0 : i32
        %dma_wait3A_347 = tpu.memref_slice %arg2[%dma_wait3A_345, %dma_wait3A_346] : memref<1000000x64xf32, #tpu.memory_space<hbm>> -> memref<1000000x64xf32, #tpu.memory_space<hbm>>
        tpu.wait_indirect_dma semaphore(%arg11 : memref<!tpu.dma_semaphore, #tpu.memory_space<semaphore_mem>>) src(%dma_wait3A_347 : memref<1000000x64xf32, #tpu.memory_space<hbm>>) dst(%dma_wait3A_341 : memref<64x64xf32, #tpu.memory_space<vmem>>)
        %mul3A_348 = arith.constant 2 : i32
        %mul3A_349 = arith.muli %add3A_176, %mul3A_348 : i32
        %add3A_350 = arith.constant 1 : i32
        %add3A_351 = arith.addi %mul3A_349, %add3A_350 : i32
        %mul3A_352 = arith.constant 2 : i32
        %mul3A_353 = arith.muli %add3A_351, %mul3A_352 : i32
        %add3A_354 = arith.constant 0 : i32
        %add3A_355 = arith.addi %mul3A_353, %add3A_354 : i32
        %dma_wait3A_356 = arith.constant 128 : i32
        %dma_wait3A_357 = arith.constant 0 : i32
        %dma_wait3A_358 = tpu.memref_slice %arg7[%dma_wait3A_356, %dma_wait3A_357] : memref<256x64xf32, #tpu.memory_space<vmem>> -> memref<64x64xf32, #tpu.memory_space<vmem>>
        %dma_wait3A_359 = arith.constant 0 : i32
        %dma_wait3A_360 = tpu.memref_slice %arg5[%add3A_355, %dma_wait3A_359] : memref<100x64xi32, #tpu.memory_space<vmem>> -> memref<1x64xi32, #tpu.memory_space<vmem>>
        %dma_wait3A_361 = tpu.memref_squeeze %dma_wait3A_360 : memref<1x64xi32, #tpu.memory_space<vmem>> -> memref<64xi32, #tpu.memory_space<vmem>>
        %dma_wait3A_362 = arith.constant 0 : i32
        %dma_wait3A_363 = arith.constant 0 : i32
        %dma_wait3A_364 = tpu.memref_slice %arg2[%dma_wait3A_362, %dma_wait3A_363] : memref<1000000x64xf32, #tpu.memory_space<hbm>> -> memref<1000000x64xf32, #tpu.memory_space<hbm>>
        tpu.wait_indirect_dma semaphore(%arg11 : memref<!tpu.dma_semaphore, #tpu.memory_space<semaphore_mem>>) src(%dma_wait3A_364 : memref<1000000x64xf32, #tpu.memory_space<hbm>>) dst(%dma_wait3A_358 : memref<64x64xf32, #tpu.memory_space<vmem>>)
        %mul3A_365 = arith.constant 2 : i32
        %mul3A_366 = arith.muli %add3A_176, %mul3A_365 : i32
        %add3A_367 = arith.constant 1 : i32
        %add3A_368 = arith.addi %mul3A_366, %add3A_367 : i32
        %mul3A_369 = arith.constant 2 : i32
        %mul3A_370 = arith.muli %add3A_368, %mul3A_369 : i32
        %add3A_371 = arith.constant 1 : i32
        %add3A_372 = arith.addi %mul3A_370, %add3A_371 : i32
        %dma_wait3A_373 = arith.constant 192 : i32
        %dma_wait3A_374 = arith.constant 0 : i32
        %dma_wait3A_375 = tpu.memref_slice %arg7[%dma_wait3A_373, %dma_wait3A_374] : memref<256x64xf32, #tpu.memory_space<vmem>> -> memref<64x64xf32, #tpu.memory_space<vmem>>
        %dma_wait3A_376 = arith.constant 0 : i32
        %dma_wait3A_377 = tpu.memref_slice %arg5[%add3A_372, %dma_wait3A_376] : memref<100x64xi32, #tpu.memory_space<vmem>> -> memref<1x64xi32, #tpu.memory_space<vmem>>
        %dma_wait3A_378 = tpu.memref_squeeze %dma_wait3A_377 : memref<1x64xi32, #tpu.memory_space<vmem>> -> memref<64xi32, #tpu.memory_space<vmem>>
        %dma_wait3A_379 = arith.constant 0 : i32
        %dma_wait3A_380 = arith.constant 0 : i32
        %dma_wait3A_381 = tpu.memref_slice %arg2[%dma_wait3A_379, %dma_wait3A_380] : memref<1000000x64xf32, #tpu.memory_space<hbm>> -> memref<1000000x64xf32, #tpu.memory_space<hbm>>
        tpu.wait_indirect_dma semaphore(%arg11 : memref<!tpu.dma_semaphore, #tpu.memory_space<semaphore_mem>>) src(%dma_wait3A_381 : memref<1000000x64xf32, #tpu.memory_space<hbm>>) dst(%dma_wait3A_375 : memref<64x64xf32, #tpu.memory_space<vmem>>)
        %gt3A_382 = arith.constant 0 : i32
        %gt3A_383 = arith.cmpi sgt, %scan3A_172, %gt3A_382 : i32
        %convert_element_type3A_384 = arith.extui %gt3A_383 : i1 to i32
        %cond3A_385 = arith.constant 0 : i32
        %cond3A_386 = arith.cmpi ne, %convert_element_type3A_384, %cond3A_385 : i32
        scf.if %cond3A_386 {
          %sub3A = arith.constant 2 : i32
          %sub3A_450 = arith.subi %add3A_176, %sub3A : i32
          %mul3A_451 = arith.constant 2 : i32
          %mul3A_452 = arith.muli %sub3A_450, %mul3A_451 : i32
          %add3A_453 = arith.constant 0 : i32
          %add3A_454 = arith.addi %mul3A_452, %add3A_453 : i32
          %dma_wait3A_455 = arith.constant 0 : i32
          %dma_wait3A_456 = arith.constant 0 : i32
          %dma_wait3A_457 = arith.constant 0 : i32
          %dma_wait3A_458 = arith.constant 0 : i32
          %dma_wait3A_459 = tpu.memref_slice %arg9[%dma_wait3A_455, %dma_wait3A_456, %dma_wait3A_457, %dma_wait3A_458] : memref<2x8x8x128xf32, #tpu.memory_space<vmem>> -> memref<1x8x8x128xf32, #tpu.memory_space<vmem>>
          %dma_wait3A_460 = tpu.memref_squeeze %dma_wait3A_459 : memref<1x8x8x128xf32, #tpu.memory_space<vmem>> -> memref<8x8x128xf32, #tpu.memory_space<vmem>>
          %dma_wait3A_461 = arith.constant 0 : i32
          %dma_wait3A_462 = arith.constant 0 : i32
          %dma_wait3A_463 = arith.constant 0 : i32
          %dma_wait3A_464 = tpu.memref_slice %arg4[%add3A_454, %dma_wait3A_461, %add3A, %dma_wait3A_462, %dma_wait3A_463] : memref<50x8x32x8x128xf32, #tpu.memory_space<hbm>> -> memref<1x8x1x8x128xf32, #tpu.memory_space<hbm>>
          %dma_wait3A_465 = tpu.memref_squeeze %dma_wait3A_464 : memref<1x8x1x8x128xf32, #tpu.memory_space<hbm>> -> memref<8x8x128xf32, #tpu.memory_space<hbm>>
          %dma_wait3A_466 = arith.constant 0 : i32
          %dma_wait3A_467 = arith.constant 0 : i32
          %dma_wait3A_468 = arith.constant 0 : i32
          %dma_wait3A_469 = tpu.memref_slice %arg4[%add3A_454, %dma_wait3A_466, %add3A, %dma_wait3A_467, %dma_wait3A_468] : memref<50x8x32x8x128xf32, #tpu.memory_space<hbm>> -> memref<1x8x1x8x128xf32, #tpu.memory_space<hbm>>
          %dma_wait3A_470 = tpu.memref_squeeze %dma_wait3A_469 : memref<1x8x1x8x128xf32, #tpu.memory_space<hbm>> -> memref<8x8x128xf32, #tpu.memory_space<hbm>>
          %dma_wait3A_471 = arith.constant 0 : i32
          %dma_wait3A_472 = arith.constant 0 : i32
          %dma_wait3A_473 = arith.constant 0 : i32
          %dma_wait3A_474 = tpu.memref_slice %arg9[%dma_wait3A_455, %dma_wait3A_471, %dma_wait3A_472, %dma_wait3A_473] : memref<2x8x8x128xf32, #tpu.memory_space<vmem>> -> memref<1x8x8x128xf32, #tpu.memory_space<vmem>>
          %dma_wait3A_475 = tpu.memref_squeeze %dma_wait3A_474 : memref<1x8x8x128xf32, #tpu.memory_space<vmem>> -> memref<8x8x128xf32, #tpu.memory_space<vmem>>
          tpu.wait_dma2 semaphore(%arg13 : memref<!tpu.dma_semaphore, #tpu.memory_space<semaphore_mem>>) src(%dma_wait3A_475 : memref<8x8x128xf32, #tpu.memory_space<vmem>>) dst(%dma_wait3A_470 : memref<8x8x128xf32, #tpu.memory_space<hbm>>)
          %mul3A_476 = arith.constant 2 : i32
          %mul3A_477 = arith.muli %sub3A_450, %mul3A_476 : i32
          %add3A_478 = arith.constant 1 : i32
          %add3A_479 = arith.addi %mul3A_477, %add3A_478 : i32
          %dma_wait3A_480 = arith.constant 1 : i32
          %dma_wait3A_481 = arith.constant 0 : i32
          %dma_wait3A_482 = arith.constant 0 : i32
          %dma_wait3A_483 = arith.constant 0 : i32
          %dma_wait3A_484 = tpu.memref_slice %arg9[%dma_wait3A_480, %dma_wait3A_481, %dma_wait3A_482, %dma_wait3A_483] : memref<2x8x8x128xf32, #tpu.memory_space<vmem>> -> memref<1x8x8x128xf32, #tpu.memory_space<vmem>>
          %dma_wait3A_485 = tpu.memref_squeeze %dma_wait3A_484 : memref<1x8x8x128xf32, #tpu.memory_space<vmem>> -> memref<8x8x128xf32, #tpu.memory_space<vmem>>
          %dma_wait3A_486 = arith.constant 0 : i32
          %dma_wait3A_487 = arith.constant 0 : i32
          %dma_wait3A_488 = arith.constant 0 : i32
          %dma_wait3A_489 = tpu.memref_slice %arg4[%add3A_479, %dma_wait3A_486, %add3A, %dma_wait3A_487, %dma_wait3A_488] : memref<50x8x32x8x128xf32, #tpu.memory_space<hbm>> -> memref<1x8x1x8x128xf32, #tpu.memory_space<hbm>>
          %dma_wait3A_490 = tpu.memref_squeeze %dma_wait3A_489 : memref<1x8x1x8x128xf32, #tpu.memory_space<hbm>> -> memref<8x8x128xf32, #tpu.memory_space<hbm>>
          %dma_wait3A_491 = arith.constant 0 : i32
          %dma_wait3A_492 = arith.constant 0 : i32
          %dma_wait3A_493 = arith.constant 0 : i32
          %dma_wait3A_494 = tpu.memref_slice %arg4[%add3A_479, %dma_wait3A_491, %add3A, %dma_wait3A_492, %dma_wait3A_493] : memref<50x8x32x8x128xf32, #tpu.memory_space<hbm>> -> memref<1x8x1x8x128xf32, #tpu.memory_space<hbm>>
          %dma_wait3A_495 = tpu.memref_squeeze %dma_wait3A_494 : memref<1x8x1x8x128xf32, #tpu.memory_space<hbm>> -> memref<8x8x128xf32, #tpu.memory_space<hbm>>
          %dma_wait3A_496 = arith.constant 0 : i32
          %dma_wait3A_497 = arith.constant 0 : i32
          %dma_wait3A_498 = arith.constant 0 : i32
          %dma_wait3A_499 = tpu.memref_slice %arg9[%dma_wait3A_480, %dma_wait3A_496, %dma_wait3A_497, %dma_wait3A_498] : memref<2x8x8x128xf32, #tpu.memory_space<vmem>> -> memref<1x8x8x128xf32, #tpu.memory_space<vmem>>
          %dma_wait3A_500 = tpu.memref_squeeze %dma_wait3A_499 : memref<1x8x8x128xf32, #tpu.memory_space<vmem>> -> memref<8x8x128xf32, #tpu.memory_space<vmem>>
          tpu.wait_dma2 semaphore(%arg13 : memref<!tpu.dma_semaphore, #tpu.memory_space<semaphore_mem>>) src(%dma_wait3A_500 : memref<8x8x128xf32, #tpu.memory_space<vmem>>) dst(%dma_wait3A_495 : memref<8x8x128xf32, #tpu.memory_space<hbm>>)
        } else {
        }
        %scan3A_387 = arith.constant 0 : i32
        %scan3A_388 = arith.constant 0 : i32
        %scan3A_389 = arith.constant 64 : i32
        %scan3A_390 = arith.addi %scan3A_388, %scan3A_389 : i32
        %scan3A_391 = arith.constant 4 : i32
        scf.for %scan3A_450 = %scan3A_388 to %scan3A_390 step %scan3A_391  : i32 {
          %add3A_451 = vector.broadcast %scan3A_450 : i32 to vector<16xi32>
          %add3A_452 = arith.addi %iota3A, %add3A_451 : vector<16xi32>
          %and3A = arith.constant 63 : i32
          %and3A_453 = vector.broadcast %and3A : i32 to vector<16xi32>
          %and3A_454 = arith.andi %add3A_452, %and3A_453 : vector<16xi32>
          %shift_right_arithmetic3A = arith.constant 3 : i32
          %shift_right_arithmetic3A_455 = vector.broadcast %shift_right_arithmetic3A : i32 to vector<16xi32>
          %shift_right_arithmetic3A_456 = arith.shrsi %and3A_454, %shift_right_arithmetic3A_455 : vector<16xi32>
          %and3A_457 = arith.constant 7 : i32
          %and3A_458 = vector.broadcast %and3A_457 : i32 to vector<16xi32>
          %and3A_459 = arith.andi %and3A_454, %and3A_458 : vector<16xi32>
          %broadcast_in_dim3A = arith.constant 0 : i32
          %broadcast_in_dim3A_460 = vector.broadcast %broadcast_in_dim3A : i32 to vector<16xi32>
          %add3A_461 = arith.constant 0 : i32
          %add3A_462 = vector.broadcast %add3A_461 : i32 to vector<16xi32>
          %add3A_463 = arith.addi %add3A_462, %iota3A : vector<16xi32>
          %gather3A = tpu.vector_load_idx %arg7[%add3A_463, %and3A_454] : memref<256x64xf32, #tpu.memory_space<vmem>>[vector<16xi32>, vector<16xi32>], vector<16xf32>,
          %add3A_464 = arith.constant 0 : i32
          %add3A_465 = vector.broadcast %add3A_464 : i32 to vector<16xi32>
          %add3A_466 = arith.addi %add3A_465, %iota3A : vector<16xi32>
          tpu.vector_store_idx %arg9[%broadcast_in_dim3A_460, %shift_right_arithmetic3A_456, %and3A_459, %add3A_466], %gather3A : memref<2x8x8x128xf32, #tpu.memory_space<vmem>>[vector<16xi32>, vector<16xi32>, vector<16xi32>, vector<16xi32>], vector<16xf32>,
          %add3A_467 = arith.constant 16 : i32
          %add3A_468 = vector.broadcast %add3A_467 : i32 to vector<16xi32>
          %add3A_469 = arith.addi %add3A_468, %iota3A : vector<16xi32>
          %gather3A_470 = tpu.vector_load_idx %arg7[%add3A_469, %and3A_454] : memref<256x64xf32, #tpu.memory_space<vmem>>[vector<16xi32>, vector<16xi32>], vector<16xf32>,
          %add3A_471 = arith.constant 16 : i32
          %add3A_472 = vector.broadcast %add3A_471 : i32 to vector<16xi32>
          %add3A_473 = arith.addi %add3A_472, %iota3A : vector<16xi32>
          tpu.vector_store_idx %arg9[%broadcast_in_dim3A_460, %shift_right_arithmetic3A_456, %and3A_459, %add3A_473], %gather3A_470 : memref<2x8x8x128xf32, #tpu.memory_space<vmem>>[vector<16xi32>, vector<16xi32>, vector<16xi32>, vector<16xi32>], vector<16xf32>,
          %add3A_474 = arith.constant 32 : i32
          %add3A_475 = vector.broadcast %add3A_474 : i32 to vector<16xi32>
          %add3A_476 = arith.addi %add3A_475, %iota3A : vector<16xi32>
          %gather3A_477 = tpu.vector_load_idx %arg7[%add3A_476, %and3A_454] : memref<256x64xf32, #tpu.memory_space<vmem>>[vector<16xi32>, vector<16xi32>], vector<16xf32>,
          %add3A_478 = arith.constant 32 : i32
          %add3A_479 = vector.broadcast %add3A_478 : i32 to vector<16xi32>
          %add3A_480 = arith.addi %add3A_479, %iota3A : vector<16xi32>
          tpu.vector_store_idx %arg9[%broadcast_in_dim3A_460, %shift_right_arithmetic3A_456, %and3A_459, %add3A_480], %gather3A_477 : memref<2x8x8x128xf32, #tpu.memory_space<vmem>>[vector<16xi32>, vector<16xi32>, vector<16xi32>, vector<16xi32>], vector<16xf32>,
          %add3A_481 = arith.constant 48 : i32
          %add3A_482 = vector.broadcast %add3A_481 : i32 to vector<16xi32>
          %add3A_483 = arith.addi %add3A_482, %iota3A : vector<16xi32>
          %gather3A_484 = tpu.vector_load_idx %arg7[%add3A_483, %and3A_454] : memref<256x64xf32, #tpu.memory_space<vmem>>[vector<16xi32>, vector<16xi32>], vector<16xf32>,
          %add3A_485 = arith.constant 48 : i32
          %add3A_486 = vector.broadcast %add3A_485 : i32 to vector<16xi32>
          %add3A_487 = arith.addi %add3A_486, %iota3A : vector<16xi32>
          tpu.vector_store_idx %arg9[%broadcast_in_dim3A_460, %shift_right_arithmetic3A_456, %and3A_459, %add3A_487], %gather3A_484 : memref<2x8x8x128xf32, #tpu.memory_space<vmem>>[vector<16xi32>, vector<16xi32>, vector<16xi32>, vector<16xi32>], vector<16xf32>,
          %add3A_488 = arith.constant 64 : i32
          %add3A_489 = vector.broadcast %add3A_488 : i32 to vector<16xi32>
          %add3A_490 = arith.addi %add3A_489, %iota3A : vector<16xi32>
          %gather3A_491 = tpu.vector_load_idx %arg7[%add3A_490, %and3A_454] : memref<256x64xf32, #tpu.memory_space<vmem>>[vector<16xi32>, vector<16xi32>], vector<16xf32>,
          %add3A_492 = arith.constant 64 : i32
          %add3A_493 = vector.broadcast %add3A_492 : i32 to vector<16xi32>
          %add3A_494 = arith.addi %add3A_493, %iota3A : vector<16xi32>
          tpu.vector_store_idx %arg9[%broadcast_in_dim3A_460, %shift_right_arithmetic3A_456, %and3A_459, %add3A_494], %gather3A_491 : memref<2x8x8x128xf32, #tpu.memory_space<vmem>>[vector<16xi32>, vector<16xi32>, vector<16xi32>, vector<16xi32>], vector<16xf32>,
          %add3A_495 = arith.constant 80 : i32
          %add3A_496 = vector.broadcast %add3A_495 : i32 to vector<16xi32>
          %add3A_497 = arith.addi %add3A_496, %iota3A : vector<16xi32>
          %gather3A_498 = tpu.vector_load_idx %arg7[%add3A_497, %and3A_454] : memref<256x64xf32, #tpu.memory_space<vmem>>[vector<16xi32>, vector<16xi32>], vector<16xf32>,
          %add3A_499 = arith.constant 80 : i32
          %add3A_500 = vector.broadcast %add3A_499 : i32 to vector<16xi32>
          %add3A_501 = arith.addi %add3A_500, %iota3A : vector<16xi32>
          tpu.vector_store_idx %arg9[%broadcast_in_dim3A_460, %shift_right_arithmetic3A_456, %and3A_459, %add3A_501], %gather3A_498 : memref<2x8x8x128xf32, #tpu.memory_space<vmem>>[vector<16xi32>, vector<16xi32>, vector<16xi32>, vector<16xi32>], vector<16xf32>,
          %add3A_502 = arith.constant 96 : i32
          %add3A_503 = vector.broadcast %add3A_502 : i32 to vector<16xi32>
          %add3A_504 = arith.addi %add3A_503, %iota3A : vector<16xi32>
          %gather3A_505 = tpu.vector_load_idx %arg7[%add3A_504, %and3A_454] : memref<256x64xf32, #tpu.memory_space<vmem>>[vector<16xi32>, vector<16xi32>], vector<16xf32>,
          %add3A_506 = arith.constant 96 : i32
          %add3A_507 = vector.broadcast %add3A_506 : i32 to vector<16xi32>
          %add3A_508 = arith.addi %add3A_507, %iota3A : vector<16xi32>
          tpu.vector_store_idx %arg9[%broadcast_in_dim3A_460, %shift_right_arithmetic3A_456, %and3A_459, %add3A_508], %gather3A_505 : memref<2x8x8x128xf32, #tpu.memory_space<vmem>>[vector<16xi32>, vector<16xi32>, vector<16xi32>, vector<16xi32>], vector<16xf32>,
          %add3A_509 = arith.constant 112 : i32
          %add3A_510 = vector.broadcast %add3A_509 : i32 to vector<16xi32>
          %add3A_511 = arith.addi %add3A_510, %iota3A : vector<16xi32>
          %gather3A_512 = tpu.vector_load_idx %arg7[%add3A_511, %and3A_454] : memref<256x64xf32, #tpu.memory_space<vmem>>[vector<16xi32>, vector<16xi32>], vector<16xf32>,
          %add3A_513 = arith.constant 112 : i32
          %add3A_514 = vector.broadcast %add3A_513 : i32 to vector<16xi32>
          %add3A_515 = arith.addi %add3A_514, %iota3A : vector<16xi32>
          tpu.vector_store_idx %arg9[%broadcast_in_dim3A_460, %shift_right_arithmetic3A_456, %and3A_459, %add3A_515], %gather3A_512 : memref<2x8x8x128xf32, #tpu.memory_space<vmem>>[vector<16xi32>, vector<16xi32>, vector<16xi32>, vector<16xi32>], vector<16xf32>,
          %broadcast_in_dim3A_516 = arith.constant 1 : i32
          %broadcast_in_dim3A_517 = vector.broadcast %broadcast_in_dim3A_516 : i32 to vector<16xi32>
          %add3A_518 = arith.constant 128 : i32
          %add3A_519 = vector.broadcast %add3A_518 : i32 to vector<16xi32>
          %add3A_520 = arith.addi %add3A_519, %iota3A : vector<16xi32>
          %gather3A_521 = tpu.vector_load_idx %arg7[%add3A_520, %and3A_454] : memref<256x64xf32, #tpu.memory_space<vmem>>[vector<16xi32>, vector<16xi32>], vector<16xf32>,
          %add3A_522 = arith.constant 0 : i32
          %add3A_523 = vector.broadcast %add3A_522 : i32 to vector<16xi32>
          %add3A_524 = arith.addi %add3A_523, %iota3A : vector<16xi32>
          tpu.vector_store_idx %arg9[%broadcast_in_dim3A_517, %shift_right_arithmetic3A_456, %and3A_459, %add3A_524], %gather3A_521 : memref<2x8x8x128xf32, #tpu.memory_space<vmem>>[vector<16xi32>, vector<16xi32>, vector<16xi32>, vector<16xi32>], vector<16xf32>,
          %add3A_525 = arith.constant 144 : i32
          %add3A_526 = vector.broadcast %add3A_525 : i32 to vector<16xi32>
          %add3A_527 = arith.addi %add3A_526, %iota3A : vector<16xi32>
          %gather3A_528 = tpu.vector_load_idx %arg7[%add3A_527, %and3A_454] : memref<256x64xf32, #tpu.memory_space<vmem>>[vector<16xi32>, vector<16xi32>], vector<16xf32>,
          %add3A_529 = arith.constant 16 : i32
          %add3A_530 = vector.broadcast %add3A_529 : i32 to vector<16xi32>
          %add3A_531 = arith.addi %add3A_530, %iota3A : vector<16xi32>
          tpu.vector_store_idx %arg9[%broadcast_in_dim3A_517, %shift_right_arithmetic3A_456, %and3A_459, %add3A_531], %gather3A_528 : memref<2x8x8x128xf32, #tpu.memory_space<vmem>>[vector<16xi32>, vector<16xi32>, vector<16xi32>, vector<16xi32>], vector<16xf32>,
          %add3A_532 = arith.constant 160 : i32
          %add3A_533 = vector.broadcast %add3A_532 : i32 to vector<16xi32>
          %add3A_534 = arith.addi %add3A_533, %iota3A : vector<16xi32>
          %gather3A_535 = tpu.vector_load_idx %arg7[%add3A_534, %and3A_454] : memref<256x64xf32, #tpu.memory_space<vmem>>[vector<16xi32>, vector<16xi32>], vector<16xf32>,
          %add3A_536 = arith.constant 32 : i32
          %add3A_537 = vector.broadcast %add3A_536 : i32 to vector<16xi32>
          %add3A_538 = arith.addi %add3A_537, %iota3A : vector<16xi32>
          tpu.vector_store_idx %arg9[%broadcast_in_dim3A_517, %shift_right_arithmetic3A_456, %and3A_459, %add3A_538], %gather3A_535 : memref<2x8x8x128xf32, #tpu.memory_space<vmem>>[vector<16xi32>, vector<16xi32>, vector<16xi32>, vector<16xi32>], vector<16xf32>,
          %add3A_539 = arith.constant 176 : i32
          %add3A_540 = vector.broadcast %add3A_539 : i32 to vector<16xi32>
          %add3A_541 = arith.addi %add3A_540, %iota3A : vector<16xi32>
          %gather3A_542 = tpu.vector_load_idx %arg7[%add3A_541, %and3A_454] : memref<256x64xf32, #tpu.memory_space<vmem>>[vector<16xi32>, vector<16xi32>], vector<16xf32>,
          %add3A_543 = arith.constant 48 : i32
          %add3A_544 = vector.broadcast %add3A_543 : i32 to vector<16xi32>
          %add3A_545 = arith.addi %add3A_544, %iota3A : vector<16xi32>
          tpu.vector_store_idx %arg9[%broadcast_in_dim3A_517, %shift_right_arithmetic3A_456, %and3A_459, %add3A_545], %gather3A_542 : memref<2x8x8x128xf32, #tpu.memory_space<vmem>>[vector<16xi32>, vector<16xi32>, vector<16xi32>, vector<16xi32>], vector<16xf32>,
          %add3A_546 = arith.constant 192 : i32
          %add3A_547 = vector.broadcast %add3A_546 : i32 to vector<16xi32>
          %add3A_548 = arith.addi %add3A_547, %iota3A : vector<16xi32>
          %gather3A_549 = tpu.vector_load_idx %arg7[%add3A_548, %and3A_454] : memref<256x64xf32, #tpu.memory_space<vmem>>[vector<16xi32>, vector<16xi32>], vector<16xf32>,
          %add3A_550 = arith.constant 64 : i32
          %add3A_551 = vector.broadcast %add3A_550 : i32 to vector<16xi32>
          %add3A_552 = arith.addi %add3A_551, %iota3A : vector<16xi32>
          tpu.vector_store_idx %arg9[%broadcast_in_dim3A_517, %shift_right_arithmetic3A_456, %and3A_459, %add3A_552], %gather3A_549 : memref<2x8x8x128xf32, #tpu.memory_space<vmem>>[vector<16xi32>, vector<16xi32>, vector<16xi32>, vector<16xi32>], vector<16xf32>,
          %add3A_553 = arith.constant 208 : i32
          %add3A_554 = vector.broadcast %add3A_553 : i32 to vector<16xi32>
          %add3A_555 = arith.addi %add3A_554, %iota3A : vector<16xi32>
          %gather3A_556 = tpu.vector_load_idx %arg7[%add3A_555, %and3A_454] : memref<256x64xf32, #tpu.memory_space<vmem>>[vector<16xi32>, vector<16xi32>], vector<16xf32>,
          %add3A_557 = arith.constant 80 : i32
          %add3A_558 = vector.broadcast %add3A_557 : i32 to vector<16xi32>
          %add3A_559 = arith.addi %add3A_558, %iota3A : vector<16xi32>
          tpu.vector_store_idx %arg9[%broadcast_in_dim3A_517, %shift_right_arithmetic3A_456, %and3A_459, %add3A_559], %gather3A_556 : memref<2x8x8x128xf32, #tpu.memory_space<vmem>>[vector<16xi32>, vector<16xi32>, vector<16xi32>, vector<16xi32>], vector<16xf32>,
          %add3A_560 = arith.constant 224 : i32
          %add3A_561 = vector.broadcast %add3A_560 : i32 to vector<16xi32>
          %add3A_562 = arith.addi %add3A_561, %iota3A : vector<16xi32>
          %gather3A_563 = tpu.vector_load_idx %arg7[%add3A_562, %and3A_454] : memref<256x64xf32, #tpu.memory_space<vmem>>[vector<16xi32>, vector<16xi32>], vector<16xf32>,
          %add3A_564 = arith.constant 96 : i32
          %add3A_565 = vector.broadcast %add3A_564 : i32 to vector<16xi32>
          %add3A_566 = arith.addi %add3A_565, %iota3A : vector<16xi32>
          tpu.vector_store_idx %arg9[%broadcast_in_dim3A_517, %shift_right_arithmetic3A_456, %and3A_459, %add3A_566], %gather3A_563 : memref<2x8x8x128xf32, #tpu.memory_space<vmem>>[vector<16xi32>, vector<16xi32>, vector<16xi32>, vector<16xi32>], vector<16xf32>,
          %add3A_567 = arith.constant 240 : i32
          %add3A_568 = vector.broadcast %add3A_567 : i32 to vector<16xi32>
          %add3A_569 = arith.addi %add3A_568, %iota3A : vector<16xi32>
          %gather3A_570 = tpu.vector_load_idx %arg7[%add3A_569, %and3A_454] : memref<256x64xf32, #tpu.memory_space<vmem>>[vector<16xi32>, vector<16xi32>], vector<16xf32>,
          %add3A_571 = arith.constant 112 : i32
          %add3A_572 = vector.broadcast %add3A_571 : i32 to vector<16xi32>
          %add3A_573 = arith.addi %add3A_572, %iota3A : vector<16xi32>
          tpu.vector_store_idx %arg9[%broadcast_in_dim3A_517, %shift_right_arithmetic3A_456, %and3A_459, %add3A_573], %gather3A_570 : memref<2x8x8x128xf32, #tpu.memory_space<vmem>>[vector<16xi32>, vector<16xi32>, vector<16xi32>, vector<16xi32>], vector<16xf32>,
          %scan3A_574 = arith.constant 1 : i32
          %scan3A_575 = arith.addi %scan3A_450, %scan3A_574 : i32
          %add3A_576 = vector.broadcast %scan3A_575 : i32 to vector<16xi32>
          %add3A_577 = arith.addi %iota3A, %add3A_576 : vector<16xi32>
          %and3A_578 = arith.constant 63 : i32
          %and3A_579 = vector.broadcast %and3A_578 : i32 to vector<16xi32>
          %and3A_580 = arith.andi %add3A_577, %and3A_579 : vector<16xi32>
          %shift_right_arithmetic3A_581 = arith.constant 3 : i32
          %shift_right_arithmetic3A_582 = vector.broadcast %shift_right_arithmetic3A_581 : i32 to vector<16xi32>
          %shift_right_arithmetic3A_583 = arith.shrsi %and3A_580, %shift_right_arithmetic3A_582 : vector<16xi32>
          %and3A_584 = arith.constant 7 : i32
          %and3A_585 = vector.broadcast %and3A_584 : i32 to vector<16xi32>
          %and3A_586 = arith.andi %and3A_580, %and3A_585 : vector<16xi32>
          %broadcast_in_dim3A_587 = arith.constant 0 : i32
          %broadcast_in_dim3A_588 = vector.broadcast %broadcast_in_dim3A_587 : i32 to vector<16xi32>
          %add3A_589 = arith.constant 0 : i32
          %add3A_590 = vector.broadcast %add3A_589 : i32 to vector<16xi32>
          %add3A_591 = arith.addi %add3A_590, %iota3A : vector<16xi32>
          %gather3A_592 = tpu.vector_load_idx %arg7[%add3A_591, %and3A_580] : memref<256x64xf32, #tpu.memory_space<vmem>>[vector<16xi32>, vector<16xi32>], vector<16xf32>,
          %add3A_593 = arith.constant 0 : i32
          %add3A_594 = vector.broadcast %add3A_593 : i32 to vector<16xi32>
          %add3A_595 = arith.addi %add3A_594, %iota3A : vector<16xi32>
          tpu.vector_store_idx %arg9[%broadcast_in_dim3A_588, %shift_right_arithmetic3A_583, %and3A_586, %add3A_595], %gather3A_592 : memref<2x8x8x128xf32, #tpu.memory_space<vmem>>[vector<16xi32>, vector<16xi32>, vector<16xi32>, vector<16xi32>], vector<16xf32>,
          %add3A_596 = arith.constant 16 : i32
          %add3A_597 = vector.broadcast %add3A_596 : i32 to vector<16xi32>
          %add3A_598 = arith.addi %add3A_597, %iota3A : vector<16xi32>
          %gather3A_599 = tpu.vector_load_idx %arg7[%add3A_598, %and3A_580] : memref<256x64xf32, #tpu.memory_space<vmem>>[vector<16xi32>, vector<16xi32>], vector<16xf32>,
          %add3A_600 = arith.constant 16 : i32
          %add3A_601 = vector.broadcast %add3A_600 : i32 to vector<16xi32>
          %add3A_602 = arith.addi %add3A_601, %iota3A : vector<16xi32>
          tpu.vector_store_idx %arg9[%broadcast_in_dim3A_588, %shift_right_arithmetic3A_583, %and3A_586, %add3A_602], %gather3A_599 : memref<2x8x8x128xf32, #tpu.memory_space<vmem>>[vector<16xi32>, vector<16xi32>, vector<16xi32>, vector<16xi32>], vector<16xf32>,
          %add3A_603 = arith.constant 32 : i32
          %add3A_604 = vector.broadcast %add3A_603 : i32 to vector<16xi32>
          %add3A_605 = arith.addi %add3A_604, %iota3A : vector<16xi32>
          %gather3A_606 = tpu.vector_load_idx %arg7[%add3A_605, %and3A_580] : memref<256x64xf32, #tpu.memory_space<vmem>>[vector<16xi32>, vector<16xi32>], vector<16xf32>,
          %add3A_607 = arith.constant 32 : i32
          %add3A_608 = vector.broadcast %add3A_607 : i32 to vector<16xi32>
          %add3A_609 = arith.addi %add3A_608, %iota3A : vector<16xi32>
          tpu.vector_store_idx %arg9[%broadcast_in_dim3A_588, %shift_right_arithmetic3A_583, %and3A_586, %add3A_609], %gather3A_606 : memref<2x8x8x128xf32, #tpu.memory_space<vmem>>[vector<16xi32>, vector<16xi32>, vector<16xi32>, vector<16xi32>], vector<16xf32>,
          %add3A_610 = arith.constant 48 : i32
          %add3A_611 = vector.broadcast %add3A_610 : i32 to vector<16xi32>
          %add3A_612 = arith.addi %add3A_611, %iota3A : vector<16xi32>
          %gather3A_613 = tpu.vector_load_idx %arg7[%add3A_612, %and3A_580] : memref<256x64xf32, #tpu.memory_space<vmem>>[vector<16xi32>, vector<16xi32>], vector<16xf32>,
          %add3A_614 = arith.constant 48 : i32
          %add3A_615 = vector.broadcast %add3A_614 : i32 to vector<16xi32>
          %add3A_616 = arith.addi %add3A_615, %iota3A : vector<16xi32>
          tpu.vector_store_idx %arg9[%broadcast_in_dim3A_588, %shift_right_arithmetic3A_583, %and3A_586, %add3A_616], %gather3A_613 : memref<2x8x8x128xf32, #tpu.memory_space<vmem>>[vector<16xi32>, vector<16xi32>, vector<16xi32>, vector<16xi32>], vector<16xf32>,
          %add3A_617 = arith.constant 64 : i32
          %add3A_618 = vector.broadcast %add3A_617 : i32 to vector<16xi32>
          %add3A_619 = arith.addi %add3A_618, %iota3A : vector<16xi32>
          %gather3A_620 = tpu.vector_load_idx %arg7[%add3A_619, %and3A_580] : memref<256x64xf32, #tpu.memory_space<vmem>>[vector<16xi32>, vector<16xi32>], vector<16xf32>,
          %add3A_621 = arith.constant 64 : i32
          %add3A_622 = vector.broadcast %add3A_621 : i32 to vector<16xi32>
          %add3A_623 = arith.addi %add3A_622, %iota3A : vector<16xi32>
          tpu.vector_store_idx %arg9[%broadcast_in_dim3A_588, %shift_right_arithmetic3A_583, %and3A_586, %add3A_623], %gather3A_620 : memref<2x8x8x128xf32, #tpu.memory_space<vmem>>[vector<16xi32>, vector<16xi32>, vector<16xi32>, vector<16xi32>], vector<16xf32>,
          %add3A_624 = arith.constant 80 : i32
          %add3A_625 = vector.broadcast %add3A_624 : i32 to vector<16xi32>
          %add3A_626 = arith.addi %add3A_625, %iota3A : vector<16xi32>
          %gather3A_627 = tpu.vector_load_idx %arg7[%add3A_626, %and3A_580] : memref<256x64xf32, #tpu.memory_space<vmem>>[vector<16xi32>, vector<16xi32>], vector<16xf32>,
          %add3A_628 = arith.constant 80 : i32
          %add3A_629 = vector.broadcast %add3A_628 : i32 to vector<16xi32>
          %add3A_630 = arith.addi %add3A_629, %iota3A : vector<16xi32>
          tpu.vector_store_idx %arg9[%broadcast_in_dim3A_588, %shift_right_arithmetic3A_583, %and3A_586, %add3A_630], %gather3A_627 : memref<2x8x8x128xf32, #tpu.memory_space<vmem>>[vector<16xi32>, vector<16xi32>, vector<16xi32>, vector<16xi32>], vector<16xf32>,
          %add3A_631 = arith.constant 96 : i32
          %add3A_632 = vector.broadcast %add3A_631 : i32 to vector<16xi32>
          %add3A_633 = arith.addi %add3A_632, %iota3A : vector<16xi32>
          %gather3A_634 = tpu.vector_load_idx %arg7[%add3A_633, %and3A_580] : memref<256x64xf32, #tpu.memory_space<vmem>>[vector<16xi32>, vector<16xi32>], vector<16xf32>,
          %add3A_635 = arith.constant 96 : i32
          %add3A_636 = vector.broadcast %add3A_635 : i32 to vector<16xi32>
          %add3A_637 = arith.addi %add3A_636, %iota3A : vector<16xi32>
          tpu.vector_store_idx %arg9[%broadcast_in_dim3A_588, %shift_right_arithmetic3A_583, %and3A_586, %add3A_637], %gather3A_634 : memref<2x8x8x128xf32, #tpu.memory_space<vmem>>[vector<16xi32>, vector<16xi32>, vector<16xi32>, vector<16xi32>], vector<16xf32>,
          %add3A_638 = arith.constant 112 : i32
          %add3A_639 = vector.broadcast %add3A_638 : i32 to vector<16xi32>
          %add3A_640 = arith.addi %add3A_639, %iota3A : vector<16xi32>
          %gather3A_641 = tpu.vector_load_idx %arg7[%add3A_640, %and3A_580] : memref<256x64xf32, #tpu.memory_space<vmem>>[vector<16xi32>, vector<16xi32>], vector<16xf32>,
          %add3A_642 = arith.constant 112 : i32
          %add3A_643 = vector.broadcast %add3A_642 : i32 to vector<16xi32>
          %add3A_644 = arith.addi %add3A_643, %iota3A : vector<16xi32>
          tpu.vector_store_idx %arg9[%broadcast_in_dim3A_588, %shift_right_arithmetic3A_583, %and3A_586, %add3A_644], %gather3A_641 : memref<2x8x8x128xf32, #tpu.memory_space<vmem>>[vector<16xi32>, vector<16xi32>, vector<16xi32>, vector<16xi32>], vector<16xf32>,
          %broadcast_in_dim3A_645 = arith.constant 1 : i32
          %broadcast_in_dim3A_646 = vector.broadcast %broadcast_in_dim3A_645 : i32 to vector<16xi32>
          %add3A_647 = arith.constant 128 : i32
          %add3A_648 = vector.broadcast %add3A_647 : i32 to vector<16xi32>
          %add3A_649 = arith.addi %add3A_648, %iota3A : vector<16xi32>
          %gather3A_650 = tpu.vector_load_idx %arg7[%add3A_649, %and3A_580] : memref<256x64xf32, #tpu.memory_space<vmem>>[vector<16xi32>, vector<16xi32>], vector<16xf32>,
          %add3A_651 = arith.constant 0 : i32
          %add3A_652 = vector.broadcast %add3A_651 : i32 to vector<16xi32>
          %add3A_653 = arith.addi %add3A_652, %iota3A : vector<16xi32>
          tpu.vector_store_idx %arg9[%broadcast_in_dim3A_646, %shift_right_arithmetic3A_583, %and3A_586, %add3A_653], %gather3A_650 : memref<2x8x8x128xf32, #tpu.memory_space<vmem>>[vector<16xi32>, vector<16xi32>, vector<16xi32>, vector<16xi32>], vector<16xf32>,
          %add3A_654 = arith.constant 144 : i32
          %add3A_655 = vector.broadcast %add3A_654 : i32 to vector<16xi32>
          %add3A_656 = arith.addi %add3A_655, %iota3A : vector<16xi32>
          %gather3A_657 = tpu.vector_load_idx %arg7[%add3A_656, %and3A_580] : memref<256x64xf32, #tpu.memory_space<vmem>>[vector<16xi32>, vector<16xi32>], vector<16xf32>,
          %add3A_658 = arith.constant 16 : i32
          %add3A_659 = vector.broadcast %add3A_658 : i32 to vector<16xi32>
          %add3A_660 = arith.addi %add3A_659, %iota3A : vector<16xi32>
          tpu.vector_store_idx %arg9[%broadcast_in_dim3A_646, %shift_right_arithmetic3A_583, %and3A_586, %add3A_660], %gather3A_657 : memref<2x8x8x128xf32, #tpu.memory_space<vmem>>[vector<16xi32>, vector<16xi32>, vector<16xi32>, vector<16xi32>], vector<16xf32>,
          %add3A_661 = arith.constant 160 : i32
          %add3A_662 = vector.broadcast %add3A_661 : i32 to vector<16xi32>
          %add3A_663 = arith.addi %add3A_662, %iota3A : vector<16xi32>
          %gather3A_664 = tpu.vector_load_idx %arg7[%add3A_663, %and3A_580] : memref<256x64xf32, #tpu.memory_space<vmem>>[vector<16xi32>, vector<16xi32>], vector<16xf32>,
          %add3A_665 = arith.constant 32 : i32
          %add3A_666 = vector.broadcast %add3A_665 : i32 to vector<16xi32>
          %add3A_667 = arith.addi %add3A_666, %iota3A : vector<16xi32>
          tpu.vector_store_idx %arg9[%broadcast_in_dim3A_646, %shift_right_arithmetic3A_583, %and3A_586, %add3A_667], %gather3A_664 : memref<2x8x8x128xf32, #tpu.memory_space<vmem>>[vector<16xi32>, vector<16xi32>, vector<16xi32>, vector<16xi32>], vector<16xf32>,
          %add3A_668 = arith.constant 176 : i32
          %add3A_669 = vector.broadcast %add3A_668 : i32 to vector<16xi32>
          %add3A_670 = arith.addi %add3A_669, %iota3A : vector<16xi32>
          %gather3A_671 = tpu.vector_load_idx %arg7[%add3A_670, %and3A_580] : memref<256x64xf32, #tpu.memory_space<vmem>>[vector<16xi32>, vector<16xi32>], vector<16xf32>,
          %add3A_672 = arith.constant 48 : i32
          %add3A_673 = vector.broadcast %add3A_672 : i32 to vector<16xi32>
          %add3A_674 = arith.addi %add3A_673, %iota3A : vector<16xi32>
          tpu.vector_store_idx %arg9[%broadcast_in_dim3A_646, %shift_right_arithmetic3A_583, %and3A_586, %add3A_674], %gather3A_671 : memref<2x8x8x128xf32, #tpu.memory_space<vmem>>[vector<16xi32>, vector<16xi32>, vector<16xi32>, vector<16xi32>], vector<16xf32>,
          %add3A_675 = arith.constant 192 : i32
          %add3A_676 = vector.broadcast %add3A_675 : i32 to vector<16xi32>
          %add3A_677 = arith.addi %add3A_676, %iota3A : vector<16xi32>
          %gather3A_678 = tpu.vector_load_idx %arg7[%add3A_677, %and3A_580] : memref<256x64xf32, #tpu.memory_space<vmem>>[vector<16xi32>, vector<16xi32>], vector<16xf32>,
          %add3A_679 = arith.constant 64 : i32
          %add3A_680 = vector.broadcast %add3A_679 : i32 to vector<16xi32>
          %add3A_681 = arith.addi %add3A_680, %iota3A : vector<16xi32>
          tpu.vector_store_idx %arg9[%broadcast_in_dim3A_646, %shift_right_arithmetic3A_583, %and3A_586, %add3A_681], %gather3A_678 : memref<2x8x8x128xf32, #tpu.memory_space<vmem>>[vector<16xi32>, vector<16xi32>, vector<16xi32>, vector<16xi32>], vector<16xf32>,
          %add3A_682 = arith.constant 208 : i32
          %add3A_683 = vector.broadcast %add3A_682 : i32 to vector<16xi32>
          %add3A_684 = arith.addi %add3A_683, %iota3A : vector<16xi32>
          %gather3A_685 = tpu.vector_load_idx %arg7[%add3A_684, %and3A_580] : memref<256x64xf32, #tpu.memory_space<vmem>>[vector<16xi32>, vector<16xi32>], vector<16xf32>,
          %add3A_686 = arith.constant 80 : i32
          %add3A_687 = vector.broadcast %add3A_686 : i32 to vector<16xi32>
          %add3A_688 = arith.addi %add3A_687, %iota3A : vector<16xi32>
          tpu.vector_store_idx %arg9[%broadcast_in_dim3A_646, %shift_right_arithmetic3A_583, %and3A_586, %add3A_688], %gather3A_685 : memref<2x8x8x128xf32, #tpu.memory_space<vmem>>[vector<16xi32>, vector<16xi32>, vector<16xi32>, vector<16xi32>], vector<16xf32>,
          %add3A_689 = arith.constant 224 : i32
          %add3A_690 = vector.broadcast %add3A_689 : i32 to vector<16xi32>
          %add3A_691 = arith.addi %add3A_690, %iota3A : vector<16xi32>
          %gather3A_692 = tpu.vector_load_idx %arg7[%add3A_691, %and3A_580] : memref<256x64xf32, #tpu.memory_space<vmem>>[vector<16xi32>, vector<16xi32>], vector<16xf32>,
          %add3A_693 = arith.constant 96 : i32
          %add3A_694 = vector.broadcast %add3A_693 : i32 to vector<16xi32>
          %add3A_695 = arith.addi %add3A_694, %iota3A : vector<16xi32>
          tpu.vector_store_idx %arg9[%broadcast_in_dim3A_646, %shift_right_arithmetic3A_583, %and3A_586, %add3A_695], %gather3A_692 : memref<2x8x8x128xf32, #tpu.memory_space<vmem>>[vector<16xi32>, vector<16xi32>, vector<16xi32>, vector<16xi32>], vector<16xf32>,
          %add3A_696 = arith.constant 240 : i32
          %add3A_697 = vector.broadcast %add3A_696 : i32 to vector<16xi32>
          %add3A_698 = arith.addi %add3A_697, %iota3A : vector<16xi32>
          %gather3A_699 = tpu.vector_load_idx %arg7[%add3A_698, %and3A_580] : memref<256x64xf32, #tpu.memory_space<vmem>>[vector<16xi32>, vector<16xi32>], vector<16xf32>,
          %add3A_700 = arith.constant 112 : i32
          %add3A_701 = vector.broadcast %add3A_700 : i32 to vector<16xi32>
          %add3A_702 = arith.addi %add3A_701, %iota3A : vector<16xi32>
          tpu.vector_store_idx %arg9[%broadcast_in_dim3A_646, %shift_right_arithmetic3A_583, %and3A_586, %add3A_702], %gather3A_699 : memref<2x8x8x128xf32, #tpu.memory_space<vmem>>[vector<16xi32>, vector<16xi32>, vector<16xi32>, vector<16xi32>], vector<16xf32>,
          %scan3A_703 = arith.constant 2 : i32
          %scan3A_704 = arith.addi %scan3A_450, %scan3A_703 : i32
          %add3A_705 = vector.broadcast %scan3A_704 : i32 to vector<16xi32>
          %add3A_706 = arith.addi %iota3A, %add3A_705 : vector<16xi32>
          %and3A_707 = arith.constant 63 : i32
          %and3A_708 = vector.broadcast %and3A_707 : i32 to vector<16xi32>
          %and3A_709 = arith.andi %add3A_706, %and3A_708 : vector<16xi32>
          %shift_right_arithmetic3A_710 = arith.constant 3 : i32
          %shift_right_arithmetic3A_711 = vector.broadcast %shift_right_arithmetic3A_710 : i32 to vector<16xi32>
          %shift_right_arithmetic3A_712 = arith.shrsi %and3A_709, %shift_right_arithmetic3A_711 : vector<16xi32>
          %and3A_713 = arith.constant 7 : i32
          %and3A_714 = vector.broadcast %and3A_713 : i32 to vector<16xi32>
          %and3A_715 = arith.andi %and3A_709, %and3A_714 : vector<16xi32>
          %broadcast_in_dim3A_716 = arith.constant 0 : i32
          %broadcast_in_dim3A_717 = vector.broadcast %broadcast_in_dim3A_716 : i32 to vector<16xi32>
          %add3A_718 = arith.constant 0 : i32
          %add3A_719 = vector.broadcast %add3A_718 : i32 to vector<16xi32>
          %add3A_720 = arith.addi %add3A_719, %iota3A : vector<16xi32>
          %gather3A_721 = tpu.vector_load_idx %arg7[%add3A_720, %and3A_709] : memref<256x64xf32, #tpu.memory_space<vmem>>[vector<16xi32>, vector<16xi32>], vector<16xf32>,
          %add3A_722 = arith.constant 0 : i32
          %add3A_723 = vector.broadcast %add3A_722 : i32 to vector<16xi32>
          %add3A_724 = arith.addi %add3A_723, %iota3A : vector<16xi32>
          tpu.vector_store_idx %arg9[%broadcast_in_dim3A_717, %shift_right_arithmetic3A_712, %and3A_715, %add3A_724], %gather3A_721 : memref<2x8x8x128xf32, #tpu.memory_space<vmem>>[vector<16xi32>, vector<16xi32>, vector<16xi32>, vector<16xi32>], vector<16xf32>,
          %add3A_725 = arith.constant 16 : i32
          %add3A_726 = vector.broadcast %add3A_725 : i32 to vector<16xi32>
          %add3A_727 = arith.addi %add3A_726, %iota3A : vector<16xi32>
          %gather3A_728 = tpu.vector_load_idx %arg7[%add3A_727, %and3A_709] : memref<256x64xf32, #tpu.memory_space<vmem>>[vector<16xi32>, vector<16xi32>], vector<16xf32>,
          %add3A_729 = arith.constant 16 : i32
          %add3A_730 = vector.broadcast %add3A_729 : i32 to vector<16xi32>
          %add3A_731 = arith.addi %add3A_730, %iota3A : vector<16xi32>
          tpu.vector_store_idx %arg9[%broadcast_in_dim3A_717, %shift_right_arithmetic3A_712, %and3A_715, %add3A_731], %gather3A_728 : memref<2x8x8x128xf32, #tpu.memory_space<vmem>>[vector<16xi32>, vector<16xi32>, vector<16xi32>, vector<16xi32>], vector<16xf32>,
          %add3A_732 = arith.constant 32 : i32
          %add3A_733 = vector.broadcast %add3A_732 : i32 to vector<16xi32>
          %add3A_734 = arith.addi %add3A_733, %iota3A : vector<16xi32>
          %gather3A_735 = tpu.vector_load_idx %arg7[%add3A_734, %and3A_709] : memref<256x64xf32, #tpu.memory_space<vmem>>[vector<16xi32>, vector<16xi32>], vector<16xf32>,
          %add3A_736 = arith.constant 32 : i32
          %add3A_737 = vector.broadcast %add3A_736 : i32 to vector<16xi32>
          %add3A_738 = arith.addi %add3A_737, %iota3A : vector<16xi32>
          tpu.vector_store_idx %arg9[%broadcast_in_dim3A_717, %shift_right_arithmetic3A_712, %and3A_715, %add3A_738], %gather3A_735 : memref<2x8x8x128xf32, #tpu.memory_space<vmem>>[vector<16xi32>, vector<16xi32>, vector<16xi32>, vector<16xi32>], vector<16xf32>,
          %add3A_739 = arith.constant 48 : i32
          %add3A_740 = vector.broadcast %add3A_739 : i32 to vector<16xi32>
          %add3A_741 = arith.addi %add3A_740, %iota3A : vector<16xi32>
          %gather3A_742 = tpu.vector_load_idx %arg7[%add3A_741, %and3A_709] : memref<256x64xf32, #tpu.memory_space<vmem>>[vector<16xi32>, vector<16xi32>], vector<16xf32>,
          %add3A_743 = arith.constant 48 : i32
          %add3A_744 = vector.broadcast %add3A_743 : i32 to vector<16xi32>
          %add3A_745 = arith.addi %add3A_744, %iota3A : vector<16xi32>
          tpu.vector_store_idx %arg9[%broadcast_in_dim3A_717, %shift_right_arithmetic3A_712, %and3A_715, %add3A_745], %gather3A_742 : memref<2x8x8x128xf32, #tpu.memory_space<vmem>>[vector<16xi32>, vector<16xi32>, vector<16xi32>, vector<16xi32>], vector<16xf32>,
          %add3A_746 = arith.constant 64 : i32
          %add3A_747 = vector.broadcast %add3A_746 : i32 to vector<16xi32>
          %add3A_748 = arith.addi %add3A_747, %iota3A : vector<16xi32>
          %gather3A_749 = tpu.vector_load_idx %arg7[%add3A_748, %and3A_709] : memref<256x64xf32, #tpu.memory_space<vmem>>[vector<16xi32>, vector<16xi32>], vector<16xf32>,
          %add3A_750 = arith.constant 64 : i32
          %add3A_751 = vector.broadcast %add3A_750 : i32 to vector<16xi32>
          %add3A_752 = arith.addi %add3A_751, %iota3A : vector<16xi32>
          tpu.vector_store_idx %arg9[%broadcast_in_dim3A_717, %shift_right_arithmetic3A_712, %and3A_715, %add3A_752], %gather3A_749 : memref<2x8x8x128xf32, #tpu.memory_space<vmem>>[vector<16xi32>, vector<16xi32>, vector<16xi32>, vector<16xi32>], vector<16xf32>,
          %add3A_753 = arith.constant 80 : i32
          %add3A_754 = vector.broadcast %add3A_753 : i32 to vector<16xi32>
          %add3A_755 = arith.addi %add3A_754, %iota3A : vector<16xi32>
          %gather3A_756 = tpu.vector_load_idx %arg7[%add3A_755, %and3A_709] : memref<256x64xf32, #tpu.memory_space<vmem>>[vector<16xi32>, vector<16xi32>], vector<16xf32>,
          %add3A_757 = arith.constant 80 : i32
          %add3A_758 = vector.broadcast %add3A_757 : i32 to vector<16xi32>
          %add3A_759 = arith.addi %add3A_758, %iota3A : vector<16xi32>
          tpu.vector_store_idx %arg9[%broadcast_in_dim3A_717, %shift_right_arithmetic3A_712, %and3A_715, %add3A_759], %gather3A_756 : memref<2x8x8x128xf32, #tpu.memory_space<vmem>>[vector<16xi32>, vector<16xi32>, vector<16xi32>, vector<16xi32>], vector<16xf32>,
          %add3A_760 = arith.constant 96 : i32
          %add3A_761 = vector.broadcast %add3A_760 : i32 to vector<16xi32>
          %add3A_762 = arith.addi %add3A_761, %iota3A : vector<16xi32>
          %gather3A_763 = tpu.vector_load_idx %arg7[%add3A_762, %and3A_709] : memref<256x64xf32, #tpu.memory_space<vmem>>[vector<16xi32>, vector<16xi32>], vector<16xf32>,
          %add3A_764 = arith.constant 96 : i32
          %add3A_765 = vector.broadcast %add3A_764 : i32 to vector<16xi32>
          %add3A_766 = arith.addi %add3A_765, %iota3A : vector<16xi32>
          tpu.vector_store_idx %arg9[%broadcast_in_dim3A_717, %shift_right_arithmetic3A_712, %and3A_715, %add3A_766], %gather3A_763 : memref<2x8x8x128xf32, #tpu.memory_space<vmem>>[vector<16xi32>, vector<16xi32>, vector<16xi32>, vector<16xi32>], vector<16xf32>,
          %add3A_767 = arith.constant 112 : i32
          %add3A_768 = vector.broadcast %add3A_767 : i32 to vector<16xi32>
          %add3A_769 = arith.addi %add3A_768, %iota3A : vector<16xi32>
          %gather3A_770 = tpu.vector_load_idx %arg7[%add3A_769, %and3A_709] : memref<256x64xf32, #tpu.memory_space<vmem>>[vector<16xi32>, vector<16xi32>], vector<16xf32>,
          %add3A_771 = arith.constant 112 : i32
          %add3A_772 = vector.broadcast %add3A_771 : i32 to vector<16xi32>
          %add3A_773 = arith.addi %add3A_772, %iota3A : vector<16xi32>
          tpu.vector_store_idx %arg9[%broadcast_in_dim3A_717, %shift_right_arithmetic3A_712, %and3A_715, %add3A_773], %gather3A_770 : memref<2x8x8x128xf32, #tpu.memory_space<vmem>>[vector<16xi32>, vector<16xi32>, vector<16xi32>, vector<16xi32>], vector<16xf32>,
          %broadcast_in_dim3A_774 = arith.constant 1 : i32
          %broadcast_in_dim3A_775 = vector.broadcast %broadcast_in_dim3A_774 : i32 to vector<16xi32>
          %add3A_776 = arith.constant 128 : i32
          %add3A_777 = vector.broadcast %add3A_776 : i32 to vector<16xi32>
          %add3A_778 = arith.addi %add3A_777, %iota3A : vector<16xi32>
          %gather3A_779 = tpu.vector_load_idx %arg7[%add3A_778, %and3A_709] : memref<256x64xf32, #tpu.memory_space<vmem>>[vector<16xi32>, vector<16xi32>], vector<16xf32>,
          %add3A_780 = arith.constant 0 : i32
          %add3A_781 = vector.broadcast %add3A_780 : i32 to vector<16xi32>
          %add3A_782 = arith.addi %add3A_781, %iota3A : vector<16xi32>
          tpu.vector_store_idx %arg9[%broadcast_in_dim3A_775, %shift_right_arithmetic3A_712, %and3A_715, %add3A_782], %gather3A_779 : memref<2x8x8x128xf32, #tpu.memory_space<vmem>>[vector<16xi32>, vector<16xi32>, vector<16xi32>, vector<16xi32>], vector<16xf32>,
          %add3A_783 = arith.constant 144 : i32
          %add3A_784 = vector.broadcast %add3A_783 : i32 to vector<16xi32>
          %add3A_785 = arith.addi %add3A_784, %iota3A : vector<16xi32>
          %gather3A_786 = tpu.vector_load_idx %arg7[%add3A_785, %and3A_709] : memref<256x64xf32, #tpu.memory_space<vmem>>[vector<16xi32>, vector<16xi32>], vector<16xf32>,
          %add3A_787 = arith.constant 16 : i32
          %add3A_788 = vector.broadcast %add3A_787 : i32 to vector<16xi32>
          %add3A_789 = arith.addi %add3A_788, %iota3A : vector<16xi32>
          tpu.vector_store_idx %arg9[%broadcast_in_dim3A_775, %shift_right_arithmetic3A_712, %and3A_715, %add3A_789], %gather3A_786 : memref<2x8x8x128xf32, #tpu.memory_space<vmem>>[vector<16xi32>, vector<16xi32>, vector<16xi32>, vector<16xi32>], vector<16xf32>,
          %add3A_790 = arith.constant 160 : i32
          %add3A_791 = vector.broadcast %add3A_790 : i32 to vector<16xi32>
          %add3A_792 = arith.addi %add3A_791, %iota3A : vector<16xi32>
          %gather3A_793 = tpu.vector_load_idx %arg7[%add3A_792, %and3A_709] : memref<256x64xf32, #tpu.memory_space<vmem>>[vector<16xi32>, vector<16xi32>], vector<16xf32>,
          %add3A_794 = arith.constant 32 : i32
          %add3A_795 = vector.broadcast %add3A_794 : i32 to vector<16xi32>
          %add3A_796 = arith.addi %add3A_795, %iota3A : vector<16xi32>
          tpu.vector_store_idx %arg9[%broadcast_in_dim3A_775, %shift_right_arithmetic3A_712, %and3A_715, %add3A_796], %gather3A_793 : memref<2x8x8x128xf32, #tpu.memory_space<vmem>>[vector<16xi32>, vector<16xi32>, vector<16xi32>, vector<16xi32>], vector<16xf32>,
          %add3A_797 = arith.constant 176 : i32
          %add3A_798 = vector.broadcast %add3A_797 : i32 to vector<16xi32>
          %add3A_799 = arith.addi %add3A_798, %iota3A : vector<16xi32>
          %gather3A_800 = tpu.vector_load_idx %arg7[%add3A_799, %and3A_709] : memref<256x64xf32, #tpu.memory_space<vmem>>[vector<16xi32>, vector<16xi32>], vector<16xf32>,
          %add3A_801 = arith.constant 48 : i32
          %add3A_802 = vector.broadcast %add3A_801 : i32 to vector<16xi32>
          %add3A_803 = arith.addi %add3A_802, %iota3A : vector<16xi32>
          tpu.vector_store_idx %arg9[%broadcast_in_dim3A_775, %shift_right_arithmetic3A_712, %and3A_715, %add3A_803], %gather3A_800 : memref<2x8x8x128xf32, #tpu.memory_space<vmem>>[vector<16xi32>, vector<16xi32>, vector<16xi32>, vector<16xi32>], vector<16xf32>,
          %add3A_804 = arith.constant 192 : i32
          %add3A_805 = vector.broadcast %add3A_804 : i32 to vector<16xi32>
          %add3A_806 = arith.addi %add3A_805, %iota3A : vector<16xi32>
          %gather3A_807 = tpu.vector_load_idx %arg7[%add3A_806, %and3A_709] : memref<256x64xf32, #tpu.memory_space<vmem>>[vector<16xi32>, vector<16xi32>], vector<16xf32>,
          %add3A_808 = arith.constant 64 : i32
          %add3A_809 = vector.broadcast %add3A_808 : i32 to vector<16xi32>
          %add3A_810 = arith.addi %add3A_809, %iota3A : vector<16xi32>
          tpu.vector_store_idx %arg9[%broadcast_in_dim3A_775, %shift_right_arithmetic3A_712, %and3A_715, %add3A_810], %gather3A_807 : memref<2x8x8x128xf32, #tpu.memory_space<vmem>>[vector<16xi32>, vector<16xi32>, vector<16xi32>, vector<16xi32>], vector<16xf32>,
          %add3A_811 = arith.constant 208 : i32
          %add3A_812 = vector.broadcast %add3A_811 : i32 to vector<16xi32>
          %add3A_813 = arith.addi %add3A_812, %iota3A : vector<16xi32>
          %gather3A_814 = tpu.vector_load_idx %arg7[%add3A_813, %and3A_709] : memref<256x64xf32, #tpu.memory_space<vmem>>[vector<16xi32>, vector<16xi32>], vector<16xf32>,
          %add3A_815 = arith.constant 80 : i32
          %add3A_816 = vector.broadcast %add3A_815 : i32 to vector<16xi32>
          %add3A_817 = arith.addi %add3A_816, %iota3A : vector<16xi32>
          tpu.vector_store_idx %arg9[%broadcast_in_dim3A_775, %shift_right_arithmetic3A_712, %and3A_715, %add3A_817], %gather3A_814 : memref<2x8x8x128xf32, #tpu.memory_space<vmem>>[vector<16xi32>, vector<16xi32>, vector<16xi32>, vector<16xi32>], vector<16xf32>,
          %add3A_818 = arith.constant 224 : i32
          %add3A_819 = vector.broadcast %add3A_818 : i32 to vector<16xi32>
          %add3A_820 = arith.addi %add3A_819, %iota3A : vector<16xi32>
          %gather3A_821 = tpu.vector_load_idx %arg7[%add3A_820, %and3A_709] : memref<256x64xf32, #tpu.memory_space<vmem>>[vector<16xi32>, vector<16xi32>], vector<16xf32>,
          %add3A_822 = arith.constant 96 : i32
          %add3A_823 = vector.broadcast %add3A_822 : i32 to vector<16xi32>
          %add3A_824 = arith.addi %add3A_823, %iota3A : vector<16xi32>
          tpu.vector_store_idx %arg9[%broadcast_in_dim3A_775, %shift_right_arithmetic3A_712, %and3A_715, %add3A_824], %gather3A_821 : memref<2x8x8x128xf32, #tpu.memory_space<vmem>>[vector<16xi32>, vector<16xi32>, vector<16xi32>, vector<16xi32>], vector<16xf32>,
          %add3A_825 = arith.constant 240 : i32
          %add3A_826 = vector.broadcast %add3A_825 : i32 to vector<16xi32>
          %add3A_827 = arith.addi %add3A_826, %iota3A : vector<16xi32>
          %gather3A_828 = tpu.vector_load_idx %arg7[%add3A_827, %and3A_709] : memref<256x64xf32, #tpu.memory_space<vmem>>[vector<16xi32>, vector<16xi32>], vector<16xf32>,
          %add3A_829 = arith.constant 112 : i32
          %add3A_830 = vector.broadcast %add3A_829 : i32 to vector<16xi32>
          %add3A_831 = arith.addi %add3A_830, %iota3A : vector<16xi32>
          tpu.vector_store_idx %arg9[%broadcast_in_dim3A_775, %shift_right_arithmetic3A_712, %and3A_715, %add3A_831], %gather3A_828 : memref<2x8x8x128xf32, #tpu.memory_space<vmem>>[vector<16xi32>, vector<16xi32>, vector<16xi32>, vector<16xi32>], vector<16xf32>,
          %scan3A_832 = arith.constant 3 : i32
          %scan3A_833 = arith.addi %scan3A_450, %scan3A_832 : i32
          %add3A_834 = vector.broadcast %scan3A_833 : i32 to vector<16xi32>
          %add3A_835 = arith.addi %iota3A, %add3A_834 : vector<16xi32>
          %and3A_836 = arith.constant 63 : i32
          %and3A_837 = vector.broadcast %and3A_836 : i32 to vector<16xi32>
          %and3A_838 = arith.andi %add3A_835, %and3A_837 : vector<16xi32>
          %shift_right_arithmetic3A_839 = arith.constant 3 : i32
          %shift_right_arithmetic3A_840 = vector.broadcast %shift_right_arithmetic3A_839 : i32 to vector<16xi32>
          %shift_right_arithmetic3A_841 = arith.shrsi %and3A_838, %shift_right_arithmetic3A_840 : vector<16xi32>
          %and3A_842 = arith.constant 7 : i32
          %and3A_843 = vector.broadcast %and3A_842 : i32 to vector<16xi32>
          %and3A_844 = arith.andi %and3A_838, %and3A_843 : vector<16xi32>
          %broadcast_in_dim3A_845 = arith.constant 0 : i32
          %broadcast_in_dim3A_846 = vector.broadcast %broadcast_in_dim3A_845 : i32 to vector<16xi32>
          %add3A_847 = arith.constant 0 : i32
          %add3A_848 = vector.broadcast %add3A_847 : i32 to vector<16xi32>
          %add3A_849 = arith.addi %add3A_848, %iota3A : vector<16xi32>
          %gather3A_850 = tpu.vector_load_idx %arg7[%add3A_849, %and3A_838] : memref<256x64xf32, #tpu.memory_space<vmem>>[vector<16xi32>, vector<16xi32>], vector<16xf32>,
          %add3A_851 = arith.constant 0 : i32
          %add3A_852 = vector.broadcast %add3A_851 : i32 to vector<16xi32>
          %add3A_853 = arith.addi %add3A_852, %iota3A : vector<16xi32>
          tpu.vector_store_idx %arg9[%broadcast_in_dim3A_846, %shift_right_arithmetic3A_841, %and3A_844, %add3A_853], %gather3A_850 : memref<2x8x8x128xf32, #tpu.memory_space<vmem>>[vector<16xi32>, vector<16xi32>, vector<16xi32>, vector<16xi32>], vector<16xf32>,
          %add3A_854 = arith.constant 16 : i32
          %add3A_855 = vector.broadcast %add3A_854 : i32 to vector<16xi32>
          %add3A_856 = arith.addi %add3A_855, %iota3A : vector<16xi32>
          %gather3A_857 = tpu.vector_load_idx %arg7[%add3A_856, %and3A_838] : memref<256x64xf32, #tpu.memory_space<vmem>>[vector<16xi32>, vector<16xi32>], vector<16xf32>,
          %add3A_858 = arith.constant 16 : i32
          %add3A_859 = vector.broadcast %add3A_858 : i32 to vector<16xi32>
          %add3A_860 = arith.addi %add3A_859, %iota3A : vector<16xi32>
          tpu.vector_store_idx %arg9[%broadcast_in_dim3A_846, %shift_right_arithmetic3A_841, %and3A_844, %add3A_860], %gather3A_857 : memref<2x8x8x128xf32, #tpu.memory_space<vmem>>[vector<16xi32>, vector<16xi32>, vector<16xi32>, vector<16xi32>], vector<16xf32>,
          %add3A_861 = arith.constant 32 : i32
          %add3A_862 = vector.broadcast %add3A_861 : i32 to vector<16xi32>
          %add3A_863 = arith.addi %add3A_862, %iota3A : vector<16xi32>
          %gather3A_864 = tpu.vector_load_idx %arg7[%add3A_863, %and3A_838] : memref<256x64xf32, #tpu.memory_space<vmem>>[vector<16xi32>, vector<16xi32>], vector<16xf32>,
          %add3A_865 = arith.constant 32 : i32
          %add3A_866 = vector.broadcast %add3A_865 : i32 to vector<16xi32>
          %add3A_867 = arith.addi %add3A_866, %iota3A : vector<16xi32>
          tpu.vector_store_idx %arg9[%broadcast_in_dim3A_846, %shift_right_arithmetic3A_841, %and3A_844, %add3A_867], %gather3A_864 : memref<2x8x8x128xf32, #tpu.memory_space<vmem>>[vector<16xi32>, vector<16xi32>, vector<16xi32>, vector<16xi32>], vector<16xf32>,
          %add3A_868 = arith.constant 48 : i32
          %add3A_869 = vector.broadcast %add3A_868 : i32 to vector<16xi32>
          %add3A_870 = arith.addi %add3A_869, %iota3A : vector<16xi32>
          %gather3A_871 = tpu.vector_load_idx %arg7[%add3A_870, %and3A_838] : memref<256x64xf32, #tpu.memory_space<vmem>>[vector<16xi32>, vector<16xi32>], vector<16xf32>,
          %add3A_872 = arith.constant 48 : i32
          %add3A_873 = vector.broadcast %add3A_872 : i32 to vector<16xi32>
          %add3A_874 = arith.addi %add3A_873, %iota3A : vector<16xi32>
          tpu.vector_store_idx %arg9[%broadcast_in_dim3A_846, %shift_right_arithmetic3A_841, %and3A_844, %add3A_874], %gather3A_871 : memref<2x8x8x128xf32, #tpu.memory_space<vmem>>[vector<16xi32>, vector<16xi32>, vector<16xi32>, vector<16xi32>], vector<16xf32>,
          %add3A_875 = arith.constant 64 : i32
          %add3A_876 = vector.broadcast %add3A_875 : i32 to vector<16xi32>
          %add3A_877 = arith.addi %add3A_876, %iota3A : vector<16xi32>
          %gather3A_878 = tpu.vector_load_idx %arg7[%add3A_877, %and3A_838] : memref<256x64xf32, #tpu.memory_space<vmem>>[vector<16xi32>, vector<16xi32>], vector<16xf32>,
          %add3A_879 = arith.constant 64 : i32
          %add3A_880 = vector.broadcast %add3A_879 : i32 to vector<16xi32>
          %add3A_881 = arith.addi %add3A_880, %iota3A : vector<16xi32>
          tpu.vector_store_idx %arg9[%broadcast_in_dim3A_846, %shift_right_arithmetic3A_841, %and3A_844, %add3A_881], %gather3A_878 : memref<2x8x8x128xf32, #tpu.memory_space<vmem>>[vector<16xi32>, vector<16xi32>, vector<16xi32>, vector<16xi32>], vector<16xf32>,
          %add3A_882 = arith.constant 80 : i32
          %add3A_883 = vector.broadcast %add3A_882 : i32 to vector<16xi32>
          %add3A_884 = arith.addi %add3A_883, %iota3A : vector<16xi32>
          %gather3A_885 = tpu.vector_load_idx %arg7[%add3A_884, %and3A_838] : memref<256x64xf32, #tpu.memory_space<vmem>>[vector<16xi32>, vector<16xi32>], vector<16xf32>,
          %add3A_886 = arith.constant 80 : i32
          %add3A_887 = vector.broadcast %add3A_886 : i32 to vector<16xi32>
          %add3A_888 = arith.addi %add3A_887, %iota3A : vector<16xi32>
          tpu.vector_store_idx %arg9[%broadcast_in_dim3A_846, %shift_right_arithmetic3A_841, %and3A_844, %add3A_888], %gather3A_885 : memref<2x8x8x128xf32, #tpu.memory_space<vmem>>[vector<16xi32>, vector<16xi32>, vector<16xi32>, vector<16xi32>], vector<16xf32>,
          %add3A_889 = arith.constant 96 : i32
          %add3A_890 = vector.broadcast %add3A_889 : i32 to vector<16xi32>
          %add3A_891 = arith.addi %add3A_890, %iota3A : vector<16xi32>
          %gather3A_892 = tpu.vector_load_idx %arg7[%add3A_891, %and3A_838] : memref<256x64xf32, #tpu.memory_space<vmem>>[vector<16xi32>, vector<16xi32>], vector<16xf32>,
          %add3A_893 = arith.constant 96 : i32
          %add3A_894 = vector.broadcast %add3A_893 : i32 to vector<16xi32>
          %add3A_895 = arith.addi %add3A_894, %iota3A : vector<16xi32>
          tpu.vector_store_idx %arg9[%broadcast_in_dim3A_846, %shift_right_arithmetic3A_841, %and3A_844, %add3A_895], %gather3A_892 : memref<2x8x8x128xf32, #tpu.memory_space<vmem>>[vector<16xi32>, vector<16xi32>, vector<16xi32>, vector<16xi32>], vector<16xf32>,
          %add3A_896 = arith.constant 112 : i32
          %add3A_897 = vector.broadcast %add3A_896 : i32 to vector<16xi32>
          %add3A_898 = arith.addi %add3A_897, %iota3A : vector<16xi32>
          %gather3A_899 = tpu.vector_load_idx %arg7[%add3A_898, %and3A_838] : memref<256x64xf32, #tpu.memory_space<vmem>>[vector<16xi32>, vector<16xi32>], vector<16xf32>,
          %add3A_900 = arith.constant 112 : i32
          %add3A_901 = vector.broadcast %add3A_900 : i32 to vector<16xi32>
          %add3A_902 = arith.addi %add3A_901, %iota3A : vector<16xi32>
          tpu.vector_store_idx %arg9[%broadcast_in_dim3A_846, %shift_right_arithmetic3A_841, %and3A_844, %add3A_902], %gather3A_899 : memref<2x8x8x128xf32, #tpu.memory_space<vmem>>[vector<16xi32>, vector<16xi32>, vector<16xi32>, vector<16xi32>], vector<16xf32>,
          %broadcast_in_dim3A_903 = arith.constant 1 : i32
          %broadcast_in_dim3A_904 = vector.broadcast %broadcast_in_dim3A_903 : i32 to vector<16xi32>
          %add3A_905 = arith.constant 128 : i32
          %add3A_906 = vector.broadcast %add3A_905 : i32 to vector<16xi32>
          %add3A_907 = arith.addi %add3A_906, %iota3A : vector<16xi32>
          %gather3A_908 = tpu.vector_load_idx %arg7[%add3A_907, %and3A_838] : memref<256x64xf32, #tpu.memory_space<vmem>>[vector<16xi32>, vector<16xi32>], vector<16xf32>,
          %add3A_909 = arith.constant 0 : i32
          %add3A_910 = vector.broadcast %add3A_909 : i32 to vector<16xi32>
          %add3A_911 = arith.addi %add3A_910, %iota3A : vector<16xi32>
          tpu.vector_store_idx %arg9[%broadcast_in_dim3A_904, %shift_right_arithmetic3A_841, %and3A_844, %add3A_911], %gather3A_908 : memref<2x8x8x128xf32, #tpu.memory_space<vmem>>[vector<16xi32>, vector<16xi32>, vector<16xi32>, vector<16xi32>], vector<16xf32>,
          %add3A_912 = arith.constant 144 : i32
          %add3A_913 = vector.broadcast %add3A_912 : i32 to vector<16xi32>
          %add3A_914 = arith.addi %add3A_913, %iota3A : vector<16xi32>
          %gather3A_915 = tpu.vector_load_idx %arg7[%add3A_914, %and3A_838] : memref<256x64xf32, #tpu.memory_space<vmem>>[vector<16xi32>, vector<16xi32>], vector<16xf32>,
          %add3A_916 = arith.constant 16 : i32
          %add3A_917 = vector.broadcast %add3A_916 : i32 to vector<16xi32>
          %add3A_918 = arith.addi %add3A_917, %iota3A : vector<16xi32>
          tpu.vector_store_idx %arg9[%broadcast_in_dim3A_904, %shift_right_arithmetic3A_841, %and3A_844, %add3A_918], %gather3A_915 : memref<2x8x8x128xf32, #tpu.memory_space<vmem>>[vector<16xi32>, vector<16xi32>, vector<16xi32>, vector<16xi32>], vector<16xf32>,
          %add3A_919 = arith.constant 160 : i32
          %add3A_920 = vector.broadcast %add3A_919 : i32 to vector<16xi32>
          %add3A_921 = arith.addi %add3A_920, %iota3A : vector<16xi32>
          %gather3A_922 = tpu.vector_load_idx %arg7[%add3A_921, %and3A_838] : memref<256x64xf32, #tpu.memory_space<vmem>>[vector<16xi32>, vector<16xi32>], vector<16xf32>,
          %add3A_923 = arith.constant 32 : i32
          %add3A_924 = vector.broadcast %add3A_923 : i32 to vector<16xi32>
          %add3A_925 = arith.addi %add3A_924, %iota3A : vector<16xi32>
          tpu.vector_store_idx %arg9[%broadcast_in_dim3A_904, %shift_right_arithmetic3A_841, %and3A_844, %add3A_925], %gather3A_922 : memref<2x8x8x128xf32, #tpu.memory_space<vmem>>[vector<16xi32>, vector<16xi32>, vector<16xi32>, vector<16xi32>], vector<16xf32>,
          %add3A_926 = arith.constant 176 : i32
          %add3A_927 = vector.broadcast %add3A_926 : i32 to vector<16xi32>
          %add3A_928 = arith.addi %add3A_927, %iota3A : vector<16xi32>
          %gather3A_929 = tpu.vector_load_idx %arg7[%add3A_928, %and3A_838] : memref<256x64xf32, #tpu.memory_space<vmem>>[vector<16xi32>, vector<16xi32>], vector<16xf32>,
          %add3A_930 = arith.constant 48 : i32
          %add3A_931 = vector.broadcast %add3A_930 : i32 to vector<16xi32>
          %add3A_932 = arith.addi %add3A_931, %iota3A : vector<16xi32>
          tpu.vector_store_idx %arg9[%broadcast_in_dim3A_904, %shift_right_arithmetic3A_841, %and3A_844, %add3A_932], %gather3A_929 : memref<2x8x8x128xf32, #tpu.memory_space<vmem>>[vector<16xi32>, vector<16xi32>, vector<16xi32>, vector<16xi32>], vector<16xf32>,
          %add3A_933 = arith.constant 192 : i32
          %add3A_934 = vector.broadcast %add3A_933 : i32 to vector<16xi32>
          %add3A_935 = arith.addi %add3A_934, %iota3A : vector<16xi32>
          %gather3A_936 = tpu.vector_load_idx %arg7[%add3A_935, %and3A_838] : memref<256x64xf32, #tpu.memory_space<vmem>>[vector<16xi32>, vector<16xi32>], vector<16xf32>,
          %add3A_937 = arith.constant 64 : i32
          %add3A_938 = vector.broadcast %add3A_937 : i32 to vector<16xi32>
          %add3A_939 = arith.addi %add3A_938, %iota3A : vector<16xi32>
          tpu.vector_store_idx %arg9[%broadcast_in_dim3A_904, %shift_right_arithmetic3A_841, %and3A_844, %add3A_939], %gather3A_936 : memref<2x8x8x128xf32, #tpu.memory_space<vmem>>[vector<16xi32>, vector<16xi32>, vector<16xi32>, vector<16xi32>], vector<16xf32>,
          %add3A_940 = arith.constant 208 : i32
          %add3A_941 = vector.broadcast %add3A_940 : i32 to vector<16xi32>
          %add3A_942 = arith.addi %add3A_941, %iota3A : vector<16xi32>
          %gather3A_943 = tpu.vector_load_idx %arg7[%add3A_942, %and3A_838] : memref<256x64xf32, #tpu.memory_space<vmem>>[vector<16xi32>, vector<16xi32>], vector<16xf32>,
          %add3A_944 = arith.constant 80 : i32
          %add3A_945 = vector.broadcast %add3A_944 : i32 to vector<16xi32>
          %add3A_946 = arith.addi %add3A_945, %iota3A : vector<16xi32>
          tpu.vector_store_idx %arg9[%broadcast_in_dim3A_904, %shift_right_arithmetic3A_841, %and3A_844, %add3A_946], %gather3A_943 : memref<2x8x8x128xf32, #tpu.memory_space<vmem>>[vector<16xi32>, vector<16xi32>, vector<16xi32>, vector<16xi32>], vector<16xf32>,
          %add3A_947 = arith.constant 224 : i32
          %add3A_948 = vector.broadcast %add3A_947 : i32 to vector<16xi32>
          %add3A_949 = arith.addi %add3A_948, %iota3A : vector<16xi32>
          %gather3A_950 = tpu.vector_load_idx %arg7[%add3A_949, %and3A_838] : memref<256x64xf32, #tpu.memory_space<vmem>>[vector<16xi32>, vector<16xi32>], vector<16xf32>,
          %add3A_951 = arith.constant 96 : i32
          %add3A_952 = vector.broadcast %add3A_951 : i32 to vector<16xi32>
          %add3A_953 = arith.addi %add3A_952, %iota3A : vector<16xi32>
          tpu.vector_store_idx %arg9[%broadcast_in_dim3A_904, %shift_right_arithmetic3A_841, %and3A_844, %add3A_953], %gather3A_950 : memref<2x8x8x128xf32, #tpu.memory_space<vmem>>[vector<16xi32>, vector<16xi32>, vector<16xi32>, vector<16xi32>], vector<16xf32>,
          %add3A_954 = arith.constant 240 : i32
          %add3A_955 = vector.broadcast %add3A_954 : i32 to vector<16xi32>
          %add3A_956 = arith.addi %add3A_955, %iota3A : vector<16xi32>
          %gather3A_957 = tpu.vector_load_idx %arg7[%add3A_956, %and3A_838] : memref<256x64xf32, #tpu.memory_space<vmem>>[vector<16xi32>, vector<16xi32>], vector<16xf32>,
          %add3A_958 = arith.constant 112 : i32
          %add3A_959 = vector.broadcast %add3A_958 : i32 to vector<16xi32>
          %add3A_960 = arith.addi %add3A_959, %iota3A : vector<16xi32>
          tpu.vector_store_idx %arg9[%broadcast_in_dim3A_904, %shift_right_arithmetic3A_841, %and3A_844, %add3A_960], %gather3A_957 : memref<2x8x8x128xf32, #tpu.memory_space<vmem>>[vector<16xi32>, vector<16xi32>, vector<16xi32>, vector<16xi32>], vector<16xf32>,
        }
        %scan3A_392 = arith.constant 64 : i32
        %mul3A_393 = arith.constant 2 : i32
        %mul3A_394 = arith.muli %add3A_176, %mul3A_393 : i32
        %add3A_395 = arith.constant 0 : i32
        %add3A_396 = arith.addi %mul3A_394, %add3A_395 : i32
        %dma_start3A_397 = arith.constant 0 : i32
        %dma_start3A_398 = arith.constant 0 : i32
        %dma_start3A_399 = arith.constant 0 : i32
        %dma_start3A_400 = arith.constant 0 : i32
        %dma_start3A_401 = tpu.memref_slice %arg9[%dma_start3A_397, %dma_start3A_398, %dma_start3A_399, %dma_start3A_400] : memref<2x8x8x128xf32, #tpu.memory_space<vmem>> -> memref<1x8x8x128xf32, #tpu.memory_space<vmem>>
        %dma_start3A_402 = tpu.memref_squeeze %dma_start3A_401 : memref<1x8x8x128xf32, #tpu.memory_space<vmem>> -> memref<8x8x128xf32, #tpu.memory_space<vmem>>
        %dma_start3A_403 = arith.constant 0 : i32
        %dma_start3A_404 = arith.constant 0 : i32
        %dma_start3A_405 = arith.constant 0 : i32
        %dma_start3A_406 = tpu.memref_slice %arg4[%add3A_396, %dma_start3A_403, %add3A, %dma_start3A_404, %dma_start3A_405] : memref<50x8x32x8x128xf32, #tpu.memory_space<hbm>> -> memref<1x8x1x8x128xf32, #tpu.memory_space<hbm>>
        %dma_start3A_407 = tpu.memref_squeeze %dma_start3A_406 : memref<1x8x1x8x128xf32, #tpu.memory_space<hbm>> -> memref<8x8x128xf32, #tpu.memory_space<hbm>>
        %dma_start3A_408 = arith.constant 0 : i32
        %dma_start3A_409 = arith.constant 0 : i32
        %dma_start3A_410 = arith.constant 0 : i32
        %dma_start3A_411 = tpu.memref_slice %arg4[%add3A_396, %dma_start3A_408, %add3A, %dma_start3A_409, %dma_start3A_410] : memref<50x8x32x8x128xf32, #tpu.memory_space<hbm>> -> memref<1x8x1x8x128xf32, #tpu.memory_space<hbm>>
        %dma_start3A_412 = tpu.memref_squeeze %dma_start3A_411 : memref<1x8x1x8x128xf32, #tpu.memory_space<hbm>> -> memref<8x8x128xf32, #tpu.memory_space<hbm>>
        %dma_start3A_413 = arith.constant 0 : i32
        %dma_start3A_414 = arith.constant 0 : i32
        %dma_start3A_415 = arith.constant 0 : i32
        %dma_start3A_416 = tpu.memref_slice %arg9[%dma_start3A_397, %dma_start3A_413, %dma_start3A_414, %dma_start3A_415] : memref<2x8x8x128xf32, #tpu.memory_space<vmem>> -> memref<1x8x8x128xf32, #tpu.memory_space<vmem>>
        %dma_start3A_417 = tpu.memref_squeeze %dma_start3A_416 : memref<1x8x8x128xf32, #tpu.memory_space<vmem>> -> memref<8x8x128xf32, #tpu.memory_space<vmem>>
        tpu.enqueue_dma source(%dma_start3A_417 : memref<8x8x128xf32, #tpu.memory_space<vmem>>) target(%dma_start3A_412 : memref<8x8x128xf32, #tpu.memory_space<hbm>>) target_semaphore(%arg13 : memref<!tpu.dma_semaphore, #tpu.memory_space<semaphore_mem>>)
        %mul3A_418 = arith.constant 2 : i32
        %mul3A_419 = arith.muli %add3A_176, %mul3A_418 : i32
        %add3A_420 = arith.constant 1 : i32
        %add3A_421 = arith.addi %mul3A_419, %add3A_420 : i32
        %dma_start3A_422 = arith.constant 1 : i32
        %dma_start3A_423 = arith.constant 0 : i32
        %dma_start3A_424 = arith.constant 0 : i32
        %dma_start3A_425 = arith.constant 0 : i32
        %dma_start3A_426 = tpu.memref_slice %arg9[%dma_start3A_422, %dma_start3A_423, %dma_start3A_424, %dma_start3A_425] : memref<2x8x8x128xf32, #tpu.memory_space<vmem>> -> memref<1x8x8x128xf32, #tpu.memory_space<vmem>>
        %dma_start3A_427 = tpu.memref_squeeze %dma_start3A_426 : memref<1x8x8x128xf32, #tpu.memory_space<vmem>> -> memref<8x8x128xf32, #tpu.memory_space<vmem>>
        %dma_start3A_428 = arith.constant 0 : i32
        %dma_start3A_429 = arith.constant 0 : i32
        %dma_start3A_430 = arith.constant 0 : i32
        %dma_start3A_431 = tpu.memref_slice %arg4[%add3A_421, %dma_start3A_428, %add3A, %dma_start3A_429, %dma_start3A_430] : memref<50x8x32x8x128xf32, #tpu.memory_space<hbm>> -> memref<1x8x1x8x128xf32, #tpu.memory_space<hbm>>
        %dma_start3A_432 = tpu.memref_squeeze %dma_start3A_431 : memref<1x8x1x8x128xf32, #tpu.memory_space<hbm>> -> memref<8x8x128xf32, #tpu.memory_space<hbm>>
        %dma_start3A_433 = arith.constant 0 : i32
        %dma_start3A_434 = arith.constant 0 : i32
        %dma_start3A_435 = arith.constant 0 : i32
        %dma_start3A_436 = tpu.memref_slice %arg4[%add3A_421, %dma_start3A_433, %add3A, %dma_start3A_434, %dma_start3A_435] : memref<50x8x32x8x128xf32, #tpu.memory_space<hbm>> -> memref<1x8x1x8x128xf32, #tpu.memory_space<hbm>>
        %dma_start3A_437 = tpu.memref_squeeze %dma_start3A_436 : memref<1x8x1x8x128xf32, #tpu.memory_space<hbm>> -> memref<8x8x128xf32, #tpu.memory_space<hbm>>
        %dma_start3A_438 = arith.constant 0 : i32
        %dma_start3A_439 = arith.constant 0 : i32
        %dma_start3A_440 = arith.constant 0 : i32
        %dma_start3A_441 = tpu.memref_slice %arg9[%dma_start3A_422, %dma_start3A_438, %dma_start3A_439, %dma_start3A_440] : memref<2x8x8x128xf32, #tpu.memory_space<vmem>> -> memref<1x8x8x128xf32, #tpu.memory_space<vmem>>
        %dma_start3A_442 = tpu.memref_squeeze %dma_start3A_441 : memref<1x8x8x128xf32, #tpu.memory_space<vmem>> -> memref<8x8x128xf32, #tpu.memory_space<vmem>>
        tpu.enqueue_dma source(%dma_start3A_442 : memref<8x8x128xf32, #tpu.memory_space<vmem>>) target(%dma_start3A_437 : memref<8x8x128xf32, #tpu.memory_space<hbm>>) target_semaphore(%arg13 : memref<!tpu.dma_semaphore, #tpu.memory_space<semaphore_mem>>)
        %add3A_443 = arith.constant 2 : i32
        %add3A_444 = arith.addi %add3A_176, %add3A_443 : i32
        %lt3A_445 = arith.constant 25 : i32
        %lt3A_446 = arith.cmpi slt, %add3A_444, %lt3A_445 : i32
        %convert_element_type3A_447 = arith.extui %lt3A_446 : i1 to i32
        %cond3A_448 = arith.constant 0 : i32
        %cond3A_449 = arith.cmpi ne, %convert_element_type3A_447, %cond3A_448 : i32
        scf.if %cond3A_449 {
          %add3A_450 = arith.constant 2 : i32
          %add3A_451 = arith.addi %add3A_176, %add3A_450 : i32
          %mul3A_452 = arith.constant 2 : i32
          %mul3A_453 = arith.muli %add3A_451, %mul3A_452 : i32
          %add3A_454 = arith.constant 0 : i32
          %add3A_455 = arith.addi %mul3A_453, %add3A_454 : i32
          %mul3A_456 = arith.constant 2 : i32
          %mul3A_457 = arith.muli %add3A_455, %mul3A_456 : i32
          %add3A_458 = arith.constant 0 : i32
          %add3A_459 = arith.addi %mul3A_457, %add3A_458 : i32
          %dma_start3A_460 = arith.constant 0 : i32
          %dma_start3A_461 = arith.constant 0 : i32
          %dma_start3A_462 = tpu.memref_slice %arg7[%dma_start3A_460, %dma_start3A_461] : memref<256x64xf32, #tpu.memory_space<vmem>> -> memref<64x64xf32, #tpu.memory_space<vmem>>
          %dma_start3A_463 = arith.constant 0 : i32
          %dma_start3A_464 = tpu.memref_slice %arg5[%add3A_459, %dma_start3A_463] : memref<100x64xi32, #tpu.memory_space<vmem>> -> memref<1x64xi32, #tpu.memory_space<vmem>>
          %dma_start3A_465 = tpu.memref_squeeze %dma_start3A_464 : memref<1x64xi32, #tpu.memory_space<vmem>> -> memref<64xi32, #tpu.memory_space<vmem>>
          %dma_start3A_466 = arith.constant 0 : i32
          %dma_start3A_467 = arith.constant 0 : i32
          %dma_start3A_468 = tpu.memref_slice %arg2[%dma_start3A_466, %dma_start3A_467] : memref<1000000x64xf32, #tpu.memory_space<hbm>> -> memref<1000000x64xf32, #tpu.memory_space<hbm>>
          tpu.enqueue_indirect_dma source(%dma_start3A_468 : memref<1000000x64xf32, #tpu.memory_space<hbm>>) target(%dma_start3A_462 : memref<64x64xf32, #tpu.memory_space<vmem>>) offsets(%dma_start3A_465 : memref<64xi32, #tpu.memory_space<vmem>>) semaphore(%arg11 : memref<!tpu.dma_semaphore, #tpu.memory_space<semaphore_mem>>)
          %mul3A_469 = arith.constant 2 : i32
          %mul3A_470 = arith.muli %add3A_451, %mul3A_469 : i32
          %add3A_471 = arith.constant 0 : i32
          %add3A_472 = arith.addi %mul3A_470, %add3A_471 : i32
          %mul3A_473 = arith.constant 2 : i32
          %mul3A_474 = arith.muli %add3A_472, %mul3A_473 : i32
          %add3A_475 = arith.constant 1 : i32
          %add3A_476 = arith.addi %mul3A_474, %add3A_475 : i32
          %dma_start3A_477 = arith.constant 64 : i32
          %dma_start3A_478 = arith.constant 0 : i32
          %dma_start3A_479 = tpu.memref_slice %arg7[%dma_start3A_477, %dma_start3A_478] : memref<256x64xf32, #tpu.memory_space<vmem>> -> memref<64x64xf32, #tpu.memory_space<vmem>>
          %dma_start3A_480 = arith.constant 0 : i32
          %dma_start3A_481 = tpu.memref_slice %arg5[%add3A_476, %dma_start3A_480] : memref<100x64xi32, #tpu.memory_space<vmem>> -> memref<1x64xi32, #tpu.memory_space<vmem>>
          %dma_start3A_482 = tpu.memref_squeeze %dma_start3A_481 : memref<1x64xi32, #tpu.memory_space<vmem>> -> memref<64xi32, #tpu.memory_space<vmem>>
          %dma_start3A_483 = arith.constant 0 : i32
          %dma_start3A_484 = arith.constant 0 : i32
          %dma_start3A_485 = tpu.memref_slice %arg2[%dma_start3A_483, %dma_start3A_484] : memref<1000000x64xf32, #tpu.memory_space<hbm>> -> memref<1000000x64xf32, #tpu.memory_space<hbm>>
          tpu.enqueue_indirect_dma source(%dma_start3A_485 : memref<1000000x64xf32, #tpu.memory_space<hbm>>) target(%dma_start3A_479 : memref<64x64xf32, #tpu.memory_space<vmem>>) offsets(%dma_start3A_482 : memref<64xi32, #tpu.memory_space<vmem>>) semaphore(%arg11 : memref<!tpu.dma_semaphore, #tpu.memory_space<semaphore_mem>>)
          %mul3A_486 = arith.constant 2 : i32
          %mul3A_487 = arith.muli %add3A_451, %mul3A_486 : i32
          %add3A_488 = arith.constant 1 : i32
          %add3A_489 = arith.addi %mul3A_487, %add3A_488 : i32
          %mul3A_490 = arith.constant 2 : i32
          %mul3A_491 = arith.muli %add3A_489, %mul3A_490 : i32
          %add3A_492 = arith.constant 0 : i32
          %add3A_493 = arith.addi %mul3A_491, %add3A_492 : i32
          %dma_start3A_494 = arith.constant 128 : i32
          %dma_start3A_495 = arith.constant 0 : i32
          %dma_start3A_496 = tpu.memref_slice %arg7[%dma_start3A_494, %dma_start3A_495] : memref<256x64xf32, #tpu.memory_space<vmem>> -> memref<64x64xf32, #tpu.memory_space<vmem>>
          %dma_start3A_497 = arith.constant 0 : i32
          %dma_start3A_498 = tpu.memref_slice %arg5[%add3A_493, %dma_start3A_497] : memref<100x64xi32, #tpu.memory_space<vmem>> -> memref<1x64xi32, #tpu.memory_space<vmem>>
          %dma_start3A_499 = tpu.memref_squeeze %dma_start3A_498 : memref<1x64xi32, #tpu.memory_space<vmem>> -> memref<64xi32, #tpu.memory_space<vmem>>
          %dma_start3A_500 = arith.constant 0 : i32
          %dma_start3A_501 = arith.constant 0 : i32
          %dma_start3A_502 = tpu.memref_slice %arg2[%dma_start3A_500, %dma_start3A_501] : memref<1000000x64xf32, #tpu.memory_space<hbm>> -> memref<1000000x64xf32, #tpu.memory_space<hbm>>
          tpu.enqueue_indirect_dma source(%dma_start3A_502 : memref<1000000x64xf32, #tpu.memory_space<hbm>>) target(%dma_start3A_496 : memref<64x64xf32, #tpu.memory_space<vmem>>) offsets(%dma_start3A_499 : memref<64xi32, #tpu.memory_space<vmem>>) semaphore(%arg11 : memref<!tpu.dma_semaphore, #tpu.memory_space<semaphore_mem>>)
          %mul3A_503 = arith.constant 2 : i32
          %mul3A_504 = arith.muli %add3A_451, %mul3A_503 : i32
          %add3A_505 = arith.constant 1 : i32
          %add3A_506 = arith.addi %mul3A_504, %add3A_505 : i32
          %mul3A_507 = arith.constant 2 : i32
          %mul3A_508 = arith.muli %add3A_506, %mul3A_507 : i32
          %add3A_509 = arith.constant 1 : i32
          %add3A_510 = arith.addi %mul3A_508, %add3A_509 : i32
          %dma_start3A_511 = arith.constant 192 : i32
          %dma_start3A_512 = arith.constant 0 : i32
          %dma_start3A_513 = tpu.memref_slice %arg7[%dma_start3A_511, %dma_start3A_512] : memref<256x64xf32, #tpu.memory_space<vmem>> -> memref<64x64xf32, #tpu.memory_space<vmem>>
          %dma_start3A_514 = arith.constant 0 : i32
          %dma_start3A_515 = tpu.memref_slice %arg5[%add3A_510, %dma_start3A_514] : memref<100x64xi32, #tpu.memory_space<vmem>> -> memref<1x64xi32, #tpu.memory_space<vmem>>
          %dma_start3A_516 = tpu.memref_squeeze %dma_start3A_515 : memref<1x64xi32, #tpu.memory_space<vmem>> -> memref<64xi32, #tpu.memory_space<vmem>>
          %dma_start3A_517 = arith.constant 0 : i32
          %dma_start3A_518 = arith.constant 0 : i32
          %dma_start3A_519 = tpu.memref_slice %arg2[%dma_start3A_517, %dma_start3A_518] : memref<1000000x64xf32, #tpu.memory_space<hbm>> -> memref<1000000x64xf32, #tpu.memory_space<hbm>>
          tpu.enqueue_indirect_dma source(%dma_start3A_519 : memref<1000000x64xf32, #tpu.memory_space<hbm>>) target(%dma_start3A_513 : memref<64x64xf32, #tpu.memory_space<vmem>>) offsets(%dma_start3A_516 : memref<64xi32, #tpu.memory_space<vmem>>) semaphore(%arg11 : memref<!tpu.dma_semaphore, #tpu.memory_space<semaphore_mem>>)
        } else {
        }
      } else {
      }
    }
    %scan3A_84 = arith.constant 13 : i32
    %dma_wait3A = arith.constant 0 : i32
    %dma_wait3A_85 = arith.constant 46 : i32
    %dma_wait3A_86 = arith.constant 0 : i32
    %dma_wait3A_87 = arith.constant 0 : i32
    %dma_wait3A_88 = arith.constant 0 : i32
    %dma_wait3A_89 = tpu.memref_slice %arg9[%dma_wait3A, %dma_wait3A_86, %dma_wait3A_87, %dma_wait3A_88] : memref<2x8x8x128xf32, #tpu.memory_space<vmem>> -> memref<1x8x8x128xf32, #tpu.memory_space<vmem>>
    %dma_wait3A_90 = tpu.memref_squeeze %dma_wait3A_89 : memref<1x8x8x128xf32, #tpu.memory_space<vmem>> -> memref<8x8x128xf32, #tpu.memory_space<vmem>>
    %dma_wait3A_91 = arith.constant 0 : i32
    %dma_wait3A_92 = arith.constant 0 : i32
    %dma_wait3A_93 = arith.constant 0 : i32
    %dma_wait3A_94 = tpu.memref_slice %arg4[%dma_wait3A_85, %dma_wait3A_91, %add3A, %dma_wait3A_92, %dma_wait3A_93] : memref<50x8x32x8x128xf32, #tpu.memory_space<hbm>> -> memref<1x8x1x8x128xf32, #tpu.memory_space<hbm>>
    %dma_wait3A_95 = tpu.memref_squeeze %dma_wait3A_94 : memref<1x8x1x8x128xf32, #tpu.memory_space<hbm>> -> memref<8x8x128xf32, #tpu.memory_space<hbm>>
    %dma_wait3A_96 = arith.constant 0 : i32
    %dma_wait3A_97 = arith.constant 0 : i32
    %dma_wait3A_98 = arith.constant 0 : i32
    %dma_wait3A_99 = tpu.memref_slice %arg4[%dma_wait3A_85, %dma_wait3A_96, %add3A, %dma_wait3A_97, %dma_wait3A_98] : memref<50x8x32x8x128xf32, #tpu.memory_space<hbm>> -> memref<1x8x1x8x128xf32, #tpu.memory_space<hbm>>
    %dma_wait3A_100 = tpu.memref_squeeze %dma_wait3A_99 : memref<1x8x1x8x128xf32, #tpu.memory_space<hbm>> -> memref<8x8x128xf32, #tpu.memory_space<hbm>>
    %dma_wait3A_101 = arith.constant 0 : i32
    %dma_wait3A_102 = arith.constant 0 : i32
    %dma_wait3A_103 = arith.constant 0 : i32
    %dma_wait3A_104 = tpu.memref_slice %arg9[%dma_wait3A, %dma_wait3A_101, %dma_wait3A_102, %dma_wait3A_103] : memref<2x8x8x128xf32, #tpu.memory_space<vmem>> -> memref<1x8x8x128xf32, #tpu.memory_space<vmem>>
    %dma_wait3A_105 = tpu.memref_squeeze %dma_wait3A_104 : memref<1x8x8x128xf32, #tpu.memory_space<vmem>> -> memref<8x8x128xf32, #tpu.memory_space<vmem>>
    tpu.wait_dma2 semaphore(%arg13 : memref<!tpu.dma_semaphore, #tpu.memory_space<semaphore_mem>>) src(%dma_wait3A_105 : memref<8x8x128xf32, #tpu.memory_space<vmem>>) dst(%dma_wait3A_100 : memref<8x8x128xf32, #tpu.memory_space<hbm>>)
    %dma_wait3A_106 = arith.constant 1 : i32
    %dma_wait3A_107 = arith.constant 47 : i32
    %dma_wait3A_108 = arith.constant 0 : i32
    %dma_wait3A_109 = arith.constant 0 : i32
    %dma_wait3A_110 = arith.constant 0 : i32
    %dma_wait3A_111 = tpu.memref_slice %arg9[%dma_wait3A_106, %dma_wait3A_108, %dma_wait3A_109, %dma_wait3A_110] : memref<2x8x8x128xf32, #tpu.memory_space<vmem>> -> memref<1x8x8x128xf32, #tpu.memory_space<vmem>>
    %dma_wait3A_112 = tpu.memref_squeeze %dma_wait3A_111 : memref<1x8x8x128xf32, #tpu.memory_space<vmem>> -> memref<8x8x128xf32, #tpu.memory_space<vmem>>
    %dma_wait3A_113 = arith.constant 0 : i32
    %dma_wait3A_114 = arith.constant 0 : i32
    %dma_wait3A_115 = arith.constant 0 : i32
    %dma_wait3A_116 = tpu.memref_slice %arg4[%dma_wait3A_107, %dma_wait3A_113, %add3A, %dma_wait3A_114, %dma_wait3A_115] : memref<50x8x32x8x128xf32, #tpu.memory_space<hbm>> -> memref<1x8x1x8x128xf32, #tpu.memory_space<hbm>>
    %dma_wait3A_117 = tpu.memref_squeeze %dma_wait3A_116 : memref<1x8x1x8x128xf32, #tpu.memory_space<hbm>> -> memref<8x8x128xf32, #tpu.memory_space<hbm>>
    %dma_wait3A_118 = arith.constant 0 : i32
    %dma_wait3A_119 = arith.constant 0 : i32
    %dma_wait3A_120 = arith.constant 0 : i32
    %dma_wait3A_121 = tpu.memref_slice %arg4[%dma_wait3A_107, %dma_wait3A_118, %add3A, %dma_wait3A_119, %dma_wait3A_120] : memref<50x8x32x8x128xf32, #tpu.memory_space<hbm>> -> memref<1x8x1x8x128xf32, #tpu.memory_space<hbm>>
    %dma_wait3A_122 = tpu.memref_squeeze %dma_wait3A_121 : memref<1x8x1x8x128xf32, #tpu.memory_space<hbm>> -> memref<8x8x128xf32, #tpu.memory_space<hbm>>
    %dma_wait3A_123 = arith.constant 0 : i32
    %dma_wait3A_124 = arith.constant 0 : i32
    %dma_wait3A_125 = arith.constant 0 : i32
    %dma_wait3A_126 = tpu.memref_slice %arg9[%dma_wait3A_106, %dma_wait3A_123, %dma_wait3A_124, %dma_wait3A_125] : memref<2x8x8x128xf32, #tpu.memory_space<vmem>> -> memref<1x8x8x128xf32, #tpu.memory_space<vmem>>
    %dma_wait3A_127 = tpu.memref_squeeze %dma_wait3A_126 : memref<1x8x8x128xf32, #tpu.memory_space<vmem>> -> memref<8x8x128xf32, #tpu.memory_space<vmem>>
    tpu.wait_dma2 semaphore(%arg13 : memref<!tpu.dma_semaphore, #tpu.memory_space<semaphore_mem>>) src(%dma_wait3A_127 : memref<8x8x128xf32, #tpu.memory_space<vmem>>) dst(%dma_wait3A_122 : memref<8x8x128xf32, #tpu.memory_space<hbm>>)
    %dma_wait3A_128 = arith.constant 0 : i32
    %dma_wait3A_129 = arith.constant 48 : i32
    %dma_wait3A_130 = arith.constant 0 : i32
    %dma_wait3A_131 = arith.constant 0 : i32
    %dma_wait3A_132 = arith.constant 0 : i32
    %dma_wait3A_133 = tpu.memref_slice %arg8[%dma_wait3A_128, %dma_wait3A_130, %dma_wait3A_131, %dma_wait3A_132] : memref<2x8x8x128xf32, #tpu.memory_space<vmem>> -> memref<1x8x8x128xf32, #tpu.memory_space<vmem>>
    %dma_wait3A_134 = tpu.memref_squeeze %dma_wait3A_133 : memref<1x8x8x128xf32, #tpu.memory_space<vmem>> -> memref<8x8x128xf32, #tpu.memory_space<vmem>>
    %dma_wait3A_135 = arith.constant 0 : i32
    %dma_wait3A_136 = arith.constant 0 : i32
    %dma_wait3A_137 = arith.constant 0 : i32
    %dma_wait3A_138 = tpu.memref_slice %arg4[%dma_wait3A_129, %dma_wait3A_135, %add3A, %dma_wait3A_136, %dma_wait3A_137] : memref<50x8x32x8x128xf32, #tpu.memory_space<hbm>> -> memref<1x8x1x8x128xf32, #tpu.memory_space<hbm>>
    %dma_wait3A_139 = tpu.memref_squeeze %dma_wait3A_138 : memref<1x8x1x8x128xf32, #tpu.memory_space<hbm>> -> memref<8x8x128xf32, #tpu.memory_space<hbm>>
    %dma_wait3A_140 = arith.constant 0 : i32
    %dma_wait3A_141 = arith.constant 0 : i32
    %dma_wait3A_142 = arith.constant 0 : i32
    %dma_wait3A_143 = tpu.memref_slice %arg4[%dma_wait3A_129, %dma_wait3A_140, %add3A, %dma_wait3A_141, %dma_wait3A_142] : memref<50x8x32x8x128xf32, #tpu.memory_space<hbm>> -> memref<1x8x1x8x128xf32, #tpu.memory_space<hbm>>
    %dma_wait3A_144 = tpu.memref_squeeze %dma_wait3A_143 : memref<1x8x1x8x128xf32, #tpu.memory_space<hbm>> -> memref<8x8x128xf32, #tpu.memory_space<hbm>>
    %dma_wait3A_145 = arith.constant 0 : i32
    %dma_wait3A_146 = arith.constant 0 : i32
    %dma_wait3A_147 = arith.constant 0 : i32
    %dma_wait3A_148 = tpu.memref_slice %arg8[%dma_wait3A_128, %dma_wait3A_145, %dma_wait3A_146, %dma_wait3A_147] : memref<2x8x8x128xf32, #tpu.memory_space<vmem>> -> memref<1x8x8x128xf32, #tpu.memory_space<vmem>>
    %dma_wait3A_149 = tpu.memref_squeeze %dma_wait3A_148 : memref<1x8x8x128xf32, #tpu.memory_space<vmem>> -> memref<8x8x128xf32, #tpu.memory_space<vmem>>
    tpu.wait_dma2 semaphore(%arg12 : memref<!tpu.dma_semaphore, #tpu.memory_space<semaphore_mem>>) src(%dma_wait3A_149 : memref<8x8x128xf32, #tpu.memory_space<vmem>>) dst(%dma_wait3A_144 : memref<8x8x128xf32, #tpu.memory_space<hbm>>)
    %dma_wait3A_150 = arith.constant 1 : i32
    %dma_wait3A_151 = arith.constant 49 : i32
    %dma_wait3A_152 = arith.constant 0 : i32
    %dma_wait3A_153 = arith.constant 0 : i32
    %dma_wait3A_154 = arith.constant 0 : i32
    %dma_wait3A_155 = tpu.memref_slice %arg8[%dma_wait3A_150, %dma_wait3A_152, %dma_wait3A_153, %dma_wait3A_154] : memref<2x8x8x128xf32, #tpu.memory_space<vmem>> -> memref<1x8x8x128xf32, #tpu.memory_space<vmem>>
    %dma_wait3A_156 = tpu.memref_squeeze %dma_wait3A_155 : memref<1x8x8x128xf32, #tpu.memory_space<vmem>> -> memref<8x8x128xf32, #tpu.memory_space<vmem>>
    %dma_wait3A_157 = arith.constant 0 : i32
    %dma_wait3A_158 = arith.constant 0 : i32
    %dma_wait3A_159 = arith.constant 0 : i32
    %dma_wait3A_160 = tpu.memref_slice %arg4[%dma_wait3A_151, %dma_wait3A_157, %add3A, %dma_wait3A_158, %dma_wait3A_159] : memref<50x8x32x8x128xf32, #tpu.memory_space<hbm>> -> memref<1x8x1x8x128xf32, #tpu.memory_space<hbm>>
    %dma_wait3A_161 = tpu.memref_squeeze %dma_wait3A_160 : memref<1x8x1x8x128xf32, #tpu.memory_space<hbm>> -> memref<8x8x128xf32, #tpu.memory_space<hbm>>
    %dma_wait3A_162 = arith.constant 0 : i32
    %dma_wait3A_163 = arith.constant 0 : i32
    %dma_wait3A_164 = arith.constant 0 : i32
    %dma_wait3A_165 = tpu.memref_slice %arg4[%dma_wait3A_151, %dma_wait3A_162, %add3A, %dma_wait3A_163, %dma_wait3A_164] : memref<50x8x32x8x128xf32, #tpu.memory_space<hbm>> -> memref<1x8x1x8x128xf32, #tpu.memory_space<hbm>>
    %dma_wait3A_166 = tpu.memref_squeeze %dma_wait3A_165 : memref<1x8x1x8x128xf32, #tpu.memory_space<hbm>> -> memref<8x8x128xf32, #tpu.memory_space<hbm>>
    %dma_wait3A_167 = arith.constant 0 : i32
    %dma_wait3A_168 = arith.constant 0 : i32
    %dma_wait3A_169 = arith.constant 0 : i32
    %dma_wait3A_170 = tpu.memref_slice %arg8[%dma_wait3A_150, %dma_wait3A_167, %dma_wait3A_168, %dma_wait3A_169] : memref<2x8x8x128xf32, #tpu.memory_space<vmem>> -> memref<1x8x8x128xf32, #tpu.memory_space<vmem>>
    %dma_wait3A_171 = tpu.memref_squeeze %dma_wait3A_170 : memref<1x8x8x128xf32, #tpu.memory_space<vmem>> -> memref<8x8x128xf32, #tpu.memory_space<vmem>>
    tpu.wait_dma2 semaphore(%arg12 : memref<!tpu.dma_semaphore, #tpu.memory_space<semaphore_mem>>) src(%dma_wait3A_171 : memref<8x8x128xf32, #tpu.memory_space<vmem>>) dst(%dma_wait3A_166 : memref<8x8x128xf32, #tpu.memory_space<hbm>>)
    return
  }
}

</mosaic_0001>

<sc_bundles>
// kernel: kernel.3.cloned.1.call-start
scs
__scs_entry_jumppad:
0x0: {  	(pc) =	sbr.rel $0x88, $3  }
0x1: {  	(tag) =	ssettag $0x0;
	lr =	simm.s32 $0x1  }
0x2: {  	[smem:$0x3F9F] =	sst lr;
	_ =	strace $0xD0000000  }
0x3: {  	_ = 	snop  }
0x4: {  	_ = 	snop  }
0x5: {  	_ = 	snop  }
0x6: {  	_ = 	snop  }
0x7: {  	_ = 	snop  }
__scs_overlays_trampoline_lowered:
0x8: {  	[smem:$0x3FAE] =	sst s0  }
0x9: {  	[smem:$0x3FAF] =	sst s1  }
0xa: {  	[smem:$0x3FB0] =	sst s2  }
0xb: {  	[smem:$0x3FB1] =	sst s3  }
0xc: {  	[smem:$0x3FB2] =	sst s4  }
0xd: {  	[smem:$0x3FB3] =	sst s5  }
0xe: {  	[smem:$0x3FB4] =	sst s6  }
0xf: {  	[smem:$0x3FB5] =	sst s7  }
0x10: {  	[smem:$0x3FB6] =	sst s8  }
0x11: {  	[smem:$0x3FB7] =	sst s9;
	s0 =	simm.s32 @!p0 $0x0  }
0x12: {  	s1 =	sld [smem:$0x3F9D];
	s0 =	simm.s32 @p0 $0x1  }
0x13: {  	[smem:$0x3FB8] =	sst s0;
	s0 =	simm.s32 @!p1 $0x0  }
0x14: {  	s2 =	sld [smem:$0x3F9C];
	s0 =	simm.s32 @p1 $0x1  }
0x15: {  	[smem:$0x3FB9] =	sst s0;
	s0 =	simm.s32 @!p2 $0x0  }
0x16: {  	s3 =	sld [smem:$0x3FDB];
	s0 =	simm.s32 @p2 $0x1  }
0x17: {  	s4 =	simm.s32 $0x1BF5;
	[smem:$0x3FBB] =	sst s0  }
0x18: {  	s0 =	sld [smem:$0x3F9E];
	_ =	swait.ge [sflag:s4], $0x0  }
0x19: {  	s7 =	sld [smem:$0x3F9F]  }
0x1a: {  	s8 =	sadd.s32 $0xFFFFE003, lr  }
0x1b: {  	s9 =	sadd.s32 $0xFFFFFEF7, lr;
	s5 =	simm.s32 $0xFFFFFFFF;
	p2 =	slt.u32 s8, $0xFFFFF086  }
0x1c: {  	p1 =	slt.u32 s9, $0xF7A;
	s5 =	simm.s32 @!p2 $0x0  }
0x1d: {  	s5 =	simm.s32 @p1 $0x1;
	p0 =	seq.s32 s7, s2  }
0x1e: {  	s7 =	smul.u32 @!p0 $0xF7A, s2;
	p2 =	seq.s32 @!p0 s5, $0x0  }
0x1f: {  	s9 =	smul.u32 $0xF7A, s1;
	s8 =	simm.s32 @!p0 $0x1BF5;
	p2 =	por !p2, p0  }
0x20: {  	[sflag:s8] =	ssyncset.s32 @!p0 $0xFFFFF086;
	s6 =	sadd.s32 @!p0 s3, s7;
	s7 =	simm.s32 @!p0 $0x108  }
0x21: {  	s3 =	sadd.s32 s3, s9;
	s6 =	sadd.s32 @!p0 $0x88, s6;
	s7 =	simm.s32 @p2 $0x1082  }
0x22: {  	[simem:s7], [sflag:s8] =	dma.local @!p0 [hbm:s6], $0xF7A  }
0x23: {  	s9 =	sor.u32 $0xD0000000, s2;
	s6 =	simm.s32 $0x108;
	_ =	swait.ge @!p0 [sflag:s8], $0x0  }
0x24: {  	s3 =	sadd.s32 $0x88, s3;
	s6 =	simm.s32 @!p1 $0x1082;
	[sflag:s4] =	ssyncset.s32 $0xFFFFF086  }
0x25: {  	[simem:s6], [sflag:s4] =	dma.local [hbm:s3], $0xF7A  }
0x26: {  	[smem:$0x3F9F] =	sst s1;
	(tag) =	ssettag s2;
	_ =	strace s9  }
0x27: {  	s1 =	sld [smem:$0x3FAF]  }
0x28: {  	s2 =	sld [smem:$0x3FB0]  }
0x29: {  	s4 =	sld [smem:$0x3FB2]  }
0x2a: {  	p0 =	seq.s32 s5, $0x0;
	s5 =	sld [smem:$0x3FB3]  }
0x2b: {  	s6 =	sld [smem:$0x3FB4]  }
0x2c: {  	s7 =	sld [smem:$0x3FB5]  }
0x2d: {  	s3 =	simm.s32 $0x108;
	s8 =	sld [smem:$0x3FB6]  }
0x2e: {  	s3 =	simm.s32 @!p0 $0x1082;
	s9 =	sld [smem:$0x3FB7]  }
0x2f: {  	lr =	sadd.s32 s0, s3;
	s0 =	sld [smem:$0x3FAE]  }
0x30: {  	s3 =	sld [smem:$0x3FB1]  }
0x31: {  	[smem:$0x3FBA] =	sst s10  }
0x32: {  	s10 =	sld [smem:$0x3FB8];
	_ =	sdelay $0x3  }
0x33: {  	p0 =	seq.s32 s10, $0x1;
	s10 =	sld [smem:$0x3FBA];
	_ =	sdelay $0x3  }
0x34: {  	[smem:$0x3FBA] =	sst s10  }
0x35: {  	s10 =	sld [smem:$0x3FB9];
	_ =	sdelay $0x3  }
0x36: {  	p1 =	seq.s32 s10, $0x1;
	s10 =	sld [smem:$0x3FBA];
	_ =	sdelay $0x3  }
0x37: {  	[smem:$0x3FBA] =	sst s10  }
0x38: {  	s10 =	sld [smem:$0x3FBB]  }
0x39: {  	_ = 	snop;
	(pc) =	sbr.ind lr, $3  }
0x3a: {  	_ = 	snop  }
0x3b: {  	_ = 	snop  }
0x3c: {  	p2 =	seq.s32 s10, $0x1;
	s10 =	sld [smem:$0x3FBA]  }
0x3d: {  	_ =	shalt  }
0x3e: {  	_ =	shalt  }
0x3f: {  	_ =	shalt  }
0x40: {  	_ =	shalt  }
0x41: {  	_ =	shalt  }
0x42: {  	_ =	shalt  }
0x43: {  	_ =	shalt  }
0x44: {  	_ =	shalt  }
0x45: {  	_ =	shalt  }
0x46: {  	_ =	shalt  }
0x47: {  	_ =	shalt  }
0x48: {  	_ =	shalt  }
0x49: {  	_ =	shalt  }
0x4a: {  	_ =	shalt  }
0x4b: {  	_ =	shalt  }
0x4c: {  	_ =	shalt  }
0x4d: {  	_ =	shalt  }
0x4e: {  	_ =	shalt  }
0x4f: {  	_ =	shalt  }
0x50: {  	_ =	shalt  }
0x51: {  	_ =	shalt  }
0x52: {  	_ =	shalt  }
0x53: {  	_ =	shalt  }
0x54: {  	_ =	shalt  }
0x55: {  	_ =	shalt  }
0x56: {  	_ =	shalt  }
0x57: {  	_ =	shalt  }
0x58: {  	_ =	shalt  }
0x59: {  	_ =	shalt  }
0x5a: {  	_ =	shalt  }
0x5b: {  	_ =	shalt  }
0x5c: {  	_ =	shalt  }
0x5d: {  	_ =	shalt  }
0x5e: {  	_ =	shalt  }
0x5f: {  	_ =	shalt  }
0x60: {  	_ =	shalt  }
0x61: {  	_ =	shalt  }
0x62: {  	_ =	shalt  }
0x63: {  	_ =	shalt  }
0x64: {  	_ =	shalt  }
0x65: {  	_ =	shalt  }
0x66: {  	_ =	shalt  }
0x67: {  	_ =	shalt  }
0x68: {  	_ =	shalt  }
0x69: {  	_ =	shalt  }
0x6a: {  	_ =	shalt  }
0x6b: {  	_ =	shalt  }
0x6c: {  	_ =	shalt  }
0x6d: {  	_ =	shalt  }
0x6e: {  	_ =	shalt  }
0x6f: {  	_ =	shalt  }
0x70: {  	_ =	shalt  }
0x71: {  	_ =	shalt  }
0x72: {  	_ =	shalt  }
0x73: {  	_ =	shalt  }
0x74: {  	_ =	shalt  }
0x75: {  	_ =	shalt  }
0x76: {  	_ =	shalt  }
0x77: {  	_ =	shalt  }
0x78: {  	_ =	shalt  }
0x79: {  	_ =	shalt  }
0x7a: {  	_ =	shalt  }
0x7b: {  	_ =	shalt  }
0x7c: {  	_ =	shalt  }
0x7d: {  	_ =	shalt  }
0x7e: {  	_ =	shalt  }
0x7f: {  	_ =	shalt  }
0x80: {  	_ =	shalt  }
0x81: {  	_ =	shalt  }
0x82: {  	_ =	shalt  }
0x83: {  	_ =	shalt  }
0x84: {  	_ =	shalt  }
0x85: {  	_ =	shalt  }
0x86: {  	_ =	shalt  }
0x87: {  	_ =	shalt  }
.Lfunc_end0:
.L_simem_size_0:
called_computation_lowered:
.L_overlay_start_0:
0x88: {  	s2 =	sld [smem:$0x3FD9]  }
0x89: {  	s3 =	sld [smem:$0x3FFE];
	_ =	sdelay $0x1  }
0x8a: {  	s1 =	srdreg.scid  }
0x8b: {  	s0 =	sand.u32 $0x1, s1  }
0x8c: {  	s17 =	sshll.u32 s0, $0xA;
	s2 =	sadd.s32 s3, s2  }
0x8d: {  	s2 =	sadd.s32 s2, s17  }
0x8e: {  	[smem:$0x3FC6] =	sst s2  }
0x8f: {  	_ = 	snop  }
0x90: {  	s2 =	sld [smem:$0x3FD0];
	(tm) =	ssettm $0x1  }
0x91: {  	s18 =	sld [smem:$0x3FFB];
	_ =	sdelay $0x3  }
0x92: {  	_ =	strace s18  }
0x93: {  	s3 =	sld [smem:$0x3FFC];
	_ =	sdelay $0x3  }
0x94: {  	_ =	strace s3  }
0x95: {  	s3 =	sld [smem:$0x3FFD];
	_ =	sdelay $0x3  }
0x96: {  	_ =	strace s3  }
0x97: {  	_ =	strace $0x8FFFFFFF  }
0x98: {  	s19 =	sld [smem:$0x3FDB];
	_ =	sdelay $0x1  }
0x99: {  	s4 =	simm.s32 $_scs_section_size  }
0x9a: {  	s5 =	simm.s32 $_size__tile_overlayer_lowered;
	s6 =	simm.s32 $_tile_overlayer_lowered  }
0x9b: {  	s22 =	simm.s32 $0x1BFF;
	s21 =	sshll.u32 s6, $0x1;
	s3 =	sadd.s32 s4, s19  }
0x9c: {  	s7 =	simm.s32 $0x0;
	s20 =	sshll.u32 s5, $0x1;
	s5 =	sadd.s32 s21, s3  }
0x9d: {  	[timem:s7], [sflag:s22] =	dma.local [hbm:s5], s20  }
0x9e: {  	_ =	swait.ge [sflag:s22], s20  }
0x9f: {  	s4 =	ssub.s32 $0x0, s20;
	[sflag:s22] =	ssyncset.done $0x0  }
0xa0: {  	[sflag:s22] =	ssyncadd.s32 s4;
	_ =	sdelay $0x1  }
0xa1: {  	s23 =	simm.s32 $0x1B8B  }
0xa2: {  	_ =	swait.ge [sflag:s23], $0x1  }
0xa3: {  	[sflag:s23] =	ssyncset.done $0x0  }
0xa4: {  	s25 =	simm.s32 $0x1B8E;
	s24 =	sld [smem:$0x3FFE];
	[sflag:s23] =	ssyncadd.s32 $0xFFFFFFFF  }
0xa5: {  	s26 =	simm.s32 $execute0_lowered;
	[smem:$0x3FD2] =	sst s25  }
0xa6: {  	s5 =	sshll.u32 s26, $0x1;
	_ =	strace $0x80000046;
	[dreg:$0x1] =	wrdreg $0xFFFFFFFF  }
0xa7: {  	s28 =	simm.s32 $_size_execute0_lowered;
	s3 =	sadd.s32 s3, s5;
	[dreg:$0x0] =	wrdreg $0x0  }
0xa8: {  	s5 =	sshll.u32 s28, $0x1;
	[dreg:$0x2] =	wrdreg s3  }
0xa9: {  	[dreg:$0x3] =	wrdreg s5  }
0xaa: {  	[dreg:$0x4] =	wrdreg $0xC0  }
0xab: {  	_ =	task [dreg:s7], $0x5FFFF  }
0xac: {  	[dreg:$0x1] =	wrdreg $0xFFFFFFFF  }
0xad: {  	[dreg:$0x0] =	wrdreg $0x60  }
0xae: {  	[dreg:$0x2] =	wrdreg s24  }
0xaf: {  	[dreg:$0x3] =	wrdreg s2  }
0xb0: {  	[dreg:$0x4] =	wrdreg $0x9  }
0xb1: {  	_ =	task.clear_ibuf [dreg:s7], $0x5FFFF;
	_ =	strace $0x90000046  }
0xb2: {  	s29 =	simm.s32 $0x9;
	_ =	strace $0x80000048  }
0xb3: {  	_ =	swait.ge [sflag:s29], $0x1  }
0xb4: {  	[sflag:s29] =	ssyncadd.s32 $0xFFFFFFFF  }
0xb5: {  	_ =	strace $0x90000048  }
0xb6: {  	_ =	sfence  }
0xb7: {  	s30 =	sld [smem:$0x0];
	_ =	sdelay $0x2  }
0xb8: {  	s31 =	sshll.u32 s1, $0xD;
	s1 =	sshrl.u32 s1, $0x2  }
0xb9: {  	s3 =	sand.u32 $0x4000, s31;
	s1 =	sadd.s32 s1, s30  }
0xba: {  	s0 =	sor.u32 s3, s0;
	s1 =	sshll.u32 s1, $0x11  }
0xbb: {  	s0 =	sor.u32 s1, s0  }
0xbc: {  	s0 =	sadd.s32 $0x8F2B, s0  }
0xbd: {  	[sflag:s0] =	ssyncadd.remote.s32 $0x1  }
0xbe: {  	_ =	sfence.sel $0xFFFF  }
0xbf: {  	[dreg:$0x0] =	wrdreg $0xFFFFFFFF;
	(pc) =	sbr.abs _section_cstart, $3  }
0xc0: {  	[dreg:$0x1] =	wrdreg $0xFFFFFFFF  }
0xc1: {  	_ =	task.clear_ibuf [dreg:s7], $0x2FFFF;
	_ =	strace $0x9FFFFFFF  }
0xc2: {  	(tm) =	ssettm $0x7FFFFFFF  }
0xc3: {  	_ =	shalt  }
tec
execute0_lowered:
.L_overlay_start_1:
0x0: {  	(tag) =	ssettag $0x1  }
0x1: {  	s0 =	srdreg.scid  }
0x2: {  	s2 =	stileid.u32;
	s1 =	rddreg [dreg:$0x0]  }
0x3: {  	v0 =	vlaneseq.u32;
	s9 =	simm.s32 $0x5;
	s10 =	simm.s32 $0x40;
	s11 =	simm.s32 $0x1900  }
0x4: {  	s18 =	simm.s32 $0x5900;
	s22 =	simm.s32 $0x7900;
	s23 =	simm.s32 $0x1C0;
	v1 =	vmul.u32 $0x40, v0  }
0x5: {  	s24 =	simm.s32 $0x8900;
	s25 =	simm.s32 $0x1;
	s26 =	simm.s32 $0x9900;
	v3 =	vor.u32 $0x10, v0;
	v5 =	vor.u32 $0x20, v0;
	v7 =	vor.u32 $0x30, v0  }
0x6: {  	s28 =	simm.s32 $0x400;
	s29 =	simm.s32 $0x8000;
	s30 =	simm.s32 $0xB900;
	v9 =	vor.u32 $0x40, v0;
	v11 =	vor.u32 $0x50, v0;
	v13 =	vor.u32 $0x60, v0  }
0x7: {  	s31 =	simm.s32 $0x2;
	s0 =	sand.u32 $0x1, s0;
	s3 =	sshll.u32 s2, $0x1;
	v15 =	vor.u32 $0x70, v0;
	v17 =	vor.u32 $0x2000, v0;
	v19 =	vor.u32 $0x2010, v0  }
0x8: {  	s12 =	simm.s32 $0x4;
	s13 =	simm.s32 $0x3;
	v21 =	vor.u32 $0x2020, v0;
	v23 =	vor.u32 $0x2030, v0;
	v25 =	vor.u32 $0x2040, v0;
	s6 =	sor.u32 s0, s3  }
0x9: {  	s14 =	simm.s32 $0x0;
	s2 =	rddreg [dreg:$0x1];
	v27 =	vor.u32 $0x2050, v0;
	v29 =	vor.u32 $0x2060, v0;
	v31 =	vor.u32 $0x2070, v0;
	s4 =	smul.u32 $0x320, s6  }
.Ltmp0:
0xa: {  	s3 =	simm.s32 $0x0;
	s0 =	ssub.s32 $0x2, s0;
	v2 =	vor.u32 $0x400, v1;
	v4 =	vor.u32 $0x800, v1;
	v6 =	vor.u32 $0xC00, v1;
	(pc) =	sbr.rel .LBB2_1-.Ltmp0, $4  }
0xb: {  	[smem:$0x7FF] =	sst s3;
	s7 =	sshrl.u32 s0, $0x1;
	s6 =	sshll.u32 s6, $0xA;
	v8 =	vor.u32 $0x1000, v1;
	v10 =	vor.u32 $0x1400, v1;
	v12 =	vor.u32 $0x1800, v1  }
0xc: {  	v14 =	vor.u32 $0x1C00, v1;
	v16 =	vor.u32 $0x2000, v1;
	v18 =	vor.u32 $0x2400, v1;
	_ =	strace $0x80000047;
	s0 =	ssub.s32 s0, s7;
	s7 =	sadd.s32 $0x8000, s2  }
0xd: {  	v20 =	vor.u32 $0x2800, v1;
	v22 =	vor.u32 $0x2C00, v1;
	v24 =	vor.u32 $0x3000, v1;
	s5 =	sadd.s32 s4, s1;
	s4 =	sadd.s32 $0xF42A00, s1;
	s8 =	smax.u32 s0, $0x1  }
0xe: {  	v26 =	vor.u32 $0x3400, v1;
	v28 =	vor.u32 $0x3800, v1;
	v30 =	vor.u32 $0x3C00, v1;
	s1 =	simm.s32 $0xD900;
	s0 =	simm.s32 $0xF900;
	s5 =	sadd.s32 $0x600, s5  }
.LBB2_9:
0xf: {  	_ =	swait.ge [sflag:s12], $0x2000  }
0x10: {  	[sflag:s12] =	ssyncset.done $0x0  }
0x11: {  	[sflag:s12] =	ssyncadd.s32 $0xFFFFE000  }
0x12: {  	_ =	swait.ge [sflag:s12], $0x2000  }
0x13: {  	[sflag:s12] =	ssyncset.done $0x0  }
0x14: {  	s14 =	sadd.s32 $0x1, s14;
	[sflag:s12] =	ssyncadd.s32 $0xFFFFE000  }
0x15: {  	p0 =	sne.s32 s14, s8;
	_ =	swait.ge [sflag:s13], $0x2000  }
.Ltmp1:
0x16: {  	[sflag:s13] =	ssyncset.done $0x0;
	(pc) =	sbr.rel @!p0 .LBB2_10-.Ltmp1, $4  }
0x17: {  	[sflag:s13] =	ssyncadd.s32 $0xFFFFE000  }
0x18: {  	_ =	swait.ge [sflag:s13], $0x2000  }
0x19: {  	[sflag:s13] =	ssyncset.done $0x0  }
0x1a: {  	[sflag:s13] =	ssyncadd.s32 $0xFFFFE000  }
.LBB2_1:
0x1b: {  	[tilespmem:s3], [sflag:$0x5] =	stream.linear.gather [hbm4b:s5+s3], $0x1900, $0x38;
	[tilespmem:$0x11900] =	vst v63  }
0x1c: {  	_ =	swait.ge [sflag:s9], $0x1900  }
0x1d: {  	[sflag:s9] =	ssyncset.done $0x0  }
0x1e: {  	[sflag:s9] =	ssyncadd.s32 $0xFFFFE700  }
0x1f: {  	[tilespmem:s11], [sflag:$0x1] =	stream.indirect.gather [hbm4b:s4+s10], $0x40, s3, s10, $0xb8;
	[tilespmem:$0x11900] =	vst v63  }
0x20: {  	s15 =	simm.s32 $0x2900  }
0x21: {  	[tilespmem:s15], [sflag:$0x1] =	stream.indirect.gather [hbm4b:s4+s10], $0x40, s10, s10, $0xb8;
	[tilespmem:$0x11900] =	vst v63  }
0x22: {  	s19 =	simm.s32 $0x80;
	s16 =	simm.s32 $0x3900  }
0x23: {  	[tilespmem:s16], [sflag:$0x1] =	stream.indirect.gather [hbm4b:s4+s10], $0x40, s19, s10, $0xb8;
	[tilespmem:$0x11900] =	vst v63  }
0x24: {  	s20 =	simm.s32 $0xC0;
	s21 =	simm.s32 $0x4900  }
0x25: {  	[tilespmem:s21], [sflag:$0x1] =	stream.indirect.gather [hbm4b:s4+s10], $0x40, s20, s10, $0xb8;
	[tilespmem:$0x11900] =	vst v63  }
0x26: {  	s17 =	simm.s32 $0x100  }
0x27: {  	[tilespmem:s18], [sflag:$0x2] =	stream.indirect.gather [hbm4b:s4+s10], $0x40, s17, s10, $0xb8;
	[tilespmem:$0x11900] =	vst v63  }
0x28: {  	s19 =	simm.s32 $0x140;
	s20 =	simm.s32 $0x6900  }
0x29: {  	[tilespmem:s20], [sflag:$0x2] =	stream.indirect.gather [hbm4b:s4+s10], $0x40, s19, s10, $0xb8;
	[tilespmem:$0x11900] =	vst v63  }
.Ltmp2:
0x2a: {  	_ = 	snop;
	(pc) =	sbr.rel .LBB2_2-.Ltmp2, $4  }
0x2b: {  	s21 =	simm.s32 $0x180  }
0x2c: {  	[tilespmem:s22], [sflag:$0x2] =	stream.indirect.gather [hbm4b:s4+s10], $0x40, s21, s10, $0xb8;
	[tilespmem:$0x11900] =	vst v63  }
0x2d: {  	s15 =	simm.s32 $0x0  }
0x2e: {  	[tilespmem:s24], [sflag:$0x2] =	stream.indirect.gather [hbm4b:s4+s10], $0x40, s23, s10, $0xb8;
	[tilespmem:$0x11900] =	vst v63  }
.LBB2_8:
0x2f: {  	s15 =	sadd.s32 $0x1, s15  }
0x30: {  	p0 =	sne.s32 s15, $0xD  }
.Ltmp3:
0x31: {  	_ = 	snop;
	(pc) =	sbr.rel @!p0 .LBB2_9-.Ltmp3, $1  }
0x32: {  	_ =	sdelay $0x3  }
.LBB2_2:
0x33: {  	_ =	swait.ge [sflag:s25], $0x1000  }
0x34: {  	[sflag:s25] =	ssyncset.done $0x0  }
0x35: {  	[sflag:s25] =	ssyncadd.s32 $0xFFFFF000  }
0x36: {  	_ =	swait.ge [sflag:s25], $0x1000  }
0x37: {  	[sflag:s25] =	ssyncset.done $0x0  }
0x38: {  	[sflag:s25] =	ssyncadd.s32 $0xFFFFF000  }
0x39: {  	_ =	swait.ge [sflag:s25], $0x1000  }
0x3a: {  	[sflag:s25] =	ssyncset.done $0x0  }
0x3b: {  	[sflag:s25] =	ssyncadd.s32 $0xFFFFF000  }
0x3c: {  	_ =	swait.ge [sflag:s25], $0x1000  }
0x3d: {  	p0 =	seq.s32 s15, $0x0;
	s16 =	simm.s32 $0x0;
	[sflag:s25] =	ssyncset.done $0x0  }
0x3e: {  	s17 =	simm.s32 @!p0 $0x3;
	v32 =	vadd.s32 s16, v0;
	[sflag:s25] =	ssyncadd.s32 $0xFFFFF000  }
0x3f: {  	v33 =	vand.u32 $0x3F, v32;
	_ =	swait.ge @!p0 [sflag:s17], $0x2000  }
0x40: {  	v34 =	vor.u32 v1, v33;
	[sflag:s17] =	ssyncset.done @!p0 $0x0  }
0x41: {  	[sflag:s17] =	ssyncadd.s32 @!p0 $0xFFFFE000  }
0x42: {  	_ =	swait.ge @!p0 [sflag:s17], $0x2000  }
0x43: {  	v32 =	vshll.u32 v32, $0x7;
	[sflag:s17] =	ssyncset.done @!p0 $0x0  }
0x44: {  	v35 =	vand.u32 $0x1F80, v32;
	[sflag:s17] =	ssyncadd.s32 @!p0 $0xFFFFE000  }
0x45: {  	v36 =	vor.u32 v0, v35;
	v34 =	vld.idx.msk [tilespmem:v34+s11+$0x0], $0xffff  }
0x46: {  	v37 =	vor.u32 v2, v33;
	_ =	sdelay $0x3  }
0x47: {  	[tilespmem:v36+s26+$0x0] =	vst.idx.msk $0xffff, v34  }
0x48: {  	v40 =	vor.u32 v3, v35;
	v34 =	vld.idx.msk [tilespmem:v37+s11+$0x0], $0xffff  }
0x49: {  	v41 =	vor.u32 v4, v33;
	_ =	sdelay $0x3  }
0x4a: {  	[tilespmem:v40+s26+$0x0] =	vst.idx.msk $0xffff, v34  }
0x4b: {  	v42 =	vor.u32 v5, v35;
	v34 =	vld.idx.msk [tilespmem:v41+s11+$0x0], $0xffff  }
0x4c: {  	v43 =	vor.u32 v6, v33;
	_ =	sdelay $0x3  }
0x4d: {  	[tilespmem:v42+s26+$0x0] =	vst.idx.msk $0xffff, v34  }
0x4e: {  	v44 =	vor.u32 v7, v35;
	v34 =	vld.idx.msk [tilespmem:v43+s11+$0x0], $0xffff  }
0x4f: {  	v45 =	vor.u32 v8, v33;
	_ =	sdelay $0x3  }
0x50: {  	[tilespmem:v44+s26+$0x0] =	vst.idx.msk $0xffff, v34  }
0x51: {  	v46 =	vor.u32 v9, v35;
	v34 =	vld.idx.msk [tilespmem:v45+s11+$0x0], $0xffff  }
0x52: {  	v47 =	vor.u32 v10, v33;
	_ =	sdelay $0x3  }
0x53: {  	[tilespmem:v46+s26+$0x0] =	vst.idx.msk $0xffff, v34  }
0x54: {  	v48 =	vor.u32 v11, v35;
	v34 =	vld.idx.msk [tilespmem:v47+s11+$0x0], $0xffff  }
0x55: {  	v49 =	vor.u32 v12, v33;
	_ =	sdelay $0x3  }
0x56: {  	[tilespmem:v48+s26+$0x0] =	vst.idx.msk $0xffff, v34  }
0x57: {  	v50 =	vor.u32 v13, v35;
	v34 =	vld.idx.msk [tilespmem:v49+s11+$0x0], $0xffff  }
0x58: {  	v51 =	vor.u32 v14, v33;
	_ =	sdelay $0x3  }
0x59: {  	[tilespmem:v50+s26+$0x0] =	vst.idx.msk $0xffff, v34  }
0x5a: {  	v35 =	vor.u32 v15, v35;
	v34 =	vld.idx.msk [tilespmem:v51+s11+$0x0], $0xffff  }
0x5b: {  	v52 =	vor.u32 v16, v33;
	_ =	sdelay $0x3  }
0x5c: {  	[tilespmem:v35+s26+$0x0] =	vst.idx.msk $0xffff, v34  }
0x5d: {  	v53 =	vor.u32 v17, v32;
	v34 =	vld.idx.msk [tilespmem:v52+s11+$0x0], $0xffff  }
0x5e: {  	v54 =	vor.u32 v18, v33;
	_ =	sdelay $0x3  }
0x5f: {  	[tilespmem:v53+s26+$0x0] =	vst.idx.msk $0xffff, v34  }
0x60: {  	v55 =	vor.u32 v19, v32;
	v34 =	vld.idx.msk [tilespmem:v54+s11+$0x0], $0xffff  }
0x61: {  	v56 =	vor.u32 v20, v33;
	_ =	sdelay $0x3  }
0x62: {  	[tilespmem:v55+s26+$0x0] =	vst.idx.msk $0xffff, v34  }
0x63: {  	v57 =	vor.u32 v21, v32;
	v34 =	vld.idx.msk [tilespmem:v56+s11+$0x0], $0xffff  }
0x64: {  	v58 =	vor.u32 v22, v33;
	_ =	sdelay $0x3  }
0x65: {  	[tilespmem:v57+s26+$0x0] =	vst.idx.msk $0xffff, v34  }
0x66: {  	v59 =	vor.u32 v23, v32;
	v34 =	vld.idx.msk [tilespmem:v58+s11+$0x0], $0xffff  }
0x67: {  	v60 =	vor.u32 v24, v33;
	_ =	sdelay $0x3  }
0x68: {  	[tilespmem:v59+s26+$0x0] =	vst.idx.msk $0xffff, v34  }
0x69: {  	v61 =	vor.u32 v25, v32;
	v34 =	vld.idx.msk [tilespmem:v60+s11+$0x0], $0xffff  }
0x6a: {  	v62 =	vor.u32 v26, v33;
	_ =	sdelay $0x3  }
0x6b: {  	[tilespmem:v61+s26+$0x0] =	vst.idx.msk $0xffff, v34  }
0x6c: {  	v63 =	vor.u32 v27, v32;
	v34 =	vld.idx.msk [tilespmem:v62+s11+$0x0], $0xffff  }
0x6d: {  	v40 =	vor.u32 v28, v33;
	_ =	sdelay $0x3  }
0x6e: {  	[tilespmem:v63+s26+$0x0] =	vst.idx.msk $0xffff, v34  }
0x6f: {  	v41 =	vor.u32 v29, v32;
	v34 =	vld.idx.msk [tilespmem:v40+s11+$0x0], $0xffff  }
0x70: {  	v33 =	vor.u32 v30, v33;
	_ =	sdelay $0x2  }
0x71: {  	s19 =	simm.s32 $0x1  }
0x72: {  	v42 =	vadd.s32 s19, v0;
	[tilespmem:v41+s26+$0x0] =	vst.idx.msk $0xffff, v34  }
0x73: {  	v32 =	vor.u32 v31, v32;
	v35 =	vand.u32 $0x3F, v42;
	v33 =	vld.idx.msk [tilespmem:v33+s11+$0x0], $0xffff  }
0x74: {  	v43 =	vor.u32 v1, v35;
	_ =	sdelay $0x2  }
0x75: {  	v34 =	vshll.u32 v42, $0x7  }
0x76: {  	[tilespmem:v32+s26+$0x0] =	vst.idx.msk $0xffff, v33;
	v32 =	vand.u32 $0x1F80, v34  }
0x77: {  	v33 =	vld.idx.msk [tilespmem:v43+s11+$0x0], $0xffff;
	v34 =	vor.u32 v0, v32  }
0x78: {  	v44 =	vor.u32 v2, v35;
	_ =	sdelay $0x3  }
0x79: {  	[tilespmem:v34+s26+$0x0] =	vst.idx.msk $0xffff, v33  }
0x7a: {  	v45 =	vor.u32 v3, v32;
	v33 =	vld.idx.msk [tilespmem:v44+s11+$0x0], $0xffff  }
0x7b: {  	v46 =	vor.u32 v4, v35;
	_ =	sdelay $0x3  }
0x7c: {  	[tilespmem:v45+s26+$0x0] =	vst.idx.msk $0xffff, v33  }
0x7d: {  	v47 =	vor.u32 v5, v32;
	v33 =	vld.idx.msk [tilespmem:v46+s11+$0x0], $0xffff  }
0x7e: {  	v48 =	vor.u32 v6, v35;
	_ =	sdelay $0x3  }
0x7f: {  	[tilespmem:v47+s26+$0x0] =	vst.idx.msk $0xffff, v33  }
0x80: {  	v49 =	vor.u32 v7, v32;
	v33 =	vld.idx.msk [tilespmem:v48+s11+$0x0], $0xffff  }
0x81: {  	v50 =	vor.u32 v8, v35;
	_ =	sdelay $0x3  }
0x82: {  	[tilespmem:v49+s26+$0x0] =	vst.idx.msk $0xffff, v33  }
0x83: {  	v51 =	vor.u32 v9, v32;
	v33 =	vld.idx.msk [tilespmem:v50+s11+$0x0], $0xffff  }
0x84: {  	v52 =	vor.u32 v10, v35;
	_ =	sdelay $0x3  }
0x85: {  	[tilespmem:v51+s26+$0x0] =	vst.idx.msk $0xffff, v33  }
0x86: {  	v53 =	vor.u32 v11, v32;
	v33 =	vld.idx.msk [tilespmem:v52+s11+$0x0], $0xffff  }
0x87: {  	v54 =	vor.u32 v12, v35;
	_ =	sdelay $0x3  }
0x88: {  	[tilespmem:v53+s26+$0x0] =	vst.idx.msk $0xffff, v33  }
0x89: {  	v55 =	vor.u32 v13, v32;
	v33 =	vld.idx.msk [tilespmem:v54+s11+$0x0], $0xffff  }
0x8a: {  	v56 =	vor.u32 v14, v35;
	_ =	sdelay $0x3  }
0x8b: {  	[tilespmem:v55+s26+$0x0] =	vst.idx.msk $0xffff, v33  }
0x8c: {  	v57 =	vor.u32 v15, v32;
	v33 =	vld.idx.msk [tilespmem:v56+s11+$0x0], $0xffff  }
0x8d: {  	v58 =	vor.u32 v16, v35;
	_ =	sdelay $0x3  }
0x8e: {  	[tilespmem:v57+s26+$0x0] =	vst.idx.msk $0xffff, v33  }
0x8f: {  	v59 =	vor.u32 v17, v32;
	v33 =	vld.idx.msk [tilespmem:v58+s11+$0x0], $0xffff  }
0x90: {  	v60 =	vor.u32 v18, v35;
	_ =	sdelay $0x3  }
0x91: {  	[tilespmem:v59+s26+$0x0] =	vst.idx.msk $0xffff, v33  }
0x92: {  	v61 =	vor.u32 v19, v32;
	v33 =	vld.idx.msk [tilespmem:v60+s11+$0x0], $0xffff  }
0x93: {  	v62 =	vor.u32 v20, v35;
	_ =	sdelay $0x3  }
0x94: {  	[tilespmem:v61+s26+$0x0] =	vst.idx.msk $0xffff, v33  }
0x95: {  	v63 =	vor.u32 v21, v32;
	v33 =	vld.idx.msk [tilespmem:v62+s11+$0x0], $0xffff  }
0x96: {  	v40 =	vor.u32 v22, v35;
	_ =	sdelay $0x3  }
0x97: {  	[tilespmem:v63+s26+$0x0] =	vst.idx.msk $0xffff, v33  }
0x98: {  	v41 =	vor.u32 v23, v32;
	v33 =	vld.idx.msk [tilespmem:v40+s11+$0x0], $0xffff  }
0x99: {  	v42 =	vor.u32 v24, v35;
	_ =	sdelay $0x3  }
0x9a: {  	[tilespmem:v41+s26+$0x0] =	vst.idx.msk $0xffff, v33  }
0x9b: {  	v43 =	vor.u32 v25, v32;
	v33 =	vld.idx.msk [tilespmem:v42+s11+$0x0], $0xffff  }
0x9c: {  	v44 =	vor.u32 v26, v35;
	_ =	sdelay $0x3  }
0x9d: {  	[tilespmem:v43+s26+$0x0] =	vst.idx.msk $0xffff, v33  }
0x9e: {  	v45 =	vor.u32 v27, v32;
	v33 =	vld.idx.msk [tilespmem:v44+s11+$0x0], $0xffff  }
0x9f: {  	v46 =	vor.u32 v28, v35;
	_ =	sdelay $0x3  }
0xa0: {  	[tilespmem:v45+s26+$0x0] =	vst.idx.msk $0xffff, v33  }
0xa1: {  	v47 =	vor.u32 v29, v32;
	v33 =	vld.idx.msk [tilespmem:v46+s11+$0x0], $0xffff  }
0xa2: {  	v35 =	vor.u32 v30, v35;
	_ =	sdelay $0x2  }
0xa3: {  	s20 =	simm.s32 $0x2  }
0xa4: {  	v48 =	vadd.s32 s20, v0;
	[tilespmem:v47+s26+$0x0] =	vst.idx.msk $0xffff, v33  }
0xa5: {  	v32 =	vor.u32 v31, v32;
	v34 =	vld.idx.msk [tilespmem:v35+s11+$0x0], $0xffff;
	v35 =	vand.u32 $0x3F, v48  }
0xa6: {  	v49 =	vor.u32 v1, v35;
	_ =	sdelay $0x2  }
0xa7: {  	v33 =	vshll.u32 v48, $0x7  }
0xa8: {  	[tilespmem:v32+s26+$0x0] =	vst.idx.msk $0xffff, v34;
	v32 =	vand.u32 $0x1F80, v33  }
0xa9: {  	v50 =	vld.idx.msk [tilespmem:v49+s11+$0x0], $0xffff;
	v51 =	vor.u32 v0, v32  }
0xaa: {  	v52 =	vor.u32 v2, v35;
	_ =	sdelay $0x3  }
0xab: {  	[tilespmem:v51+s26+$0x0] =	vst.idx.msk $0xffff, v50  }
0xac: {  	v53 =	vor.u32 v3, v32;
	v33 =	vld.idx.msk [tilespmem:v52+s11+$0x0], $0xffff  }
0xad: {  	v54 =	vor.u32 v4, v35;
	_ =	sdelay $0x3  }
0xae: {  	[tilespmem:v53+s26+$0x0] =	vst.idx.msk $0xffff, v33  }
0xaf: {  	v55 =	vor.u32 v5, v32;
	v33 =	vld.idx.msk [tilespmem:v54+s11+$0x0], $0xffff  }
0xb0: {  	v56 =	vor.u32 v6, v35;
	_ =	sdelay $0x3  }
0xb1: {  	[tilespmem:v55+s26+$0x0] =	vst.idx.msk $0xffff, v33  }
0xb2: {  	v57 =	vor.u32 v7, v32;
	v33 =	vld.idx.msk [tilespmem:v56+s11+$0x0], $0xffff  }
0xb3: {  	v58 =	vor.u32 v8, v35;
	_ =	sdelay $0x3  }
0xb4: {  	[tilespmem:v57+s26+$0x0] =	vst.idx.msk $0xffff, v33  }
0xb5: {  	v59 =	vor.u32 v9, v32;
	v33 =	vld.idx.msk [tilespmem:v58+s11+$0x0], $0xffff  }
0xb6: {  	v60 =	vor.u32 v10, v35;
	_ =	sdelay $0x3  }
0xb7: {  	[tilespmem:v59+s26+$0x0] =	vst.idx.msk $0xffff, v33  }
0xb8: {  	v61 =	vor.u32 v11, v32;
	v33 =	vld.idx.msk [tilespmem:v60+s11+$0x0], $0xffff  }
0xb9: {  	v62 =	vor.u32 v12, v35;
	_ =	sdelay $0x3  }
0xba: {  	[tilespmem:v61+s26+$0x0] =	vst.idx.msk $0xffff, v33  }
0xbb: {  	v63 =	vor.u32 v13, v32;
	v33 =	vld.idx.msk [tilespmem:v62+s11+$0x0], $0xffff  }
0xbc: {  	v40 =	vor.u32 v14, v35;
	_ =	sdelay $0x3  }
0xbd: {  	[tilespmem:v63+s26+$0x0] =	vst.idx.msk $0xffff, v33  }
0xbe: {  	v41 =	vor.u32 v15, v32;
	v33 =	vld.idx.msk [tilespmem:v40+s11+$0x0], $0xffff  }
0xbf: {  	v42 =	vor.u32 v16, v35;
	_ =	sdelay $0x3  }
0xc0: {  	[tilespmem:v41+s26+$0x0] =	vst.idx.msk $0xffff, v33  }
0xc1: {  	v43 =	vor.u32 v17, v32;
	v33 =	vld.idx.msk [tilespmem:v42+s11+$0x0], $0xffff  }
0xc2: {  	v44 =	vor.u32 v18, v35;
	_ =	sdelay $0x3  }
0xc3: {  	[tilespmem:v43+s26+$0x0] =	vst.idx.msk $0xffff, v33  }
0xc4: {  	v45 =	vor.u32 v19, v32;
	v33 =	vld.idx.msk [tilespmem:v44+s11+$0x0], $0xffff  }
0xc5: {  	v46 =	vor.u32 v20, v35;
	_ =	sdelay $0x3  }
0xc6: {  	[tilespmem:v45+s26+$0x0] =	vst.idx.msk $0xffff, v33  }
0xc7: {  	v47 =	vor.u32 v21, v32;
	v33 =	vld.idx.msk [tilespmem:v46+s11+$0x0], $0xffff  }
0xc8: {  	v48 =	vor.u32 v22, v35;
	_ =	sdelay $0x3  }
0xc9: {  	[tilespmem:v47+s26+$0x0] =	vst.idx.msk $0xffff, v33  }
0xca: {  	v49 =	vor.u32 v23, v32;
	v33 =	vld.idx.msk [tilespmem:v48+s11+$0x0], $0xffff  }
0xcb: {  	v50 =	vor.u32 v24, v35;
	_ =	sdelay $0x3  }
0xcc: {  	[tilespmem:v49+s26+$0x0] =	vst.idx.msk $0xffff, v33  }
0xcd: {  	v51 =	vor.u32 v25, v32;
	v33 =	vld.idx.msk [tilespmem:v50+s11+$0x0], $0xffff  }
0xce: {  	v52 =	vor.u32 v26, v35;
	_ =	sdelay $0x3  }
0xcf: {  	[tilespmem:v51+s26+$0x0] =	vst.idx.msk $0xffff, v33  }
0xd0: {  	v53 =	vor.u32 v27, v32;
	v33 =	vld.idx.msk [tilespmem:v52+s11+$0x0], $0xffff  }
0xd1: {  	v54 =	vor.u32 v28, v35;
	_ =	sdelay $0x3  }
0xd2: {  	[tilespmem:v53+s26+$0x0] =	vst.idx.msk $0xffff, v33  }
0xd3: {  	v55 =	vor.u32 v29, v32;
	v33 =	vld.idx.msk [tilespmem:v54+s11+$0x0], $0xffff  }
0xd4: {  	v35 =	vor.u32 v30, v35;
	_ =	sdelay $0x2  }
0xd5: {  	s21 =	simm.s32 $0x3  }
0xd6: {  	v56 =	vadd.s32 s21, v0;
	[tilespmem:v55+s26+$0x0] =	vst.idx.msk $0xffff, v33  }
0xd7: {  	v32 =	vor.u32 v31, v32;
	v34 =	vld.idx.msk [tilespmem:v35+s11+$0x0], $0xffff;
	v35 =	vand.u32 $0x3F, v56  }
0xd8: {  	v57 =	vor.u32 v1, v35;
	_ =	sdelay $0x2  }
0xd9: {  	v33 =	vshll.u32 v56, $0x7  }
0xda: {  	[tilespmem:v32+s26+$0x0] =	vst.idx.msk $0xffff, v34;
	v32 =	vand.u32 $0x1F80, v33  }
0xdb: {  	v58 =	vld.idx.msk [tilespmem:v57+s11+$0x0], $0xffff;
	v59 =	vor.u32 v0, v32  }
0xdc: {  	v60 =	vor.u32 v2, v35;
	_ =	sdelay $0x3  }
0xdd: {  	[tilespmem:v59+s26+$0x0] =	vst.idx.msk $0xffff, v58  }
0xde: {  	v61 =	vor.u32 v3, v32;
	v33 =	vld.idx.msk [tilespmem:v60+s11+$0x0], $0xffff  }
0xdf: {  	v62 =	vor.u32 v4, v35;
	_ =	sdelay $0x3  }
0xe0: {  	[tilespmem:v61+s26+$0x0] =	vst.idx.msk $0xffff, v33  }
0xe1: {  	v63 =	vor.u32 v5, v32;
	v33 =	vld.idx.msk [tilespmem:v62+s11+$0x0], $0xffff  }
0xe2: {  	v40 =	vor.u32 v6, v35;
	_ =	sdelay $0x3  }
0xe3: {  	[tilespmem:v63+s26+$0x0] =	vst.idx.msk $0xffff, v33  }
0xe4: {  	v41 =	vor.u32 v7, v32;
	v33 =	vld.idx.msk [tilespmem:v40+s11+$0x0], $0xffff  }
0xe5: {  	v42 =	vor.u32 v8, v35;
	_ =	sdelay $0x3  }
0xe6: {  	[tilespmem:v41+s26+$0x0] =	vst.idx.msk $0xffff, v33  }
0xe7: {  	v43 =	vor.u32 v9, v32;
	v33 =	vld.idx.msk [tilespmem:v42+s11+$0x0], $0xffff  }
0xe8: {  	v44 =	vor.u32 v10, v35;
	_ =	sdelay $0x3  }
0xe9: {  	[tilespmem:v43+s26+$0x0] =	vst.idx.msk $0xffff, v33  }
0xea: {  	v45 =	vor.u32 v11, v32;
	v33 =	vld.idx.msk [tilespmem:v44+s11+$0x0], $0xffff  }
0xeb: {  	v46 =	vor.u32 v12, v35;
	_ =	sdelay $0x3  }
0xec: {  	[tilespmem:v45+s26+$0x0] =	vst.idx.msk $0xffff, v33  }
0xed: {  	v47 =	vor.u32 v13, v32;
	v33 =	vld.idx.msk [tilespmem:v46+s11+$0x0], $0xffff  }
0xee: {  	v48 =	vor.u32 v14, v35;
	_ =	sdelay $0x3  }
0xef: {  	[tilespmem:v47+s26+$0x0] =	vst.idx.msk $0xffff, v33  }
0xf0: {  	v49 =	vor.u32 v15, v32;
	v33 =	vld.idx.msk [tilespmem:v48+s11+$0x0], $0xffff  }
0xf1: {  	v50 =	vor.u32 v16, v35;
	_ =	sdelay $0x3  }
0xf2: {  	[tilespmem:v49+s26+$0x0] =	vst.idx.msk $0xffff, v33  }
0xf3: {  	v51 =	vor.u32 v17, v32;
	v33 =	vld.idx.msk [tilespmem:v50+s11+$0x0], $0xffff  }
0xf4: {  	v52 =	vor.u32 v18, v35;
	_ =	sdelay $0x3  }
0xf5: {  	[tilespmem:v51+s26+$0x0] =	vst.idx.msk $0xffff, v33  }
0xf6: {  	v53 =	vor.u32 v19, v32;
	v33 =	vld.idx.msk [tilespmem:v52+s11+$0x0], $0xffff  }
0xf7: {  	v54 =	vor.u32 v20, v35;
	_ =	sdelay $0x3  }
0xf8: {  	[tilespmem:v53+s26+$0x0] =	vst.idx.msk $0xffff, v33  }
0xf9: {  	v55 =	vor.u32 v21, v32;
	v33 =	vld.idx.msk [tilespmem:v54+s11+$0x0], $0xffff  }
0xfa: {  	v56 =	vor.u32 v22, v35;
	_ =	sdelay $0x3  }
0xfb: {  	[tilespmem:v55+s26+$0x0] =	vst.idx.msk $0xffff, v33  }
0xfc: {  	v57 =	vor.u32 v23, v32;
	v33 =	vld.idx.msk [tilespmem:v56+s11+$0x0], $0xffff  }
0xfd: {  	v58 =	vor.u32 v24, v35;
	_ =	sdelay $0x3  }
0xfe: {  	[tilespmem:v57+s26+$0x0] =	vst.idx.msk $0xffff, v33  }
0xff: {  	v59 =	vor.u32 v25, v32;
	v33 =	vld.idx.msk [tilespmem:v58+s11+$0x0], $0xffff  }
0x100: {  	v60 =	vor.u32 v26, v35;
	_ =	sdelay $0x3  }
0x101: {  	[tilespmem:v59+s26+$0x0] =	vst.idx.msk $0xffff, v33  }
0x102: {  	v61 =	vor.u32 v27, v32;
	v33 =	vld.idx.msk [tilespmem:v60+s11+$0x0], $0xffff  }
0x103: {  	v62 =	vor.u32 v28, v35;
	_ =	sdelay $0x3  }
0x104: {  	[tilespmem:v61+s26+$0x0] =	vst.idx.msk $0xffff, v33  }
0x105: {  	v63 =	vor.u32 v29, v32;
	v33 =	vld.idx.msk [tilespmem:v62+s11+$0x0], $0xffff  }
0x106: {  	v35 =	vor.u32 v30, v35;
	_ =	sdelay $0x3  }
0x107: {  	s17 =	simm.s32 $0x4;
	[tilespmem:v63+s26+$0x0] =	vst.idx.msk $0xffff, v33  }
0x108: {  	s16 =	sshllo.u32 s15, $0x1;
	s19 =	simm.s32 $0x8;
	v34 =	vadd.s32 s17, v0;
	v35 =	vld.idx.msk [tilespmem:v35+s11+$0x0], $0xffff  }
.LBB2_3:
0x109: {  	p1 =	slt.u32 s19, $0x3C;
	v33 =	vand.u32 $0x3F, v34;
	v36 =	vor.u32 v31, v32  }
0x10a: {  	v37 =	vor.u32 v1, v33;
	_ =	sdelay $0x3  }
0x10b: {  	v32 =	vshll.u32 v34, $0x7;
	[tilespmem:v36+s26+$0x0] =	vst.idx.msk $0xffff, v35  }
0x10c: {  	v35 =	vand.u32 $0x1F80, v32;
	v34 =	vld.idx.msk [tilespmem:v37+s11+$0x0], $0xffff  }
0x10d: {  	v36 =	vor.u32 v0, v35  }
0x10e: {  	v37 =	vor.u32 v2, v33;
	_ =	sdelay $0x3  }
0x10f: {  	[tilespmem:v36+s26+$0x0] =	vst.idx.msk $0xffff, v34  }
0x110: {  	v34 =	vld.idx.msk [tilespmem:v37+s11+$0x0], $0xffff  }
0x111: {  	v36 =	vor.u32 v3, v35  }
0x112: {  	v37 =	vor.u32 v4, v33;
	_ =	sdelay $0x3  }
0x113: {  	[tilespmem:v36+s26+$0x0] =	vst.idx.msk $0xffff, v34  }
0x114: {  	v34 =	vld.idx.msk [tilespmem:v37+s11+$0x0], $0xffff  }
0x115: {  	v36 =	vor.u32 v5, v35  }
0x116: {  	v37 =	vor.u32 v6, v33;
	_ =	sdelay $0x3  }
0x117: {  	[tilespmem:v36+s26+$0x0] =	vst.idx.msk $0xffff, v34  }
0x118: {  	v34 =	vld.idx.msk [tilespmem:v37+s11+$0x0], $0xffff  }
0x119: {  	v36 =	vor.u32 v7, v35  }
0x11a: {  	v37 =	vor.u32 v8, v33;
	_ =	sdelay $0x3  }
0x11b: {  	[tilespmem:v36+s26+$0x0] =	vst.idx.msk $0xffff, v34  }
0x11c: {  	v34 =	vld.idx.msk [tilespmem:v37+s11+$0x0], $0xffff  }
0x11d: {  	v36 =	vor.u32 v9, v35  }
0x11e: {  	v37 =	vor.u32 v10, v33;
	_ =	sdelay $0x3  }
0x11f: {  	[tilespmem:v36+s26+$0x0] =	vst.idx.msk $0xffff, v34  }
0x120: {  	v34 =	vld.idx.msk [tilespmem:v37+s11+$0x0], $0xffff  }
0x121: {  	v36 =	vor.u32 v11, v35  }
0x122: {  	v37 =	vor.u32 v12, v33;
	_ =	sdelay $0x3  }
0x123: {  	[tilespmem:v36+s26+$0x0] =	vst.idx.msk $0xffff, v34  }
0x124: {  	v34 =	vld.idx.msk [tilespmem:v37+s11+$0x0], $0xffff  }
0x125: {  	v36 =	vor.u32 v13, v35  }
0x126: {  	v37 =	vor.u32 v14, v33;
	_ =	sdelay $0x3  }
0x127: {  	[tilespmem:v36+s26+$0x0] =	vst.idx.msk $0xffff, v34  }
0x128: {  	v34 =	vld.idx.msk [tilespmem:v37+s11+$0x0], $0xffff  }
0x129: {  	v35 =	vor.u32 v15, v35  }
0x12a: {  	v36 =	vor.u32 v16, v33;
	_ =	sdelay $0x3  }
0x12b: {  	[tilespmem:v35+s26+$0x0] =	vst.idx.msk $0xffff, v34  }
0x12c: {  	v34 =	vld.idx.msk [tilespmem:v36+s11+$0x0], $0xffff  }
0x12d: {  	v35 =	vor.u32 v17, v32  }
0x12e: {  	v36 =	vor.u32 v18, v33;
	_ =	sdelay $0x3  }
0x12f: {  	[tilespmem:v35+s26+$0x0] =	vst.idx.msk $0xffff, v34  }
0x130: {  	v34 =	vld.idx.msk [tilespmem:v36+s11+$0x0], $0xffff  }
0x131: {  	v35 =	vor.u32 v19, v32  }
0x132: {  	v36 =	vor.u32 v20, v33;
	_ =	sdelay $0x3  }
0x133: {  	[tilespmem:v35+s26+$0x0] =	vst.idx.msk $0xffff, v34  }
0x134: {  	v34 =	vld.idx.msk [tilespmem:v36+s11+$0x0], $0xffff  }
0x135: {  	v35 =	vor.u32 v21, v32  }
0x136: {  	v36 =	vor.u32 v22, v33;
	_ =	sdelay $0x3  }
0x137: {  	[tilespmem:v35+s26+$0x0] =	vst.idx.msk $0xffff, v34  }
0x138: {  	v34 =	vld.idx.msk [tilespmem:v36+s11+$0x0], $0xffff  }
0x139: {  	v35 =	vor.u32 v23, v32  }
0x13a: {  	v36 =	vor.u32 v24, v33;
	_ =	sdelay $0x3  }
0x13b: {  	[tilespmem:v35+s26+$0x0] =	vst.idx.msk $0xffff, v34  }
0x13c: {  	v34 =	vld.idx.msk [tilespmem:v36+s11+$0x0], $0xffff  }
0x13d: {  	v35 =	vor.u32 v25, v32  }
0x13e: {  	v36 =	vor.u32 v26, v33;
	_ =	sdelay $0x3  }
0x13f: {  	[tilespmem:v35+s26+$0x0] =	vst.idx.msk $0xffff, v34  }
0x140: {  	v34 =	vld.idx.msk [tilespmem:v36+s11+$0x0], $0xffff  }
0x141: {  	v35 =	vor.u32 v27, v32  }
0x142: {  	v36 =	vor.u32 v28, v33;
	_ =	sdelay $0x3  }
0x143: {  	[tilespmem:v35+s26+$0x0] =	vst.idx.msk $0xffff, v34  }
0x144: {  	v34 =	vld.idx.msk [tilespmem:v36+s11+$0x0], $0xffff  }
0x145: {  	v35 =	vor.u32 v29, v32  }
0x146: {  	v33 =	vor.u32 v30, v33;
	_ =	sdelay $0x3  }
0x147: {  	s20 =	sadd.s32 $0x1, s17;
	[tilespmem:v35+s26+$0x0] =	vst.idx.msk $0xffff, v34  }
0x148: {  	v34 =	vadd.s32 s20, v0;
	v33 =	vld.idx.msk [tilespmem:v33+s11+$0x0], $0xffff  }
0x149: {  	v35 =	vor.u32 v31, v32;
	v32 =	vand.u32 $0x3F, v34  }
0x14a: {  	v36 =	vor.u32 v1, v32;
	_ =	sdelay $0x3  }
0x14b: {  	[tilespmem:v35+s26+$0x0] =	vst.idx.msk $0xffff, v33;
	v33 =	vshll.u32 v34, $0x7  }
0x14c: {  	v34 =	vld.idx.msk [tilespmem:v36+s11+$0x0], $0xffff;
	v33 =	vand.u32 $0x1F80, v33  }
0x14d: {  	v35 =	vor.u32 v0, v33  }
0x14e: {  	v36 =	vor.u32 v2, v32;
	_ =	sdelay $0x3  }
0x14f: {  	[tilespmem:v35+s26+$0x0] =	vst.idx.msk $0xffff, v34  }
0x150: {  	v34 =	vld.idx.msk [tilespmem:v36+s11+$0x0], $0xffff  }
0x151: {  	v35 =	vor.u32 v3, v33  }
0x152: {  	v36 =	vor.u32 v4, v32;
	_ =	sdelay $0x3  }
0x153: {  	[tilespmem:v35+s26+$0x0] =	vst.idx.msk $0xffff, v34  }
0x154: {  	v34 =	vld.idx.msk [tilespmem:v36+s11+$0x0], $0xffff  }
0x155: {  	v35 =	vor.u32 v5, v33  }
0x156: {  	v36 =	vor.u32 v6, v32;
	_ =	sdelay $0x3  }
0x157: {  	[tilespmem:v35+s26+$0x0] =	vst.idx.msk $0xffff, v34  }
0x158: {  	v34 =	vld.idx.msk [tilespmem:v36+s11+$0x0], $0xffff  }
0x159: {  	v35 =	vor.u32 v7, v33  }
0x15a: {  	v36 =	vor.u32 v8, v32;
	_ =	sdelay $0x3  }
0x15b: {  	[tilespmem:v35+s26+$0x0] =	vst.idx.msk $0xffff, v34  }
0x15c: {  	v34 =	vld.idx.msk [tilespmem:v36+s11+$0x0], $0xffff  }
0x15d: {  	v35 =	vor.u32 v9, v33  }
0x15e: {  	v36 =	vor.u32 v10, v32;
	_ =	sdelay $0x3  }
0x15f: {  	[tilespmem:v35+s26+$0x0] =	vst.idx.msk $0xffff, v34  }
0x160: {  	v34 =	vld.idx.msk [tilespmem:v36+s11+$0x0], $0xffff  }
0x161: {  	v35 =	vor.u32 v11, v33  }
0x162: {  	v36 =	vor.u32 v12, v32;
	_ =	sdelay $0x3  }
0x163: {  	[tilespmem:v35+s26+$0x0] =	vst.idx.msk $0xffff, v34  }
0x164: {  	v34 =	vld.idx.msk [tilespmem:v36+s11+$0x0], $0xffff  }
0x165: {  	v35 =	vor.u32 v13, v33  }
0x166: {  	v36 =	vor.u32 v14, v32;
	_ =	sdelay $0x3  }
0x167: {  	[tilespmem:v35+s26+$0x0] =	vst.idx.msk $0xffff, v34  }
0x168: {  	v34 =	vld.idx.msk [tilespmem:v36+s11+$0x0], $0xffff  }
0x169: {  	v35 =	vor.u32 v15, v33  }
0x16a: {  	v36 =	vor.u32 v16, v32;
	_ =	sdelay $0x3  }
0x16b: {  	[tilespmem:v35+s26+$0x0] =	vst.idx.msk $0xffff, v34  }
0x16c: {  	v34 =	vld.idx.msk [tilespmem:v36+s11+$0x0], $0xffff  }
0x16d: {  	v35 =	vor.u32 v17, v33  }
0x16e: {  	v36 =	vor.u32 v18, v32;
	_ =	sdelay $0x3  }
0x16f: {  	[tilespmem:v35+s26+$0x0] =	vst.idx.msk $0xffff, v34  }
0x170: {  	v34 =	vld.idx.msk [tilespmem:v36+s11+$0x0], $0xffff  }
0x171: {  	v35 =	vor.u32 v19, v33  }
0x172: {  	v36 =	vor.u32 v20, v32;
	_ =	sdelay $0x3  }
0x173: {  	[tilespmem:v35+s26+$0x0] =	vst.idx.msk $0xffff, v34  }
0x174: {  	v34 =	vld.idx.msk [tilespmem:v36+s11+$0x0], $0xffff  }
0x175: {  	v35 =	vor.u32 v21, v33  }
0x176: {  	v36 =	vor.u32 v22, v32;
	_ =	sdelay $0x3  }
0x177: {  	[tilespmem:v35+s26+$0x0] =	vst.idx.msk $0xffff, v34  }
0x178: {  	v34 =	vld.idx.msk [tilespmem:v36+s11+$0x0], $0xffff  }
0x179: {  	v35 =	vor.u32 v23, v33  }
0x17a: {  	v36 =	vor.u32 v24, v32;
	_ =	sdelay $0x3  }
0x17b: {  	[tilespmem:v35+s26+$0x0] =	vst.idx.msk $0xffff, v34  }
0x17c: {  	v34 =	vld.idx.msk [tilespmem:v36+s11+$0x0], $0xffff  }
0x17d: {  	v35 =	vor.u32 v25, v33  }
0x17e: {  	v36 =	vor.u32 v26, v32;
	_ =	sdelay $0x3  }
0x17f: {  	[tilespmem:v35+s26+$0x0] =	vst.idx.msk $0xffff, v34  }
0x180: {  	v34 =	vld.idx.msk [tilespmem:v36+s11+$0x0], $0xffff  }
0x181: {  	v35 =	vor.u32 v27, v33  }
0x182: {  	v36 =	vor.u32 v28, v32;
	_ =	sdelay $0x3  }
0x183: {  	[tilespmem:v35+s26+$0x0] =	vst.idx.msk $0xffff, v34  }
0x184: {  	v34 =	vld.idx.msk [tilespmem:v36+s11+$0x0], $0xffff  }
0x185: {  	v35 =	vor.u32 v29, v33  }
0x186: {  	v32 =	vor.u32 v30, v32;
	_ =	sdelay $0x3  }
0x187: {  	s20 =	sadd.s32 $0x2, s17;
	[tilespmem:v35+s26+$0x0] =	vst.idx.msk $0xffff, v34  }
0x188: {  	v34 =	vadd.s32 s20, v0;
	v32 =	vld.idx.msk [tilespmem:v32+s11+$0x0], $0xffff  }
0x189: {  	v35 =	vor.u32 v31, v33;
	v33 =	vand.u32 $0x3F, v34  }
0x18a: {  	v36 =	vor.u32 v1, v33;
	_ =	sdelay $0x3  }
0x18b: {  	[tilespmem:v35+s26+$0x0] =	vst.idx.msk $0xffff, v32;
	v32 =	vshll.u32 v34, $0x7  }
0x18c: {  	v34 =	vld.idx.msk [tilespmem:v36+s11+$0x0], $0xffff;
	v32 =	vand.u32 $0x1F80, v32  }
0x18d: {  	v35 =	vor.u32 v0, v32  }
0x18e: {  	v36 =	vor.u32 v2, v33;
	_ =	sdelay $0x3  }
0x18f: {  	[tilespmem:v35+s26+$0x0] =	vst.idx.msk $0xffff, v34  }
0x190: {  	v34 =	vld.idx.msk [tilespmem:v36+s11+$0x0], $0xffff  }
0x191: {  	v35 =	vor.u32 v3, v32  }
0x192: {  	v36 =	vor.u32 v4, v33;
	_ =	sdelay $0x3  }
0x193: {  	[tilespmem:v35+s26+$0x0] =	vst.idx.msk $0xffff, v34  }
0x194: {  	v34 =	vld.idx.msk [tilespmem:v36+s11+$0x0], $0xffff  }
0x195: {  	v35 =	vor.u32 v5, v32  }
0x196: {  	v36 =	vor.u32 v6, v33;
	_ =	sdelay $0x3  }
0x197: {  	[tilespmem:v35+s26+$0x0] =	vst.idx.msk $0xffff, v34  }
0x198: {  	v34 =	vld.idx.msk [tilespmem:v36+s11+$0x0], $0xffff  }
0x199: {  	v35 =	vor.u32 v7, v32  }
0x19a: {  	v36 =	vor.u32 v8, v33;
	_ =	sdelay $0x3  }
0x19b: {  	[tilespmem:v35+s26+$0x0] =	vst.idx.msk $0xffff, v34  }
0x19c: {  	v34 =	vld.idx.msk [tilespmem:v36+s11+$0x0], $0xffff  }
0x19d: {  	v35 =	vor.u32 v9, v32  }
0x19e: {  	v36 =	vor.u32 v10, v33;
	_ =	sdelay $0x3  }
0x19f: {  	[tilespmem:v35+s26+$0x0] =	vst.idx.msk $0xffff, v34  }
0x1a0: {  	v34 =	vld.idx.msk [tilespmem:v36+s11+$0x0], $0xffff  }
0x1a1: {  	v35 =	vor.u32 v11, v32  }
0x1a2: {  	v36 =	vor.u32 v12, v33;
	_ =	sdelay $0x3  }
0x1a3: {  	[tilespmem:v35+s26+$0x0] =	vst.idx.msk $0xffff, v34  }
0x1a4: {  	v34 =	vld.idx.msk [tilespmem:v36+s11+$0x0], $0xffff  }
0x1a5: {  	v35 =	vor.u32 v13, v32  }
0x1a6: {  	v36 =	vor.u32 v14, v33;
	_ =	sdelay $0x3  }
0x1a7: {  	[tilespmem:v35+s26+$0x0] =	vst.idx.msk $0xffff, v34  }
0x1a8: {  	v34 =	vld.idx.msk [tilespmem:v36+s11+$0x0], $0xffff  }
0x1a9: {  	v35 =	vor.u32 v15, v32  }
0x1aa: {  	v36 =	vor.u32 v16, v33;
	_ =	sdelay $0x3  }
0x1ab: {  	[tilespmem:v35+s26+$0x0] =	vst.idx.msk $0xffff, v34  }
0x1ac: {  	v34 =	vld.idx.msk [tilespmem:v36+s11+$0x0], $0xffff  }
0x1ad: {  	v35 =	vor.u32 v17, v32  }
0x1ae: {  	v36 =	vor.u32 v18, v33;
	_ =	sdelay $0x3  }
0x1af: {  	[tilespmem:v35+s26+$0x0] =	vst.idx.msk $0xffff, v34  }
0x1b0: {  	v34 =	vld.idx.msk [tilespmem:v36+s11+$0x0], $0xffff  }
0x1b1: {  	v35 =	vor.u32 v19, v32  }
0x1b2: {  	v36 =	vor.u32 v20, v33;
	_ =	sdelay $0x3  }
0x1b3: {  	[tilespmem:v35+s26+$0x0] =	vst.idx.msk $0xffff, v34  }
0x1b4: {  	v34 =	vld.idx.msk [tilespmem:v36+s11+$0x0], $0xffff  }
0x1b5: {  	v35 =	vor.u32 v21, v32  }
0x1b6: {  	v36 =	vor.u32 v22, v33;
	_ =	sdelay $0x3  }
0x1b7: {  	[tilespmem:v35+s26+$0x0] =	vst.idx.msk $0xffff, v34  }
0x1b8: {  	v34 =	vld.idx.msk [tilespmem:v36+s11+$0x0], $0xffff  }
0x1b9: {  	v35 =	vor.u32 v23, v32  }
0x1ba: {  	v36 =	vor.u32 v24, v33;
	_ =	sdelay $0x3  }
0x1bb: {  	[tilespmem:v35+s26+$0x0] =	vst.idx.msk $0xffff, v34  }
0x1bc: {  	v34 =	vld.idx.msk [tilespmem:v36+s11+$0x0], $0xffff  }
0x1bd: {  	v35 =	vor.u32 v25, v32  }
0x1be: {  	v36 =	vor.u32 v26, v33;
	_ =	sdelay $0x3  }
0x1bf: {  	[tilespmem:v35+s26+$0x0] =	vst.idx.msk $0xffff, v34  }
0x1c0: {  	v34 =	vld.idx.msk [tilespmem:v36+s11+$0x0], $0xffff  }
0x1c1: {  	v35 =	vor.u32 v27, v32  }
0x1c2: {  	v36 =	vor.u32 v28, v33;
	_ =	sdelay $0x3  }
0x1c3: {  	[tilespmem:v35+s26+$0x0] =	vst.idx.msk $0xffff, v34  }
0x1c4: {  	v34 =	vld.idx.msk [tilespmem:v36+s11+$0x0], $0xffff  }
0x1c5: {  	v35 =	vor.u32 v29, v32  }
0x1c6: {  	v33 =	vor.u32 v30, v33;
	_ =	sdelay $0x3  }
0x1c7: {  	s20 =	sadd.s32 $0x3, s17;
	s17 =	smov.u32 s19;
	[tilespmem:v35+s26+$0x0] =	vst.idx.msk $0xffff, v34  }
0x1c8: {  	v35 =	vadd.s32 s20, v0;
	v34 =	vld.idx.msk [tilespmem:v33+s11+$0x0], $0xffff  }
0x1c9: {  	v32 =	vor.u32 v31, v32;
	v33 =	vand.u32 $0x3F, v35  }
0x1ca: {  	v36 =	vor.u32 v1, v33;
	_ =	sdelay $0x3  }
0x1cb: {  	[tilespmem:v32+s26+$0x0] =	vst.idx.msk $0xffff, v34;
	v32 =	vshll.u32 v35, $0x7  }
0x1cc: {  	v34 =	vld.idx.msk [tilespmem:v36+s11+$0x0], $0xffff;
	v32 =	vand.u32 $0x1F80, v32  }
0x1cd: {  	v35 =	vor.u32 v0, v32  }
0x1ce: {  	v36 =	vor.u32 v2, v33;
	_ =	sdelay $0x3  }
0x1cf: {  	[tilespmem:v35+s26+$0x0] =	vst.idx.msk $0xffff, v34  }
0x1d0: {  	v34 =	vld.idx.msk [tilespmem:v36+s11+$0x0], $0xffff  }
0x1d1: {  	v35 =	vor.u32 v3, v32  }
0x1d2: {  	v36 =	vor.u32 v4, v33;
	_ =	sdelay $0x3  }
0x1d3: {  	[tilespmem:v35+s26+$0x0] =	vst.idx.msk $0xffff, v34  }
0x1d4: {  	v34 =	vld.idx.msk [tilespmem:v36+s11+$0x0], $0xffff  }
0x1d5: {  	v35 =	vor.u32 v5, v32  }
0x1d6: {  	v36 =	vor.u32 v6, v33;
	_ =	sdelay $0x3  }
0x1d7: {  	[tilespmem:v35+s26+$0x0] =	vst.idx.msk $0xffff, v34  }
0x1d8: {  	v34 =	vld.idx.msk [tilespmem:v36+s11+$0x0], $0xffff  }
0x1d9: {  	v35 =	vor.u32 v7, v32  }
0x1da: {  	v36 =	vor.u32 v8, v33;
	_ =	sdelay $0x3  }
0x1db: {  	[tilespmem:v35+s26+$0x0] =	vst.idx.msk $0xffff, v34  }
0x1dc: {  	v34 =	vld.idx.msk [tilespmem:v36+s11+$0x0], $0xffff  }
0x1dd: {  	v35 =	vor.u32 v9, v32  }
0x1de: {  	v36 =	vor.u32 v10, v33;
	_ =	sdelay $0x3  }
0x1df: {  	[tilespmem:v35+s26+$0x0] =	vst.idx.msk $0xffff, v34  }
0x1e0: {  	v34 =	vld.idx.msk [tilespmem:v36+s11+$0x0], $0xffff  }
0x1e1: {  	v35 =	vor.u32 v11, v32  }
0x1e2: {  	v36 =	vor.u32 v12, v33;
	_ =	sdelay $0x3  }
0x1e3: {  	[tilespmem:v35+s26+$0x0] =	vst.idx.msk $0xffff, v34  }
0x1e4: {  	v34 =	vld.idx.msk [tilespmem:v36+s11+$0x0], $0xffff  }
0x1e5: {  	v35 =	vor.u32 v13, v32  }
0x1e6: {  	v36 =	vor.u32 v14, v33;
	_ =	sdelay $0x3  }
0x1e7: {  	[tilespmem:v35+s26+$0x0] =	vst.idx.msk $0xffff, v34  }
0x1e8: {  	v34 =	vld.idx.msk [tilespmem:v36+s11+$0x0], $0xffff  }
0x1e9: {  	v35 =	vor.u32 v15, v32  }
0x1ea: {  	v36 =	vor.u32 v16, v33;
	_ =	sdelay $0x3  }
0x1eb: {  	[tilespmem:v35+s26+$0x0] =	vst.idx.msk $0xffff, v34  }
0x1ec: {  	v34 =	vld.idx.msk [tilespmem:v36+s11+$0x0], $0xffff  }
0x1ed: {  	v35 =	vor.u32 v17, v32  }
0x1ee: {  	v36 =	vor.u32 v18, v33;
	_ =	sdelay $0x3  }
0x1ef: {  	[tilespmem:v35+s26+$0x0] =	vst.idx.msk $0xffff, v34  }
0x1f0: {  	v34 =	vld.idx.msk [tilespmem:v36+s11+$0x0], $0xffff  }
0x1f1: {  	v35 =	vor.u32 v19, v32  }
0x1f2: {  	v36 =	vor.u32 v20, v33;
	_ =	sdelay $0x3  }
0x1f3: {  	[tilespmem:v35+s26+$0x0] =	vst.idx.msk $0xffff, v34  }
0x1f4: {  	v34 =	vld.idx.msk [tilespmem:v36+s11+$0x0], $0xffff  }
0x1f5: {  	v35 =	vor.u32 v21, v32  }
0x1f6: {  	v36 =	vor.u32 v22, v33;
	_ =	sdelay $0x3  }
0x1f7: {  	[tilespmem:v35+s26+$0x0] =	vst.idx.msk $0xffff, v34  }
0x1f8: {  	v34 =	vld.idx.msk [tilespmem:v36+s11+$0x0], $0xffff  }
0x1f9: {  	v35 =	vor.u32 v23, v32  }
0x1fa: {  	v36 =	vor.u32 v24, v33;
	_ =	sdelay $0x3  }
0x1fb: {  	[tilespmem:v35+s26+$0x0] =	vst.idx.msk $0xffff, v34  }
0x1fc: {  	v34 =	vld.idx.msk [tilespmem:v36+s11+$0x0], $0xffff  }
0x1fd: {  	v35 =	vor.u32 v25, v32  }
0x1fe: {  	v36 =	vor.u32 v26, v33;
	_ =	sdelay $0x3  }
0x1ff: {  	[tilespmem:v35+s26+$0x0] =	vst.idx.msk $0xffff, v34  }
0x200: {  	v34 =	vld.idx.msk [tilespmem:v36+s11+$0x0], $0xffff  }
0x201: {  	v35 =	vor.u32 v27, v32  }
0x202: {  	v36 =	vor.u32 v28, v33;
	_ =	sdelay $0x3  }
0x203: {  	[tilespmem:v35+s26+$0x0] =	vst.idx.msk $0xffff, v34  }
0x204: {  	v34 =	vld.idx.msk [tilespmem:v36+s11+$0x0], $0xffff  }
0x205: {  	v35 =	vor.u32 v29, v32  }
0x206: {  	v33 =	vor.u32 v30, v33  }
.Ltmp4:
0x207: {  	(pc) =	sbr.rel @p1 .LBB2_3-.Ltmp4, $3  }
0x208: {  	_ =	sdelay $0x1  }
0x209: {  	[tilespmem:v35+s26+$0x0] =	vst.idx.msk $0xffff, v34  }
0x20a: {  	s19 =	sadd.s32 $0x4, s19;
	v34 =	vadd.s32 s17, v0;
	v35 =	vld.idx.msk [tilespmem:v33+s11+$0x0], $0xffff  }
0x20b: {  	v33 =	vand.u32 $0x3F, v34;
	v32 =	vor.u32 v31, v32  }
0x20c: {  	v36 =	vor.u32 v1, v33;
	_ =	sdelay $0x2  }
0x20d: {  	v34 =	vshll.u32 v34, $0x7  }
0x20e: {  	v61 =	vand.u32 $0x1F80, v34;
	[tilespmem:v32+s26+$0x0] =	vst.idx.msk $0xffff, v35  }
0x20f: {  	v62 =	vor.u32 v0, v61;
	v35 =	vld.idx.msk [tilespmem:v36+s11+$0x0], $0xffff  }
0x210: {  	v37 =	vor.u32 v2, v33;
	_ =	sdelay $0x3  }
0x211: {  	[tilespmem:v62+s26+$0x0] =	vst.idx.msk $0xffff, v35  }
0x212: {  	v63 =	vor.u32 v3, v61;
	v35 =	vld.idx.msk [tilespmem:v37+s11+$0x0], $0xffff  }
0x213: {  	v40 =	vor.u32 v4, v33;
	_ =	sdelay $0x3  }
0x214: {  	[tilespmem:v63+s26+$0x0] =	vst.idx.msk $0xffff, v35  }
0x215: {  	v41 =	vor.u32 v5, v61;
	v35 =	vld.idx.msk [tilespmem:v40+s11+$0x0], $0xffff  }
0x216: {  	v42 =	vor.u32 v6, v33;
	_ =	sdelay $0x3  }
0x217: {  	[tilespmem:v41+s26+$0x0] =	vst.idx.msk $0xffff, v35  }
0x218: {  	v43 =	vor.u32 v7, v61;
	v35 =	vld.idx.msk [tilespmem:v42+s11+$0x0], $0xffff  }
0x219: {  	v44 =	vor.u32 v8, v33;
	_ =	sdelay $0x3  }
0x21a: {  	[tilespmem:v43+s26+$0x0] =	vst.idx.msk $0xffff, v35  }
0x21b: {  	v45 =	vor.u32 v9, v61;
	v35 =	vld.idx.msk [tilespmem:v44+s11+$0x0], $0xffff  }
0x21c: {  	v46 =	vor.u32 v10, v33;
	_ =	sdelay $0x3  }
0x21d: {  	[tilespmem:v45+s26+$0x0] =	vst.idx.msk $0xffff, v35  }
0x21e: {  	v47 =	vor.u32 v11, v61;
	v35 =	vld.idx.msk [tilespmem:v46+s11+$0x0], $0xffff  }
0x21f: {  	v48 =	vor.u32 v12, v33;
	_ =	sdelay $0x3  }
0x220: {  	[tilespmem:v47+s26+$0x0] =	vst.idx.msk $0xffff, v35  }
0x221: {  	v49 =	vor.u32 v13, v61;
	v35 =	vld.idx.msk [tilespmem:v48+s11+$0x0], $0xffff  }
0x222: {  	v50 =	vor.u32 v14, v33;
	_ =	sdelay $0x3  }
0x223: {  	[tilespmem:v49+s26+$0x0] =	vst.idx.msk $0xffff, v35  }
0x224: {  	v32 =	vor.u32 v15, v61;
	v35 =	vld.idx.msk [tilespmem:v50+s11+$0x0], $0xffff  }
0x225: {  	v51 =	vor.u32 v16, v33;
	_ =	sdelay $0x3  }
0x226: {  	[tilespmem:v32+s26+$0x0] =	vst.idx.msk $0xffff, v35  }
0x227: {  	v52 =	vor.u32 v17, v34;
	v32 =	vld.idx.msk [tilespmem:v51+s11+$0x0], $0xffff  }
0x228: {  	v53 =	vor.u32 v18, v33;
	_ =	sdelay $0x3  }
0x229: {  	[tilespmem:v52+s26+$0x0] =	vst.idx.msk $0xffff, v32  }
0x22a: {  	v54 =	vor.u32 v19, v34;
	v32 =	vld.idx.msk [tilespmem:v53+s11+$0x0], $0xffff  }
0x22b: {  	v55 =	vor.u32 v20, v33;
	_ =	sdelay $0x3  }
0x22c: {  	[tilespmem:v54+s26+$0x0] =	vst.idx.msk $0xffff, v32  }
0x22d: {  	v56 =	vor.u32 v21, v34;
	v32 =	vld.idx.msk [tilespmem:v55+s11+$0x0], $0xffff  }
0x22e: {  	v57 =	vor.u32 v22, v33;
	_ =	sdelay $0x3  }
0x22f: {  	[tilespmem:v56+s26+$0x0] =	vst.idx.msk $0xffff, v32  }
0x230: {  	v58 =	vor.u32 v23, v34;
	v32 =	vld.idx.msk [tilespmem:v57+s11+$0x0], $0xffff  }
0x231: {  	v59 =	vor.u32 v24, v33;
	_ =	sdelay $0x3  }
0x232: {  	[tilespmem:v58+s26+$0x0] =	vst.idx.msk $0xffff, v32  }
0x233: {  	v60 =	vor.u32 v25, v34;
	v32 =	vld.idx.msk [tilespmem:v59+s11+$0x0], $0xffff  }
0x234: {  	v61 =	vor.u32 v26, v33;
	_ =	sdelay $0x3  }
0x235: {  	[tilespmem:v60+s26+$0x0] =	vst.idx.msk $0xffff, v32  }
0x236: {  	v62 =	vor.u32 v27, v34;
	v32 =	vld.idx.msk [tilespmem:v61+s11+$0x0], $0xffff  }
0x237: {  	v63 =	vor.u32 v28, v33;
	_ =	sdelay $0x3  }
0x238: {  	[tilespmem:v62+s26+$0x0] =	vst.idx.msk $0xffff, v32  }
0x239: {  	v40 =	vor.u32 v29, v34;
	v32 =	vld.idx.msk [tilespmem:v63+s11+$0x0], $0xffff  }
0x23a: {  	v33 =	vor.u32 v30, v33;
	_ =	sdelay $0x2  }
0x23b: {  	s19 =	sadd.s32 $0x1, s17  }
0x23c: {  	v41 =	vadd.s32 s19, v0;
	[tilespmem:v40+s26+$0x0] =	vst.idx.msk $0xffff, v32  }
0x23d: {  	v34 =	vor.u32 v31, v34;
	v35 =	vand.u32 $0x3F, v41;
	v33 =	vld.idx.msk [tilespmem:v33+s11+$0x0], $0xffff  }
0x23e: {  	v42 =	vor.u32 v1, v35;
	_ =	sdelay $0x2  }
0x23f: {  	v32 =	vshll.u32 v41, $0x7  }
0x240: {  	v32 =	vand.u32 $0x1F80, v32;
	[tilespmem:v34+s26+$0x0] =	vst.idx.msk $0xffff, v33  }
0x241: {  	v43 =	vor.u32 v0, v32;
	v33 =	vld.idx.msk [tilespmem:v42+s11+$0x0], $0xffff  }
0x242: {  	v44 =	vor.u32 v2, v35;
	_ =	sdelay $0x3  }
0x243: {  	[tilespmem:v43+s26+$0x0] =	vst.idx.msk $0xffff, v33  }
0x244: {  	v45 =	vor.u32 v3, v32;
	v33 =	vld.idx.msk [tilespmem:v44+s11+$0x0], $0xffff  }
0x245: {  	v46 =	vor.u32 v4, v35;
	_ =	sdelay $0x3  }
0x246: {  	[tilespmem:v45+s26+$0x0] =	vst.idx.msk $0xffff, v33  }
0x247: {  	v47 =	vor.u32 v5, v32;
	v33 =	vld.idx.msk [tilespmem:v46+s11+$0x0], $0xffff  }
0x248: {  	v48 =	vor.u32 v6, v35;
	_ =	sdelay $0x3  }
0x249: {  	[tilespmem:v47+s26+$0x0] =	vst.idx.msk $0xffff, v33  }
0x24a: {  	v49 =	vor.u32 v7, v32;
	v33 =	vld.idx.msk [tilespmem:v48+s11+$0x0], $0xffff  }
0x24b: {  	v50 =	vor.u32 v8, v35;
	_ =	sdelay $0x3  }
0x24c: {  	[tilespmem:v49+s26+$0x0] =	vst.idx.msk $0xffff, v33  }
0x24d: {  	v51 =	vor.u32 v9, v32;
	v33 =	vld.idx.msk [tilespmem:v50+s11+$0x0], $0xffff  }
0x24e: {  	v52 =	vor.u32 v10, v35;
	_ =	sdelay $0x3  }
0x24f: {  	[tilespmem:v51+s26+$0x0] =	vst.idx.msk $0xffff, v33  }
0x250: {  	v53 =	vor.u32 v11, v32;
	v33 =	vld.idx.msk [tilespmem:v52+s11+$0x0], $0xffff  }
0x251: {  	v54 =	vor.u32 v12, v35;
	_ =	sdelay $0x3  }
0x252: {  	[tilespmem:v53+s26+$0x0] =	vst.idx.msk $0xffff, v33  }
0x253: {  	v55 =	vor.u32 v13, v32;
	v33 =	vld.idx.msk [tilespmem:v54+s11+$0x0], $0xffff  }
0x254: {  	v56 =	vor.u32 v14, v35;
	_ =	sdelay $0x3  }
0x255: {  	[tilespmem:v55+s26+$0x0] =	vst.idx.msk $0xffff, v33  }
0x256: {  	v57 =	vor.u32 v15, v32;
	v33 =	vld.idx.msk [tilespmem:v56+s11+$0x0], $0xffff  }
0x257: {  	v58 =	vor.u32 v16, v35;
	_ =	sdelay $0x3  }
0x258: {  	[tilespmem:v57+s26+$0x0] =	vst.idx.msk $0xffff, v33  }
0x259: {  	v59 =	vor.u32 v17, v32;
	v33 =	vld.idx.msk [tilespmem:v58+s11+$0x0], $0xffff  }
0x25a: {  	v60 =	vor.u32 v18, v35;
	_ =	sdelay $0x3  }
0x25b: {  	[tilespmem:v59+s26+$0x0] =	vst.idx.msk $0xffff, v33  }
0x25c: {  	v61 =	vor.u32 v19, v32;
	v33 =	vld.idx.msk [tilespmem:v60+s11+$0x0], $0xffff  }
0x25d: {  	v62 =	vor.u32 v20, v35;
	_ =	sdelay $0x3  }
0x25e: {  	[tilespmem:v61+s26+$0x0] =	vst.idx.msk $0xffff, v33  }
0x25f: {  	v63 =	vor.u32 v21, v32;
	v33 =	vld.idx.msk [tilespmem:v62+s11+$0x0], $0xffff  }
0x260: {  	v40 =	vor.u32 v22, v35;
	_ =	sdelay $0x3  }
0x261: {  	[tilespmem:v63+s26+$0x0] =	vst.idx.msk $0xffff, v33  }
0x262: {  	v41 =	vor.u32 v23, v32;
	v33 =	vld.idx.msk [tilespmem:v40+s11+$0x0], $0xffff  }
0x263: {  	v42 =	vor.u32 v24, v35;
	_ =	sdelay $0x3  }
0x264: {  	[tilespmem:v41+s26+$0x0] =	vst.idx.msk $0xffff, v33  }
0x265: {  	v43 =	vor.u32 v25, v32;
	v33 =	vld.idx.msk [tilespmem:v42+s11+$0x0], $0xffff  }
0x266: {  	v44 =	vor.u32 v26, v35;
	_ =	sdelay $0x3  }
0x267: {  	[tilespmem:v43+s26+$0x0] =	vst.idx.msk $0xffff, v33  }
0x268: {  	v45 =	vor.u32 v27, v32;
	v33 =	vld.idx.msk [tilespmem:v44+s11+$0x0], $0xffff  }
0x269: {  	v46 =	vor.u32 v28, v35;
	_ =	sdelay $0x3  }
0x26a: {  	[tilespmem:v45+s26+$0x0] =	vst.idx.msk $0xffff, v33  }
0x26b: {  	v47 =	vor.u32 v29, v32;
	v33 =	vld.idx.msk [tilespmem:v46+s11+$0x0], $0xffff  }
0x26c: {  	v35 =	vor.u32 v30, v35;
	_ =	sdelay $0x2  }
0x26d: {  	s21 =	sadd.s32 $0x2, s17  }
0x26e: {  	v48 =	vadd.s32 s21, v0;
	[tilespmem:v47+s26+$0x0] =	vst.idx.msk $0xffff, v33  }
0x26f: {  	v32 =	vor.u32 v31, v32;
	v34 =	vld.idx.msk [tilespmem:v35+s11+$0x0], $0xffff;
	v35 =	vand.u32 $0x3F, v48  }
0x270: {  	v49 =	vor.u32 v1, v35;
	_ =	sdelay $0x2  }
0x271: {  	v33 =	vshll.u32 v48, $0x7  }
0x272: {  	[tilespmem:v32+s26+$0x0] =	vst.idx.msk $0xffff, v34;
	v32 =	vand.u32 $0x1F80, v33  }
0x273: {  	v50 =	vld.idx.msk [tilespmem:v49+s11+$0x0], $0xffff;
	v51 =	vor.u32 v0, v32  }
0x274: {  	v52 =	vor.u32 v2, v35;
	_ =	sdelay $0x3  }
0x275: {  	[tilespmem:v51+s26+$0x0] =	vst.idx.msk $0xffff, v50  }
0x276: {  	v53 =	vor.u32 v3, v32;
	v33 =	vld.idx.msk [tilespmem:v52+s11+$0x0], $0xffff  }
0x277: {  	v54 =	vor.u32 v4, v35;
	_ =	sdelay $0x3  }
0x278: {  	[tilespmem:v53+s26+$0x0] =	vst.idx.msk $0xffff, v33  }
0x279: {  	v55 =	vor.u32 v5, v32;
	v33 =	vld.idx.msk [tilespmem:v54+s11+$0x0], $0xffff  }
0x27a: {  	v56 =	vor.u32 v6, v35;
	_ =	sdelay $0x3  }
0x27b: {  	[tilespmem:v55+s26+$0x0] =	vst.idx.msk $0xffff, v33  }
0x27c: {  	v57 =	vor.u32 v7, v32;
	v33 =	vld.idx.msk [tilespmem:v56+s11+$0x0], $0xffff  }
0x27d: {  	v58 =	vor.u32 v8, v35;
	_ =	sdelay $0x3  }
0x27e: {  	[tilespmem:v57+s26+$0x0] =	vst.idx.msk $0xffff, v33  }
0x27f: {  	v59 =	vor.u32 v9, v32;
	v33 =	vld.idx.msk [tilespmem:v58+s11+$0x0], $0xffff  }
0x280: {  	v60 =	vor.u32 v10, v35;
	_ =	sdelay $0x3  }
0x281: {  	[tilespmem:v59+s26+$0x0] =	vst.idx.msk $0xffff, v33  }
0x282: {  	v61 =	vor.u32 v11, v32;
	v33 =	vld.idx.msk [tilespmem:v60+s11+$0x0], $0xffff  }
0x283: {  	v62 =	vor.u32 v12, v35;
	_ =	sdelay $0x3  }
0x284: {  	[tilespmem:v61+s26+$0x0] =	vst.idx.msk $0xffff, v33  }
0x285: {  	v63 =	vor.u32 v13, v32;
	v33 =	vld.idx.msk [tilespmem:v62+s11+$0x0], $0xffff  }
0x286: {  	v40 =	vor.u32 v14, v35;
	_ =	sdelay $0x3  }
0x287: {  	[tilespmem:v63+s26+$0x0] =	vst.idx.msk $0xffff, v33  }
0x288: {  	v41 =	vor.u32 v15, v32;
	v33 =	vld.idx.msk [tilespmem:v40+s11+$0x0], $0xffff  }
0x289: {  	v42 =	vor.u32 v16, v35;
	_ =	sdelay $0x3  }
0x28a: {  	[tilespmem:v41+s26+$0x0] =	vst.idx.msk $0xffff, v33  }
0x28b: {  	v43 =	vor.u32 v17, v32;
	v33 =	vld.idx.msk [tilespmem:v42+s11+$0x0], $0xffff  }
0x28c: {  	v44 =	vor.u32 v18, v35;
	_ =	sdelay $0x3  }
0x28d: {  	[tilespmem:v43+s26+$0x0] =	vst.idx.msk $0xffff, v33  }
0x28e: {  	v45 =	vor.u32 v19, v32;
	v33 =	vld.idx.msk [tilespmem:v44+s11+$0x0], $0xffff  }
0x28f: {  	v46 =	vor.u32 v20, v35;
	_ =	sdelay $0x3  }
0x290: {  	[tilespmem:v45+s26+$0x0] =	vst.idx.msk $0xffff, v33  }
0x291: {  	v47 =	vor.u32 v21, v32;
	v33 =	vld.idx.msk [tilespmem:v46+s11+$0x0], $0xffff  }
0x292: {  	v48 =	vor.u32 v22, v35;
	_ =	sdelay $0x3  }
0x293: {  	[tilespmem:v47+s26+$0x0] =	vst.idx.msk $0xffff, v33  }
0x294: {  	v49 =	vor.u32 v23, v32;
	v33 =	vld.idx.msk [tilespmem:v48+s11+$0x0], $0xffff  }
0x295: {  	v50 =	vor.u32 v24, v35;
	_ =	sdelay $0x3  }
0x296: {  	[tilespmem:v49+s26+$0x0] =	vst.idx.msk $0xffff, v33  }
0x297: {  	v51 =	vor.u32 v25, v32;
	v33 =	vld.idx.msk [tilespmem:v50+s11+$0x0], $0xffff  }
0x298: {  	v52 =	vor.u32 v26, v35;
	_ =	sdelay $0x3  }
0x299: {  	[tilespmem:v51+s26+$0x0] =	vst.idx.msk $0xffff, v33  }
0x29a: {  	v53 =	vor.u32 v27, v32;
	v33 =	vld.idx.msk [tilespmem:v52+s11+$0x0], $0xffff  }
0x29b: {  	v54 =	vor.u32 v28, v35;
	_ =	sdelay $0x3  }
0x29c: {  	[tilespmem:v53+s26+$0x0] =	vst.idx.msk $0xffff, v33  }
0x29d: {  	v55 =	vor.u32 v29, v32;
	v33 =	vld.idx.msk [tilespmem:v54+s11+$0x0], $0xffff  }
0x29e: {  	v35 =	vor.u32 v30, v35;
	_ =	sdelay $0x2  }
0x29f: {  	s19 =	sadd.s32 $0x3, s17  }
0x2a0: {  	v56 =	vadd.s32 s19, v0;
	[tilespmem:v55+s26+$0x0] =	vst.idx.msk $0xffff, v33  }
0x2a1: {  	v32 =	vor.u32 v31, v32;
	v34 =	vld.idx.msk [tilespmem:v35+s11+$0x0], $0xffff;
	v35 =	vand.u32 $0x3F, v56  }
0x2a2: {  	v57 =	vor.u32 v1, v35;
	_ =	sdelay $0x2  }
0x2a3: {  	v33 =	vshll.u32 v56, $0x7  }
0x2a4: {  	[tilespmem:v32+s26+$0x0] =	vst.idx.msk $0xffff, v34;
	v32 =	vand.u32 $0x1F80, v33  }
0x2a5: {  	v58 =	vld.idx.msk [tilespmem:v57+s11+$0x0], $0xffff;
	v59 =	vor.u32 v0, v32  }
0x2a6: {  	v60 =	vor.u32 v2, v35;
	_ =	sdelay $0x3  }
0x2a7: {  	[tilespmem:v59+s26+$0x0] =	vst.idx.msk $0xffff, v58  }
0x2a8: {  	v61 =	vor.u32 v3, v32;
	v33 =	vld.idx.msk [tilespmem:v60+s11+$0x0], $0xffff  }
0x2a9: {  	v62 =	vor.u32 v4, v35;
	_ =	sdelay $0x3  }
0x2aa: {  	[tilespmem:v61+s26+$0x0] =	vst.idx.msk $0xffff, v33  }
0x2ab: {  	v63 =	vor.u32 v5, v32;
	v33 =	vld.idx.msk [tilespmem:v62+s11+$0x0], $0xffff  }
0x2ac: {  	v40 =	vor.u32 v6, v35;
	_ =	sdelay $0x3  }
0x2ad: {  	[tilespmem:v63+s26+$0x0] =	vst.idx.msk $0xffff, v33  }
0x2ae: {  	v41 =	vor.u32 v7, v32;
	v33 =	vld.idx.msk [tilespmem:v40+s11+$0x0], $0xffff  }
0x2af: {  	v42 =	vor.u32 v8, v35;
	_ =	sdelay $0x3  }
0x2b0: {  	[tilespmem:v41+s26+$0x0] =	vst.idx.msk $0xffff, v33  }
0x2b1: {  	v43 =	vor.u32 v9, v32;
	v33 =	vld.idx.msk [tilespmem:v42+s11+$0x0], $0xffff  }
0x2b2: {  	v44 =	vor.u32 v10, v35;
	_ =	sdelay $0x3  }
0x2b3: {  	[tilespmem:v43+s26+$0x0] =	vst.idx.msk $0xffff, v33  }
0x2b4: {  	v45 =	vor.u32 v11, v32;
	v33 =	vld.idx.msk [tilespmem:v44+s11+$0x0], $0xffff  }
0x2b5: {  	v46 =	vor.u32 v12, v35;
	_ =	sdelay $0x3  }
0x2b6: {  	[tilespmem:v45+s26+$0x0] =	vst.idx.msk $0xffff, v33  }
0x2b7: {  	v47 =	vor.u32 v13, v32;
	v33 =	vld.idx.msk [tilespmem:v46+s11+$0x0], $0xffff  }
0x2b8: {  	v48 =	vor.u32 v14, v35;
	_ =	sdelay $0x3  }
0x2b9: {  	[tilespmem:v47+s26+$0x0] =	vst.idx.msk $0xffff, v33  }
0x2ba: {  	v49 =	vor.u32 v15, v32;
	v33 =	vld.idx.msk [tilespmem:v48+s11+$0x0], $0xffff  }
0x2bb: {  	v50 =	vor.u32 v16, v35;
	_ =	sdelay $0x3  }
0x2bc: {  	[tilespmem:v49+s26+$0x0] =	vst.idx.msk $0xffff, v33  }
0x2bd: {  	v51 =	vor.u32 v17, v32;
	v33 =	vld.idx.msk [tilespmem:v50+s11+$0x0], $0xffff  }
0x2be: {  	v52 =	vor.u32 v18, v35;
	_ =	sdelay $0x3  }
0x2bf: {  	[tilespmem:v51+s26+$0x0] =	vst.idx.msk $0xffff, v33  }
0x2c0: {  	v53 =	vor.u32 v19, v32;
	v33 =	vld.idx.msk [tilespmem:v52+s11+$0x0], $0xffff  }
0x2c1: {  	v54 =	vor.u32 v20, v35;
	_ =	sdelay $0x3  }
0x2c2: {  	[tilespmem:v53+s26+$0x0] =	vst.idx.msk $0xffff, v33  }
0x2c3: {  	v55 =	vor.u32 v21, v32;
	v33 =	vld.idx.msk [tilespmem:v54+s11+$0x0], $0xffff  }
0x2c4: {  	v56 =	vor.u32 v22, v35;
	_ =	sdelay $0x3  }
0x2c5: {  	[tilespmem:v55+s26+$0x0] =	vst.idx.msk $0xffff, v33  }
0x2c6: {  	v57 =	vor.u32 v23, v32;
	v33 =	vld.idx.msk [tilespmem:v56+s11+$0x0], $0xffff  }
0x2c7: {  	v58 =	vor.u32 v24, v35;
	_ =	sdelay $0x3  }
0x2c8: {  	[tilespmem:v57+s26+$0x0] =	vst.idx.msk $0xffff, v33  }
0x2c9: {  	v59 =	vor.u32 v25, v32;
	v33 =	vld.idx.msk [tilespmem:v58+s11+$0x0], $0xffff  }
0x2ca: {  	v60 =	vor.u32 v26, v35;
	_ =	sdelay $0x3  }
0x2cb: {  	[tilespmem:v59+s26+$0x0] =	vst.idx.msk $0xffff, v33  }
0x2cc: {  	v61 =	vor.u32 v27, v32;
	v33 =	vld.idx.msk [tilespmem:v60+s11+$0x0], $0xffff  }
0x2cd: {  	v62 =	vor.u32 v28, v35;
	_ =	sdelay $0x3  }
0x2ce: {  	[tilespmem:v61+s26+$0x0] =	vst.idx.msk $0xffff, v33  }
0x2cf: {  	v63 =	vor.u32 v29, v32;
	v33 =	vld.idx.msk [tilespmem:v62+s11+$0x0], $0xffff  }
0x2d0: {  	v35 =	vor.u32 v30, v35;
	_ =	sdelay $0x3  }
0x2d1: {  	[tilespmem:v63+s26+$0x0] =	vst.idx.msk $0xffff, v33  }
0x2d2: {  	v32 =	vor.u32 v31, v32;
	v33 =	vld.idx.msk [tilespmem:v35+s11+$0x0], $0xffff;
	_ =	sdelay $0x1  }
0x2d3: {  	s20 =	sshll.u32 s15, $0x14  }
0x2d4: {  	s17 =	sor.u32 s6, s20  }
0x2d5: {  	s17 =	sshrl.u32 s17, $0x3  }
0x2d6: {  	s21 =	sadd.s32 s2, s17;
	[tilespmem:v32+s26+$0x0] =	vst.idx.msk $0xffff, v33  }
0x2d7: {  	[hbm4b:s21+s28] =	stream.strided.scatter [tilespmem:s26], [sflag:$0x3], $0x2000, s29, s28, $0x38;
	[tilespmem:$0x11900] =	vst v63  }
0x2d8: {  	p1 =	seq.s32 s15, $0xC;
	s17 =	sadd.s32 s17, s7  }
0x2d9: {  	[hbm4b:s17+s28] =	stream.strided.scatter [tilespmem:s30], [sflag:$0x3], $0x2000, s29, s28, $0x38;
	[tilespmem:$0x11900] =	vst v63  }
0x2da: {  	s17 =	sshll.u32 @!p1 s15, $0x9  }
0x2db: {  	s17 =	sand.u32 @!p1 $0x3FFFFE00, s17  }
0x2dc: {  	s20 =	simm.s32 @!p1 $0x40;
	s21 =	simm.s32 @!p1 $0x1900;
	s19 =	sadd.s32 @!p1 $0x200, s17  }
0x2dd: {  	[tilespmem:s21], [sflag:$0x1] =	stream.indirect.gather @!p1 [hbm4b:s4+s20], $0x40, s19, s20, $0xb8;
	[tilespmem:$0x11900] =	vst v63  }
0x2de: {  	s19 =	sadd.s32 @!p1 $0x240, s17;
	s21 =	simm.s32 @!p1 $0x2900  }
0x2df: {  	[tilespmem:s21], [sflag:$0x1] =	stream.indirect.gather @!p1 [hbm4b:s4+s20], $0x40, s19, s20, $0xb8;
	[tilespmem:$0x11900] =	vst v63  }
0x2e0: {  	s19 =	sadd.s32 @!p1 $0x280, s17;
	s21 =	simm.s32 @!p1 $0x3900  }
0x2e1: {  	[tilespmem:s21], [sflag:$0x1] =	stream.indirect.gather @!p1 [hbm4b:s4+s20], $0x40, s19, s20, $0xb8;
	[tilespmem:$0x11900] =	vst v63  }
0x2e2: {  	s17 =	sadd.s32 @!p1 $0x2C0, s17;
	s19 =	simm.s32 @!p1 $0x4900  }
0x2e3: {  	[tilespmem:s19], [sflag:$0x1] =	stream.indirect.gather @!p1 [hbm4b:s4+s20], $0x40, s17, s20, $0xb8;
	[tilespmem:$0x11900] =	vst v63  }
0x2e4: {  	p1 =	sgt.u32 s16, $0x18  }
.Ltmp5:
0x2e5: {  	_ = 	snop;
	(pc) =	sbr.rel @p1 .LBB2_8-.Ltmp5, $1  }
0x2e6: {  	_ =	sdelay $0x3  }
0x2e7: {  	_ =	swait.ge [sflag:s31], $0x1000  }
0x2e8: {  	[sflag:s31] =	ssyncset.done $0x0  }
0x2e9: {  	[sflag:s31] =	ssyncadd.s32 $0xFFFFF000  }
0x2ea: {  	_ =	swait.ge [sflag:s31], $0x1000  }
0x2eb: {  	[sflag:s31] =	ssyncset.done $0x0  }
0x2ec: {  	[sflag:s31] =	ssyncadd.s32 $0xFFFFF000  }
0x2ed: {  	_ =	swait.ge [sflag:s31], $0x1000  }
0x2ee: {  	[sflag:s31] =	ssyncset.done $0x0  }
0x2ef: {  	[sflag:s31] =	ssyncadd.s32 $0xFFFFF000  }
0x2f0: {  	_ =	swait.ge [sflag:s31], $0x1000  }
0x2f1: {  	s17 =	simm.s32 $0x0;
	[sflag:s31] =	ssyncset.done $0x0  }
0x2f2: {  	s19 =	simm.s32 @!p0 $0x4;
	v32 =	vadd.s32 s17, v0;
	[sflag:s31] =	ssyncadd.s32 $0xFFFFF000  }
0x2f3: {  	v33 =	vand.u32 $0x3F, v32;
	_ =	swait.ge @!p0 [sflag:s19], $0x2000  }
0x2f4: {  	v34 =	vor.u32 v1, v33;
	[sflag:s19] =	ssyncset.done @!p0 $0x0  }
0x2f5: {  	[sflag:s19] =	ssyncadd.s32 @!p0 $0xFFFFE000  }
0x2f6: {  	_ =	swait.ge @!p0 [sflag:s19], $0x2000  }
0x2f7: {  	v32 =	vshll.u32 v32, $0x7;
	[sflag:s19] =	ssyncset.done @!p0 $0x0  }
0x2f8: {  	v35 =	vand.u32 $0x1F80, v32;
	[sflag:s19] =	ssyncadd.s32 @!p0 $0xFFFFE000  }
0x2f9: {  	v36 =	vor.u32 v0, v35;
	v34 =	vld.idx.msk [tilespmem:v34+s18+$0x0], $0xffff  }
0x2fa: {  	v37 =	vor.u32 v2, v33;
	_ =	sdelay $0x3  }
0x2fb: {  	[tilespmem:v36+s1+$0x0] =	vst.idx.msk $0xffff, v34  }
0x2fc: {  	v40 =	vor.u32 v3, v35;
	v34 =	vld.idx.msk [tilespmem:v37+s18+$0x0], $0xffff  }
0x2fd: {  	v41 =	vor.u32 v4, v33;
	_ =	sdelay $0x3  }
0x2fe: {  	[tilespmem:v40+s1+$0x0] =	vst.idx.msk $0xffff, v34  }
0x2ff: {  	v42 =	vor.u32 v5, v35;
	v34 =	vld.idx.msk [tilespmem:v41+s18+$0x0], $0xffff  }
0x300: {  	v43 =	vor.u32 v6, v33;
	_ =	sdelay $0x3  }
0x301: {  	[tilespmem:v42+s1+$0x0] =	vst.idx.msk $0xffff, v34  }
0x302: {  	v44 =	vor.u32 v7, v35;
	v34 =	vld.idx.msk [tilespmem:v43+s18+$0x0], $0xffff  }
0x303: {  	v45 =	vor.u32 v8, v33;
	_ =	sdelay $0x3  }
0x304: {  	[tilespmem:v44+s1+$0x0] =	vst.idx.msk $0xffff, v34  }
0x305: {  	v46 =	vor.u32 v9, v35;
	v34 =	vld.idx.msk [tilespmem:v45+s18+$0x0], $0xffff  }
0x306: {  	v47 =	vor.u32 v10, v33;
	_ =	sdelay $0x3  }
0x307: {  	[tilespmem:v46+s1+$0x0] =	vst.idx.msk $0xffff, v34  }
0x308: {  	v48 =	vor.u32 v11, v35;
	v34 =	vld.idx.msk [tilespmem:v47+s18+$0x0], $0xffff  }
0x309: {  	v49 =	vor.u32 v12, v33;
	_ =	sdelay $0x3  }
0x30a: {  	[tilespmem:v48+s1+$0x0] =	vst.idx.msk $0xffff, v34  }
0x30b: {  	v50 =	vor.u32 v13, v35;
	v34 =	vld.idx.msk [tilespmem:v49+s18+$0x0], $0xffff  }
0x30c: {  	v51 =	vor.u32 v14, v33;
	_ =	sdelay $0x3  }
0x30d: {  	[tilespmem:v50+s1+$0x0] =	vst.idx.msk $0xffff, v34  }
0x30e: {  	v35 =	vor.u32 v15, v35;
	v34 =	vld.idx.msk [tilespmem:v51+s18+$0x0], $0xffff  }
0x30f: {  	v52 =	vor.u32 v16, v33;
	_ =	sdelay $0x3  }
0x310: {  	[tilespmem:v35+s1+$0x0] =	vst.idx.msk $0xffff, v34  }
0x311: {  	v53 =	vor.u32 v17, v32;
	v34 =	vld.idx.msk [tilespmem:v52+s18+$0x0], $0xffff  }
0x312: {  	v54 =	vor.u32 v18, v33;
	_ =	sdelay $0x3  }
0x313: {  	[tilespmem:v53+s1+$0x0] =	vst.idx.msk $0xffff, v34  }
0x314: {  	v55 =	vor.u32 v19, v32;
	v34 =	vld.idx.msk [tilespmem:v54+s18+$0x0], $0xffff  }
0x315: {  	v56 =	vor.u32 v20, v33;
	_ =	sdelay $0x3  }
0x316: {  	[tilespmem:v55+s1+$0x0] =	vst.idx.msk $0xffff, v34  }
0x317: {  	v57 =	vor.u32 v21, v32;
	v34 =	vld.idx.msk [tilespmem:v56+s18+$0x0], $0xffff  }
0x318: {  	v58 =	vor.u32 v22, v33;
	_ =	sdelay $0x3  }
0x319: {  	[tilespmem:v57+s1+$0x0] =	vst.idx.msk $0xffff, v34  }
0x31a: {  	v59 =	vor.u32 v23, v32;
	v34 =	vld.idx.msk [tilespmem:v58+s18+$0x0], $0xffff  }
0x31b: {  	v60 =	vor.u32 v24, v33;
	_ =	sdelay $0x3  }
0x31c: {  	[tilespmem:v59+s1+$0x0] =	vst.idx.msk $0xffff, v34  }
0x31d: {  	v61 =	vor.u32 v25, v32;
	v34 =	vld.idx.msk [tilespmem:v60+s18+$0x0], $0xffff  }
0x31e: {  	v62 =	vor.u32 v26, v33;
	_ =	sdelay $0x3  }
0x31f: {  	[tilespmem:v61+s1+$0x0] =	vst.idx.msk $0xffff, v34  }
0x320: {  	v63 =	vor.u32 v27, v32;
	v34 =	vld.idx.msk [tilespmem:v62+s18+$0x0], $0xffff  }
0x321: {  	v40 =	vor.u32 v28, v33;
	_ =	sdelay $0x3  }
0x322: {  	[tilespmem:v63+s1+$0x0] =	vst.idx.msk $0xffff, v34  }
0x323: {  	v41 =	vor.u32 v29, v32;
	v34 =	vld.idx.msk [tilespmem:v40+s18+$0x0], $0xffff  }
0x324: {  	v33 =	vor.u32 v30, v33;
	_ =	sdelay $0x2  }
0x325: {  	s19 =	simm.s32 $0x1  }
0x326: {  	v42 =	vadd.s32 s19, v0;
	[tilespmem:v41+s1+$0x0] =	vst.idx.msk $0xffff, v34  }
0x327: {  	v32 =	vor.u32 v31, v32;
	v35 =	vand.u32 $0x3F, v42;
	v33 =	vld.idx.msk [tilespmem:v33+s18+$0x0], $0xffff  }
0x328: {  	v43 =	vor.u32 v1, v35;
	_ =	sdelay $0x2  }
0x329: {  	v34 =	vshll.u32 v42, $0x7  }
0x32a: {  	[tilespmem:v32+s1+$0x0] =	vst.idx.msk $0xffff, v33;
	v32 =	vand.u32 $0x1F80, v34  }
0x32b: {  	v33 =	vld.idx.msk [tilespmem:v43+s18+$0x0], $0xffff;
	v34 =	vor.u32 v0, v32  }
0x32c: {  	v44 =	vor.u32 v2, v35;
	_ =	sdelay $0x3  }
0x32d: {  	[tilespmem:v34+s1+$0x0] =	vst.idx.msk $0xffff, v33  }
0x32e: {  	v45 =	vor.u32 v3, v32;
	v33 =	vld.idx.msk [tilespmem:v44+s18+$0x0], $0xffff  }
0x32f: {  	v46 =	vor.u32 v4, v35;
	_ =	sdelay $0x3  }
0x330: {  	[tilespmem:v45+s1+$0x0] =	vst.idx.msk $0xffff, v33  }
0x331: {  	v47 =	vor.u32 v5, v32;
	v33 =	vld.idx.msk [tilespmem:v46+s18+$0x0], $0xffff  }
0x332: {  	v48 =	vor.u32 v6, v35;
	_ =	sdelay $0x3  }
0x333: {  	[tilespmem:v47+s1+$0x0] =	vst.idx.msk $0xffff, v33  }
0x334: {  	v49 =	vor.u32 v7, v32;
	v33 =	vld.idx.msk [tilespmem:v48+s18+$0x0], $0xffff  }
0x335: {  	v50 =	vor.u32 v8, v35;
	_ =	sdelay $0x3  }
0x336: {  	[tilespmem:v49+s1+$0x0] =	vst.idx.msk $0xffff, v33  }
0x337: {  	v51 =	vor.u32 v9, v32;
	v33 =	vld.idx.msk [tilespmem:v50+s18+$0x0], $0xffff  }
0x338: {  	v52 =	vor.u32 v10, v35;
	_ =	sdelay $0x3  }
0x339: {  	[tilespmem:v51+s1+$0x0] =	vst.idx.msk $0xffff, v33  }
0x33a: {  	v53 =	vor.u32 v11, v32;
	v33 =	vld.idx.msk [tilespmem:v52+s18+$0x0], $0xffff  }
0x33b: {  	v54 =	vor.u32 v12, v35;
	_ =	sdelay $0x3  }
0x33c: {  	[tilespmem:v53+s1+$0x0] =	vst.idx.msk $0xffff, v33  }
0x33d: {  	v55 =	vor.u32 v13, v32;
	v33 =	vld.idx.msk [tilespmem:v54+s18+$0x0], $0xffff  }
0x33e: {  	v56 =	vor.u32 v14, v35;
	_ =	sdelay $0x3  }
0x33f: {  	[tilespmem:v55+s1+$0x0] =	vst.idx.msk $0xffff, v33  }
0x340: {  	v57 =	vor.u32 v15, v32;
	v33 =	vld.idx.msk [tilespmem:v56+s18+$0x0], $0xffff  }
0x341: {  	v58 =	vor.u32 v16, v35;
	_ =	sdelay $0x3  }
0x342: {  	[tilespmem:v57+s1+$0x0] =	vst.idx.msk $0xffff, v33  }
0x343: {  	v59 =	vor.u32 v17, v32;
	v33 =	vld.idx.msk [tilespmem:v58+s18+$0x0], $0xffff  }
0x344: {  	v60 =	vor.u32 v18, v35;
	_ =	sdelay $0x3  }
0x345: {  	[tilespmem:v59+s1+$0x0] =	vst.idx.msk $0xffff, v33  }
0x346: {  	v61 =	vor.u32 v19, v32;
	v33 =	vld.idx.msk [tilespmem:v60+s18+$0x0], $0xffff  }
0x347: {  	v62 =	vor.u32 v20, v35;
	_ =	sdelay $0x3  }
0x348: {  	[tilespmem:v61+s1+$0x0] =	vst.idx.msk $0xffff, v33  }
0x349: {  	v63 =	vor.u32 v21, v32;
	v33 =	vld.idx.msk [tilespmem:v62+s18+$0x0], $0xffff  }
0x34a: {  	v40 =	vor.u32 v22, v35;
	_ =	sdelay $0x3  }
0x34b: {  	[tilespmem:v63+s1+$0x0] =	vst.idx.msk $0xffff, v33  }
0x34c: {  	v41 =	vor.u32 v23, v32;
	v33 =	vld.idx.msk [tilespmem:v40+s18+$0x0], $0xffff  }
0x34d: {  	v42 =	vor.u32 v24, v35;
	_ =	sdelay $0x3  }
0x34e: {  	[tilespmem:v41+s1+$0x0] =	vst.idx.msk $0xffff, v33  }
0x34f: {  	v43 =	vor.u32 v25, v32;
	v33 =	vld.idx.msk [tilespmem:v42+s18+$0x0], $0xffff  }
0x350: {  	v44 =	vor.u32 v26, v35;
	_ =	sdelay $0x3  }
0x351: {  	[tilespmem:v43+s1+$0x0] =	vst.idx.msk $0xffff, v33  }
0x352: {  	v45 =	vor.u32 v27, v32;
	v33 =	vld.idx.msk [tilespmem:v44+s18+$0x0], $0xffff  }
0x353: {  	v46 =	vor.u32 v28, v35;
	_ =	sdelay $0x3  }
0x354: {  	[tilespmem:v45+s1+$0x0] =	vst.idx.msk $0xffff, v33  }
0x355: {  	v47 =	vor.u32 v29, v32;
	v33 =	vld.idx.msk [tilespmem:v46+s18+$0x0], $0xffff  }
0x356: {  	v35 =	vor.u32 v30, v35;
	_ =	sdelay $0x2  }
0x357: {  	s20 =	simm.s32 $0x2  }
0x358: {  	v48 =	vadd.s32 s20, v0;
	[tilespmem:v47+s1+$0x0] =	vst.idx.msk $0xffff, v33  }
0x359: {  	v32 =	vor.u32 v31, v32;
	v34 =	vld.idx.msk [tilespmem:v35+s18+$0x0], $0xffff;
	v35 =	vand.u32 $0x3F, v48  }
0x35a: {  	v49 =	vor.u32 v1, v35;
	_ =	sdelay $0x2  }
0x35b: {  	v33 =	vshll.u32 v48, $0x7  }
0x35c: {  	[tilespmem:v32+s1+$0x0] =	vst.idx.msk $0xffff, v34;
	v32 =	vand.u32 $0x1F80, v33  }
0x35d: {  	v50 =	vld.idx.msk [tilespmem:v49+s18+$0x0], $0xffff;
	v51 =	vor.u32 v0, v32  }
0x35e: {  	v52 =	vor.u32 v2, v35;
	_ =	sdelay $0x3  }
0x35f: {  	[tilespmem:v51+s1+$0x0] =	vst.idx.msk $0xffff, v50  }
0x360: {  	v53 =	vor.u32 v3, v32;
	v33 =	vld.idx.msk [tilespmem:v52+s18+$0x0], $0xffff  }
0x361: {  	v54 =	vor.u32 v4, v35;
	_ =	sdelay $0x3  }
0x362: {  	[tilespmem:v53+s1+$0x0] =	vst.idx.msk $0xffff, v33  }
0x363: {  	v55 =	vor.u32 v5, v32;
	v33 =	vld.idx.msk [tilespmem:v54+s18+$0x0], $0xffff  }
0x364: {  	v56 =	vor.u32 v6, v35;
	_ =	sdelay $0x3  }
0x365: {  	[tilespmem:v55+s1+$0x0] =	vst.idx.msk $0xffff, v33  }
0x366: {  	v57 =	vor.u32 v7, v32;
	v33 =	vld.idx.msk [tilespmem:v56+s18+$0x0], $0xffff  }
0x367: {  	v58 =	vor.u32 v8, v35;
	_ =	sdelay $0x3  }
0x368: {  	[tilespmem:v57+s1+$0x0] =	vst.idx.msk $0xffff, v33  }
0x369: {  	v59 =	vor.u32 v9, v32;
	v33 =	vld.idx.msk [tilespmem:v58+s18+$0x0], $0xffff  }
0x36a: {  	v60 =	vor.u32 v10, v35;
	_ =	sdelay $0x3  }
0x36b: {  	[tilespmem:v59+s1+$0x0] =	vst.idx.msk $0xffff, v33  }
0x36c: {  	v61 =	vor.u32 v11, v32;
	v33 =	vld.idx.msk [tilespmem:v60+s18+$0x0], $0xffff  }
0x36d: {  	v62 =	vor.u32 v12, v35;
	_ =	sdelay $0x3  }
0x36e: {  	[tilespmem:v61+s1+$0x0] =	vst.idx.msk $0xffff, v33  }
0x36f: {  	v63 =	vor.u32 v13, v32;
	v33 =	vld.idx.msk [tilespmem:v62+s18+$0x0], $0xffff  }
0x370: {  	v40 =	vor.u32 v14, v35;
	_ =	sdelay $0x3  }
0x371: {  	[tilespmem:v63+s1+$0x0] =	vst.idx.msk $0xffff, v33  }
0x372: {  	v41 =	vor.u32 v15, v32;
	v33 =	vld.idx.msk [tilespmem:v40+s18+$0x0], $0xffff  }
0x373: {  	v42 =	vor.u32 v16, v35;
	_ =	sdelay $0x3  }
0x374: {  	[tilespmem:v41+s1+$0x0] =	vst.idx.msk $0xffff, v33  }
0x375: {  	v43 =	vor.u32 v17, v32;
	v33 =	vld.idx.msk [tilespmem:v42+s18+$0x0], $0xffff  }
0x376: {  	v44 =	vor.u32 v18, v35;
	_ =	sdelay $0x3  }
0x377: {  	[tilespmem:v43+s1+$0x0] =	vst.idx.msk $0xffff, v33  }
0x378: {  	v45 =	vor.u32 v19, v32;
	v33 =	vld.idx.msk [tilespmem:v44+s18+$0x0], $0xffff  }
0x379: {  	v46 =	vor.u32 v20, v35;
	_ =	sdelay $0x3  }
0x37a: {  	[tilespmem:v45+s1+$0x0] =	vst.idx.msk $0xffff, v33  }
0x37b: {  	v47 =	vor.u32 v21, v32;
	v33 =	vld.idx.msk [tilespmem:v46+s18+$0x0], $0xffff  }
0x37c: {  	v48 =	vor.u32 v22, v35;
	_ =	sdelay $0x3  }
0x37d: {  	[tilespmem:v47+s1+$0x0] =	vst.idx.msk $0xffff, v33  }
0x37e: {  	v49 =	vor.u32 v23, v32;
	v33 =	vld.idx.msk [tilespmem:v48+s18+$0x0], $0xffff  }
0x37f: {  	v50 =	vor.u32 v24, v35;
	_ =	sdelay $0x3  }
0x380: {  	[tilespmem:v49+s1+$0x0] =	vst.idx.msk $0xffff, v33  }
0x381: {  	v51 =	vor.u32 v25, v32;
	v33 =	vld.idx.msk [tilespmem:v50+s18+$0x0], $0xffff  }
0x382: {  	v52 =	vor.u32 v26, v35;
	_ =	sdelay $0x3  }
0x383: {  	[tilespmem:v51+s1+$0x0] =	vst.idx.msk $0xffff, v33  }
0x384: {  	v53 =	vor.u32 v27, v32;
	v33 =	vld.idx.msk [tilespmem:v52+s18+$0x0], $0xffff  }
0x385: {  	v54 =	vor.u32 v28, v35;
	_ =	sdelay $0x3  }
0x386: {  	[tilespmem:v53+s1+$0x0] =	vst.idx.msk $0xffff, v33  }
0x387: {  	v55 =	vor.u32 v29, v32;
	v33 =	vld.idx.msk [tilespmem:v54+s18+$0x0], $0xffff  }
0x388: {  	v35 =	vor.u32 v30, v35;
	_ =	sdelay $0x2  }
0x389: {  	s21 =	simm.s32 $0x3  }
0x38a: {  	v56 =	vadd.s32 s21, v0;
	[tilespmem:v55+s1+$0x0] =	vst.idx.msk $0xffff, v33  }
0x38b: {  	v32 =	vor.u32 v31, v32;
	v34 =	vld.idx.msk [tilespmem:v35+s18+$0x0], $0xffff;
	v35 =	vand.u32 $0x3F, v56  }
0x38c: {  	v57 =	vor.u32 v1, v35;
	_ =	sdelay $0x2  }
0x38d: {  	v33 =	vshll.u32 v56, $0x7  }
0x38e: {  	[tilespmem:v32+s1+$0x0] =	vst.idx.msk $0xffff, v34;
	v32 =	vand.u32 $0x1F80, v33  }
0x38f: {  	v58 =	vld.idx.msk [tilespmem:v57+s18+$0x0], $0xffff;
	v59 =	vor.u32 v0, v32  }
0x390: {  	v60 =	vor.u32 v2, v35;
	_ =	sdelay $0x3  }
0x391: {  	[tilespmem:v59+s1+$0x0] =	vst.idx.msk $0xffff, v58  }
0x392: {  	v61 =	vor.u32 v3, v32;
	v33 =	vld.idx.msk [tilespmem:v60+s18+$0x0], $0xffff  }
0x393: {  	v62 =	vor.u32 v4, v35;
	_ =	sdelay $0x3  }
0x394: {  	[tilespmem:v61+s1+$0x0] =	vst.idx.msk $0xffff, v33  }
0x395: {  	v63 =	vor.u32 v5, v32;
	v33 =	vld.idx.msk [tilespmem:v62+s18+$0x0], $0xffff  }
0x396: {  	v40 =	vor.u32 v6, v35;
	_ =	sdelay $0x3  }
0x397: {  	[tilespmem:v63+s1+$0x0] =	vst.idx.msk $0xffff, v33  }
0x398: {  	v41 =	vor.u32 v7, v32;
	v33 =	vld.idx.msk [tilespmem:v40+s18+$0x0], $0xffff  }
0x399: {  	v42 =	vor.u32 v8, v35;
	_ =	sdelay $0x3  }
0x39a: {  	[tilespmem:v41+s1+$0x0] =	vst.idx.msk $0xffff, v33  }
0x39b: {  	v43 =	vor.u32 v9, v32;
	v33 =	vld.idx.msk [tilespmem:v42+s18+$0x0], $0xffff  }
0x39c: {  	v44 =	vor.u32 v10, v35;
	_ =	sdelay $0x3  }
0x39d: {  	[tilespmem:v43+s1+$0x0] =	vst.idx.msk $0xffff, v33  }
0x39e: {  	v45 =	vor.u32 v11, v32;
	v33 =	vld.idx.msk [tilespmem:v44+s18+$0x0], $0xffff  }
0x39f: {  	v46 =	vor.u32 v12, v35;
	_ =	sdelay $0x3  }
0x3a0: {  	[tilespmem:v45+s1+$0x0] =	vst.idx.msk $0xffff, v33  }
0x3a1: {  	v47 =	vor.u32 v13, v32;
	v33 =	vld.idx.msk [tilespmem:v46+s18+$0x0], $0xffff  }
0x3a2: {  	v48 =	vor.u32 v14, v35;
	_ =	sdelay $0x3  }
0x3a3: {  	[tilespmem:v47+s1+$0x0] =	vst.idx.msk $0xffff, v33  }
0x3a4: {  	v49 =	vor.u32 v15, v32;
	v33 =	vld.idx.msk [tilespmem:v48+s18+$0x0], $0xffff  }
0x3a5: {  	v50 =	vor.u32 v16, v35;
	_ =	sdelay $0x3  }
0x3a6: {  	[tilespmem:v49+s1+$0x0] =	vst.idx.msk $0xffff, v33  }
0x3a7: {  	v51 =	vor.u32 v17, v32;
	v33 =	vld.idx.msk [tilespmem:v50+s18+$0x0], $0xffff  }
0x3a8: {  	v52 =	vor.u32 v18, v35;
	_ =	sdelay $0x3  }
0x3a9: {  	[tilespmem:v51+s1+$0x0] =	vst.idx.msk $0xffff, v33  }
0x3aa: {  	v53 =	vor.u32 v19, v32;
	v33 =	vld.idx.msk [tilespmem:v52+s18+$0x0], $0xffff  }
0x3ab: {  	v54 =	vor.u32 v20, v35;
	_ =	sdelay $0x3  }
0x3ac: {  	[tilespmem:v53+s1+$0x0] =	vst.idx.msk $0xffff, v33  }
0x3ad: {  	v55 =	vor.u32 v21, v32;
	v33 =	vld.idx.msk [tilespmem:v54+s18+$0x0], $0xffff  }
0x3ae: {  	v56 =	vor.u32 v22, v35;
	_ =	sdelay $0x3  }
0x3af: {  	[tilespmem:v55+s1+$0x0] =	vst.idx.msk $0xffff, v33  }
0x3b0: {  	v57 =	vor.u32 v23, v32;
	v33 =	vld.idx.msk [tilespmem:v56+s18+$0x0], $0xffff  }
0x3b1: {  	v58 =	vor.u32 v24, v35;
	_ =	sdelay $0x3  }
0x3b2: {  	[tilespmem:v57+s1+$0x0] =	vst.idx.msk $0xffff, v33  }
0x3b3: {  	v59 =	vor.u32 v25, v32;
	v33 =	vld.idx.msk [tilespmem:v58+s18+$0x0], $0xffff  }
0x3b4: {  	v60 =	vor.u32 v26, v35;
	_ =	sdelay $0x3  }
0x3b5: {  	[tilespmem:v59+s1+$0x0] =	vst.idx.msk $0xffff, v33  }
0x3b6: {  	v61 =	vor.u32 v27, v32;
	v33 =	vld.idx.msk [tilespmem:v60+s18+$0x0], $0xffff  }
0x3b7: {  	v62 =	vor.u32 v28, v35;
	_ =	sdelay $0x3  }
0x3b8: {  	[tilespmem:v61+s1+$0x0] =	vst.idx.msk $0xffff, v33  }
0x3b9: {  	v63 =	vor.u32 v29, v32;
	v33 =	vld.idx.msk [tilespmem:v62+s18+$0x0], $0xffff  }
0x3ba: {  	v35 =	vor.u32 v30, v35;
	_ =	sdelay $0x3  }
0x3bb: {  	s17 =	simm.s32 $0x4;
	[tilespmem:v63+s1+$0x0] =	vst.idx.msk $0xffff, v33  }
0x3bc: {  	s19 =	simm.s32 $0x8;
	v34 =	vadd.s32 s17, v0;
	v35 =	vld.idx.msk [tilespmem:v35+s18+$0x0], $0xffff  }
.LBB2_6:
0x3bd: {  	p0 =	slt.u32 s19, $0x3C;
	v33 =	vand.u32 $0x3F, v34;
	v36 =	vor.u32 v31, v32  }
0x3be: {  	v37 =	vor.u32 v1, v33;
	_ =	sdelay $0x3  }
0x3bf: {  	v32 =	vshll.u32 v34, $0x7;
	[tilespmem:v36+s1+$0x0] =	vst.idx.msk $0xffff, v35  }
0x3c0: {  	v35 =	vand.u32 $0x1F80, v32;
	v34 =	vld.idx.msk [tilespmem:v37+s18+$0x0], $0xffff  }
0x3c1: {  	v36 =	vor.u32 v0, v35  }
0x3c2: {  	v37 =	vor.u32 v2, v33;
	_ =	sdelay $0x3  }
0x3c3: {  	[tilespmem:v36+s1+$0x0] =	vst.idx.msk $0xffff, v34  }
0x3c4: {  	v34 =	vld.idx.msk [tilespmem:v37+s18+$0x0], $0xffff  }
0x3c5: {  	v36 =	vor.u32 v3, v35  }
0x3c6: {  	v37 =	vor.u32 v4, v33;
	_ =	sdelay $0x3  }
0x3c7: {  	[tilespmem:v36+s1+$0x0] =	vst.idx.msk $0xffff, v34  }
0x3c8: {  	v34 =	vld.idx.msk [tilespmem:v37+s18+$0x0], $0xffff  }
0x3c9: {  	v36 =	vor.u32 v5, v35  }
0x3ca: {  	v37 =	vor.u32 v6, v33;
	_ =	sdelay $0x3  }
0x3cb: {  	[tilespmem:v36+s1+$0x0] =	vst.idx.msk $0xffff, v34  }
0x3cc: {  	v34 =	vld.idx.msk [tilespmem:v37+s18+$0x0], $0xffff  }
0x3cd: {  	v36 =	vor.u32 v7, v35  }
0x3ce: {  	v37 =	vor.u32 v8, v33;
	_ =	sdelay $0x3  }
0x3cf: {  	[tilespmem:v36+s1+$0x0] =	vst.idx.msk $0xffff, v34  }
0x3d0: {  	v34 =	vld.idx.msk [tilespmem:v37+s18+$0x0], $0xffff  }
0x3d1: {  	v36 =	vor.u32 v9, v35  }
0x3d2: {  	v37 =	vor.u32 v10, v33;
	_ =	sdelay $0x3  }
0x3d3: {  	[tilespmem:v36+s1+$0x0] =	vst.idx.msk $0xffff, v34  }
0x3d4: {  	v34 =	vld.idx.msk [tilespmem:v37+s18+$0x0], $0xffff  }
0x3d5: {  	v36 =	vor.u32 v11, v35  }
0x3d6: {  	v37 =	vor.u32 v12, v33;
	_ =	sdelay $0x3  }
0x3d7: {  	[tilespmem:v36+s1+$0x0] =	vst.idx.msk $0xffff, v34  }
0x3d8: {  	v34 =	vld.idx.msk [tilespmem:v37+s18+$0x0], $0xffff  }
0x3d9: {  	v36 =	vor.u32 v13, v35  }
0x3da: {  	v37 =	vor.u32 v14, v33;
	_ =	sdelay $0x3  }
0x3db: {  	[tilespmem:v36+s1+$0x0] =	vst.idx.msk $0xffff, v34  }
0x3dc: {  	v34 =	vld.idx.msk [tilespmem:v37+s18+$0x0], $0xffff  }
0x3dd: {  	v35 =	vor.u32 v15, v35  }
0x3de: {  	v36 =	vor.u32 v16, v33;
	_ =	sdelay $0x3  }
0x3df: {  	[tilespmem:v35+s1+$0x0] =	vst.idx.msk $0xffff, v34  }
0x3e0: {  	v34 =	vld.idx.msk [tilespmem:v36+s18+$0x0], $0xffff  }
0x3e1: {  	v35 =	vor.u32 v17, v32  }
0x3e2: {  	v36 =	vor.u32 v18, v33;
	_ =	sdelay $0x3  }
0x3e3: {  	[tilespmem:v35+s1+$0x0] =	vst.idx.msk $0xffff, v34  }
0x3e4: {  	v34 =	vld.idx.msk [tilespmem:v36+s18+$0x0], $0xffff  }
0x3e5: {  	v35 =	vor.u32 v19, v32  }
0x3e6: {  	v36 =	vor.u32 v20, v33;
	_ =	sdelay $0x3  }
0x3e7: {  	[tilespmem:v35+s1+$0x0] =	vst.idx.msk $0xffff, v34  }
0x3e8: {  	v34 =	vld.idx.msk [tilespmem:v36+s18+$0x0], $0xffff  }
0x3e9: {  	v35 =	vor.u32 v21, v32  }
0x3ea: {  	v36 =	vor.u32 v22, v33;
	_ =	sdelay $0x3  }
0x3eb: {  	[tilespmem:v35+s1+$0x0] =	vst.idx.msk $0xffff, v34  }
0x3ec: {  	v34 =	vld.idx.msk [tilespmem:v36+s18+$0x0], $0xffff  }
0x3ed: {  	v35 =	vor.u32 v23, v32  }
0x3ee: {  	v36 =	vor.u32 v24, v33;
	_ =	sdelay $0x3  }
0x3ef: {  	[tilespmem:v35+s1+$0x0] =	vst.idx.msk $0xffff, v34  }
0x3f0: {  	v34 =	vld.idx.msk [tilespmem:v36+s18+$0x0], $0xffff  }
0x3f1: {  	v35 =	vor.u32 v25, v32  }
0x3f2: {  	v36 =	vor.u32 v26, v33;
	_ =	sdelay $0x3  }
0x3f3: {  	[tilespmem:v35+s1+$0x0] =	vst.idx.msk $0xffff, v34  }
0x3f4: {  	v34 =	vld.idx.msk [tilespmem:v36+s18+$0x0], $0xffff  }
0x3f5: {  	v35 =	vor.u32 v27, v32  }
0x3f6: {  	v36 =	vor.u32 v28, v33;
	_ =	sdelay $0x3  }
0x3f7: {  	[tilespmem:v35+s1+$0x0] =	vst.idx.msk $0xffff, v34  }
0x3f8: {  	v34 =	vld.idx.msk [tilespmem:v36+s18+$0x0], $0xffff  }
0x3f9: {  	v35 =	vor.u32 v29, v32  }
0x3fa: {  	v33 =	vor.u32 v30, v33;
	_ =	sdelay $0x3  }
0x3fb: {  	s20 =	sadd.s32 $0x1, s17;
	[tilespmem:v35+s1+$0x0] =	vst.idx.msk $0xffff, v34  }
0x3fc: {  	v34 =	vadd.s32 s20, v0;
	v33 =	vld.idx.msk [tilespmem:v33+s18+$0x0], $0xffff  }
0x3fd: {  	v35 =	vor.u32 v31, v32;
	v32 =	vand.u32 $0x3F, v34  }
0x3fe: {  	v36 =	vor.u32 v1, v32;
	_ =	sdelay $0x3  }
0x3ff: {  	[tilespmem:v35+s1+$0x0] =	vst.idx.msk $0xffff, v33;
	v33 =	vshll.u32 v34, $0x7  }
0x400: {  	v34 =	vld.idx.msk [tilespmem:v36+s18+$0x0], $0xffff;
	v33 =	vand.u32 $0x1F80, v33  }
0x401: {  	v35 =	vor.u32 v0, v33  }
0x402: {  	v36 =	vor.u32 v2, v32;
	_ =	sdelay $0x3  }
0x403: {  	[tilespmem:v35+s1+$0x0] =	vst.idx.msk $0xffff, v34  }
0x404: {  	v34 =	vld.idx.msk [tilespmem:v36+s18+$0x0], $0xffff  }
0x405: {  	v35 =	vor.u32 v3, v33  }
0x406: {  	v36 =	vor.u32 v4, v32;
	_ =	sdelay $0x3  }
0x407: {  	[tilespmem:v35+s1+$0x0] =	vst.idx.msk $0xffff, v34  }
0x408: {  	v34 =	vld.idx.msk [tilespmem:v36+s18+$0x0], $0xffff  }
0x409: {  	v35 =	vor.u32 v5, v33  }
0x40a: {  	v36 =	vor.u32 v6, v32;
	_ =	sdelay $0x3  }
0x40b: {  	[tilespmem:v35+s1+$0x0] =	vst.idx.msk $0xffff, v34  }
0x40c: {  	v34 =	vld.idx.msk [tilespmem:v36+s18+$0x0], $0xffff  }
0x40d: {  	v35 =	vor.u32 v7, v33  }
0x40e: {  	v36 =	vor.u32 v8, v32;
	_ =	sdelay $0x3  }
0x40f: {  	[tilespmem:v35+s1+$0x0] =	vst.idx.msk $0xffff, v34  }
0x410: {  	v34 =	vld.idx.msk [tilespmem:v36+s18+$0x0], $0xffff  }
0x411: {  	v35 =	vor.u32 v9, v33  }
0x412: {  	v36 =	vor.u32 v10, v32;
	_ =	sdelay $0x3  }
0x413: {  	[tilespmem:v35+s1+$0x0] =	vst.idx.msk $0xffff, v34  }
0x414: {  	v34 =	vld.idx.msk [tilespmem:v36+s18+$0x0], $0xffff  }
0x415: {  	v35 =	vor.u32 v11, v33  }
0x416: {  	v36 =	vor.u32 v12, v32;
	_ =	sdelay $0x3  }
0x417: {  	[tilespmem:v35+s1+$0x0] =	vst.idx.msk $0xffff, v34  }
0x418: {  	v34 =	vld.idx.msk [tilespmem:v36+s18+$0x0], $0xffff  }
0x419: {  	v35 =	vor.u32 v13, v33  }
0x41a: {  	v36 =	vor.u32 v14, v32;
	_ =	sdelay $0x3  }
0x41b: {  	[tilespmem:v35+s1+$0x0] =	vst.idx.msk $0xffff, v34  }
0x41c: {  	v34 =	vld.idx.msk [tilespmem:v36+s18+$0x0], $0xffff  }
0x41d: {  	v35 =	vor.u32 v15, v33  }
0x41e: {  	v36 =	vor.u32 v16, v32;
	_ =	sdelay $0x3  }
0x41f: {  	[tilespmem:v35+s1+$0x0] =	vst.idx.msk $0xffff, v34  }
0x420: {  	v34 =	vld.idx.msk [tilespmem:v36+s18+$0x0], $0xffff  }
0x421: {  	v35 =	vor.u32 v17, v33  }
0x422: {  	v36 =	vor.u32 v18, v32;
	_ =	sdelay $0x3  }
0x423: {  	[tilespmem:v35+s1+$0x0] =	vst.idx.msk $0xffff, v34  }
0x424: {  	v34 =	vld.idx.msk [tilespmem:v36+s18+$0x0], $0xffff  }
0x425: {  	v35 =	vor.u32 v19, v33  }
0x426: {  	v36 =	vor.u32 v20, v32;
	_ =	sdelay $0x3  }
0x427: {  	[tilespmem:v35+s1+$0x0] =	vst.idx.msk $0xffff, v34  }
0x428: {  	v34 =	vld.idx.msk [tilespmem:v36+s18+$0x0], $0xffff  }
0x429: {  	v35 =	vor.u32 v21, v33  }
0x42a: {  	v36 =	vor.u32 v22, v32;
	_ =	sdelay $0x3  }
0x42b: {  	[tilespmem:v35+s1+$0x0] =	vst.idx.msk $0xffff, v34  }
0x42c: {  	v34 =	vld.idx.msk [tilespmem:v36+s18+$0x0], $0xffff  }
0x42d: {  	v35 =	vor.u32 v23, v33  }
0x42e: {  	v36 =	vor.u32 v24, v32;
	_ =	sdelay $0x3  }
0x42f: {  	[tilespmem:v35+s1+$0x0] =	vst.idx.msk $0xffff, v34  }
0x430: {  	v34 =	vld.idx.msk [tilespmem:v36+s18+$0x0], $0xffff  }
0x431: {  	v35 =	vor.u32 v25, v33  }
0x432: {  	v36 =	vor.u32 v26, v32;
	_ =	sdelay $0x3  }
0x433: {  	[tilespmem:v35+s1+$0x0] =	vst.idx.msk $0xffff, v34  }
0x434: {  	v34 =	vld.idx.msk [tilespmem:v36+s18+$0x0], $0xffff  }
0x435: {  	v35 =	vor.u32 v27, v33  }
0x436: {  	v36 =	vor.u32 v28, v32;
	_ =	sdelay $0x3  }
0x437: {  	[tilespmem:v35+s1+$0x0] =	vst.idx.msk $0xffff, v34  }
0x438: {  	v34 =	vld.idx.msk [tilespmem:v36+s18+$0x0], $0xffff  }
0x439: {  	v35 =	vor.u32 v29, v33  }
0x43a: {  	v32 =	vor.u32 v30, v32;
	_ =	sdelay $0x3  }
0x43b: {  	s20 =	sadd.s32 $0x2, s17;
	[tilespmem:v35+s1+$0x0] =	vst.idx.msk $0xffff, v34  }
0x43c: {  	v34 =	vadd.s32 s20, v0;
	v32 =	vld.idx.msk [tilespmem:v32+s18+$0x0], $0xffff  }
0x43d: {  	v35 =	vor.u32 v31, v33;
	v33 =	vand.u32 $0x3F, v34  }
0x43e: {  	v36 =	vor.u32 v1, v33;
	_ =	sdelay $0x3  }
0x43f: {  	[tilespmem:v35+s1+$0x0] =	vst.idx.msk $0xffff, v32;
	v32 =	vshll.u32 v34, $0x7  }
0x440: {  	v34 =	vld.idx.msk [tilespmem:v36+s18+$0x0], $0xffff;
	v32 =	vand.u32 $0x1F80, v32  }
0x441: {  	v35 =	vor.u32 v0, v32  }
0x442: {  	v36 =	vor.u32 v2, v33;
	_ =	sdelay $0x3  }
0x443: {  	[tilespmem:v35+s1+$0x0] =	vst.idx.msk $0xffff, v34  }
0x444: {  	v34 =	vld.idx.msk [tilespmem:v36+s18+$0x0], $0xffff  }
0x445: {  	v35 =	vor.u32 v3, v32  }
0x446: {  	v36 =	vor.u32 v4, v33;
	_ =	sdelay $0x3  }
0x447: {  	[tilespmem:v35+s1+$0x0] =	vst.idx.msk $0xffff, v34  }
0x448: {  	v34 =	vld.idx.msk [tilespmem:v36+s18+$0x0], $0xffff  }
0x449: {  	v35 =	vor.u32 v5, v32  }
0x44a: {  	v36 =	vor.u32 v6, v33;
	_ =	sdelay $0x3  }
0x44b: {  	[tilespmem:v35+s1+$0x0] =	vst.idx.msk $0xffff, v34  }
0x44c: {  	v34 =	vld.idx.msk [tilespmem:v36+s18+$0x0], $0xffff  }
0x44d: {  	v35 =	vor.u32 v7, v32  }
0x44e: {  	v36 =	vor.u32 v8, v33;
	_ =	sdelay $0x3  }
0x44f: {  	[tilespmem:v35+s1+$0x0] =	vst.idx.msk $0xffff, v34  }
0x450: {  	v34 =	vld.idx.msk [tilespmem:v36+s18+$0x0], $0xffff  }
0x451: {  	v35 =	vor.u32 v9, v32  }
0x452: {  	v36 =	vor.u32 v10, v33;
	_ =	sdelay $0x3  }
0x453: {  	[tilespmem:v35+s1+$0x0] =	vst.idx.msk $0xffff, v34  }
0x454: {  	v34 =	vld.idx.msk [tilespmem:v36+s18+$0x0], $0xffff  }
0x455: {  	v35 =	vor.u32 v11, v32  }
0x456: {  	v36 =	vor.u32 v12, v33;
	_ =	sdelay $0x3  }
0x457: {  	[tilespmem:v35+s1+$0x0] =	vst.idx.msk $0xffff, v34  }
0x458: {  	v34 =	vld.idx.msk [tilespmem:v36+s18+$0x0], $0xffff  }
0x459: {  	v35 =	vor.u32 v13, v32  }
0x45a: {  	v36 =	vor.u32 v14, v33;
	_ =	sdelay $0x3  }
0x45b: {  	[tilespmem:v35+s1+$0x0] =	vst.idx.msk $0xffff, v34  }
0x45c: {  	v34 =	vld.idx.msk [tilespmem:v36+s18+$0x0], $0xffff  }
0x45d: {  	v35 =	vor.u32 v15, v32  }
0x45e: {  	v36 =	vor.u32 v16, v33;
	_ =	sdelay $0x3  }
0x45f: {  	[tilespmem:v35+s1+$0x0] =	vst.idx.msk $0xffff, v34  }
0x460: {  	v34 =	vld.idx.msk [tilespmem:v36+s18+$0x0], $0xffff  }
0x461: {  	v35 =	vor.u32 v17, v32  }
0x462: {  	v36 =	vor.u32 v18, v33;
	_ =	sdelay $0x3  }
0x463: {  	[tilespmem:v35+s1+$0x0] =	vst.idx.msk $0xffff, v34  }
0x464: {  	v34 =	vld.idx.msk [tilespmem:v36+s18+$0x0], $0xffff  }
0x465: {  	v35 =	vor.u32 v19, v32  }
0x466: {  	v36 =	vor.u32 v20, v33;
	_ =	sdelay $0x3  }
0x467: {  	[tilespmem:v35+s1+$0x0] =	vst.idx.msk $0xffff, v34  }
0x468: {  	v34 =	vld.idx.msk [tilespmem:v36+s18+$0x0], $0xffff  }
0x469: {  	v35 =	vor.u32 v21, v32  }
0x46a: {  	v36 =	vor.u32 v22, v33;
	_ =	sdelay $0x3  }
0x46b: {  	[tilespmem:v35+s1+$0x0] =	vst.idx.msk $0xffff, v34  }
0x46c: {  	v34 =	vld.idx.msk [tilespmem:v36+s18+$0x0], $0xffff  }
0x46d: {  	v35 =	vor.u32 v23, v32  }
0x46e: {  	v36 =	vor.u32 v24, v33;
	_ =	sdelay $0x3  }
0x46f: {  	[tilespmem:v35+s1+$0x0] =	vst.idx.msk $0xffff, v34  }
0x470: {  	v34 =	vld.idx.msk [tilespmem:v36+s18+$0x0], $0xffff  }
0x471: {  	v35 =	vor.u32 v25, v32  }
0x472: {  	v36 =	vor.u32 v26, v33;
	_ =	sdelay $0x3  }
0x473: {  	[tilespmem:v35+s1+$0x0] =	vst.idx.msk $0xffff, v34  }
0x474: {  	v34 =	vld.idx.msk [tilespmem:v36+s18+$0x0], $0xffff  }
0x475: {  	v35 =	vor.u32 v27, v32  }
0x476: {  	v36 =	vor.u32 v28, v33;
	_ =	sdelay $0x3  }
0x477: {  	[tilespmem:v35+s1+$0x0] =	vst.idx.msk $0xffff, v34  }
0x478: {  	v34 =	vld.idx.msk [tilespmem:v36+s18+$0x0], $0xffff  }
0x479: {  	v35 =	vor.u32 v29, v32  }
0x47a: {  	v33 =	vor.u32 v30, v33;
	_ =	sdelay $0x3  }
0x47b: {  	s20 =	sadd.s32 $0x3, s17;
	s17 =	smov.u32 s19;
	[tilespmem:v35+s1+$0x0] =	vst.idx.msk $0xffff, v34  }
0x47c: {  	v35 =	vadd.s32 s20, v0;
	v34 =	vld.idx.msk [tilespmem:v33+s18+$0x0], $0xffff  }
0x47d: {  	v32 =	vor.u32 v31, v32;
	v33 =	vand.u32 $0x3F, v35  }
0x47e: {  	v36 =	vor.u32 v1, v33;
	_ =	sdelay $0x3  }
0x47f: {  	[tilespmem:v32+s1+$0x0] =	vst.idx.msk $0xffff, v34;
	v32 =	vshll.u32 v35, $0x7  }
0x480: {  	v34 =	vld.idx.msk [tilespmem:v36+s18+$0x0], $0xffff;
	v32 =	vand.u32 $0x1F80, v32  }
0x481: {  	v35 =	vor.u32 v0, v32  }
0x482: {  	v36 =	vor.u32 v2, v33;
	_ =	sdelay $0x3  }
0x483: {  	[tilespmem:v35+s1+$0x0] =	vst.idx.msk $0xffff, v34  }
0x484: {  	v34 =	vld.idx.msk [tilespmem:v36+s18+$0x0], $0xffff  }
0x485: {  	v35 =	vor.u32 v3, v32  }
0x486: {  	v36 =	vor.u32 v4, v33;
	_ =	sdelay $0x3  }
0x487: {  	[tilespmem:v35+s1+$0x0] =	vst.idx.msk $0xffff, v34  }
0x488: {  	v34 =	vld.idx.msk [tilespmem:v36+s18+$0x0], $0xffff  }
0x489: {  	v35 =	vor.u32 v5, v32  }
0x48a: {  	v36 =	vor.u32 v6, v33;
	_ =	sdelay $0x3  }
0x48b: {  	[tilespmem:v35+s1+$0x0] =	vst.idx.msk $0xffff, v34  }
0x48c: {  	v34 =	vld.idx.msk [tilespmem:v36+s18+$0x0], $0xffff  }
0x48d: {  	v35 =	vor.u32 v7, v32  }
0x48e: {  	v36 =	vor.u32 v8, v33;
	_ =	sdelay $0x3  }
0x48f: {  	[tilespmem:v35+s1+$0x0] =	vst.idx.msk $0xffff, v34  }
0x490: {  	v34 =	vld.idx.msk [tilespmem:v36+s18+$0x0], $0xffff  }
0x491: {  	v35 =	vor.u32 v9, v32  }
0x492: {  	v36 =	vor.u32 v10, v33;
	_ =	sdelay $0x3  }
0x493: {  	[tilespmem:v35+s1+$0x0] =	vst.idx.msk $0xffff, v34  }
0x494: {  	v34 =	vld.idx.msk [tilespmem:v36+s18+$0x0], $0xffff  }
0x495: {  	v35 =	vor.u32 v11, v32  }
0x496: {  	v36 =	vor.u32 v12, v33;
	_ =	sdelay $0x3  }
0x497: {  	[tilespmem:v35+s1+$0x0] =	vst.idx.msk $0xffff, v34  }
0x498: {  	v34 =	vld.idx.msk [tilespmem:v36+s18+$0x0], $0xffff  }
0x499: {  	v35 =	vor.u32 v13, v32  }
0x49a: {  	v36 =	vor.u32 v14, v33;
	_ =	sdelay $0x3  }
0x49b: {  	[tilespmem:v35+s1+$0x0] =	vst.idx.msk $0xffff, v34  }
0x49c: {  	v34 =	vld.idx.msk [tilespmem:v36+s18+$0x0], $0xffff  }
0x49d: {  	v35 =	vor.u32 v15, v32  }
0x49e: {  	v36 =	vor.u32 v16, v33;
	_ =	sdelay $0x3  }
0x49f: {  	[tilespmem:v35+s1+$0x0] =	vst.idx.msk $0xffff, v34  }
0x4a0: {  	v34 =	vld.idx.msk [tilespmem:v36+s18+$0x0], $0xffff  }
0x4a1: {  	v35 =	vor.u32 v17, v32  }
0x4a2: {  	v36 =	vor.u32 v18, v33;
	_ =	sdelay $0x3  }
0x4a3: {  	[tilespmem:v35+s1+$0x0] =	vst.idx.msk $0xffff, v34  }
0x4a4: {  	v34 =	vld.idx.msk [tilespmem:v36+s18+$0x0], $0xffff  }
0x4a5: {  	v35 =	vor.u32 v19, v32  }
0x4a6: {  	v36 =	vor.u32 v20, v33;
	_ =	sdelay $0x3  }
0x4a7: {  	[tilespmem:v35+s1+$0x0] =	vst.idx.msk $0xffff, v34  }
0x4a8: {  	v34 =	vld.idx.msk [tilespmem:v36+s18+$0x0], $0xffff  }
0x4a9: {  	v35 =	vor.u32 v21, v32  }
0x4aa: {  	v36 =	vor.u32 v22, v33;
	_ =	sdelay $0x3  }
0x4ab: {  	[tilespmem:v35+s1+$0x0] =	vst.idx.msk $0xffff, v34  }
0x4ac: {  	v34 =	vld.idx.msk [tilespmem:v36+s18+$0x0], $0xffff  }
0x4ad: {  	v35 =	vor.u32 v23, v32  }
0x4ae: {  	v36 =	vor.u32 v24, v33;
	_ =	sdelay $0x3  }
0x4af: {  	[tilespmem:v35+s1+$0x0] =	vst.idx.msk $0xffff, v34  }
0x4b0: {  	v34 =	vld.idx.msk [tilespmem:v36+s18+$0x0], $0xffff  }
0x4b1: {  	v35 =	vor.u32 v25, v32  }
0x4b2: {  	v36 =	vor.u32 v26, v33;
	_ =	sdelay $0x3  }
0x4b3: {  	[tilespmem:v35+s1+$0x0] =	vst.idx.msk $0xffff, v34  }
0x4b4: {  	v34 =	vld.idx.msk [tilespmem:v36+s18+$0x0], $0xffff  }
0x4b5: {  	v35 =	vor.u32 v27, v32  }
0x4b6: {  	v36 =	vor.u32 v28, v33;
	_ =	sdelay $0x3  }
0x4b7: {  	[tilespmem:v35+s1+$0x0] =	vst.idx.msk $0xffff, v34  }
0x4b8: {  	v34 =	vld.idx.msk [tilespmem:v36+s18+$0x0], $0xffff  }
0x4b9: {  	v35 =	vor.u32 v29, v32  }
0x4ba: {  	v33 =	vor.u32 v30, v33  }
.Ltmp6:
0x4bb: {  	(pc) =	sbr.rel @p0 .LBB2_6-.Ltmp6, $3  }
0x4bc: {  	_ =	sdelay $0x1  }
0x4bd: {  	[tilespmem:v35+s1+$0x0] =	vst.idx.msk $0xffff, v34  }
0x4be: {  	s19 =	sadd.s32 $0x4, s19;
	v34 =	vadd.s32 s17, v0;
	v35 =	vld.idx.msk [tilespmem:v33+s18+$0x0], $0xffff  }
0x4bf: {  	v33 =	vand.u32 $0x3F, v34;
	v32 =	vor.u32 v31, v32  }
0x4c0: {  	v36 =	vor.u32 v1, v33;
	_ =	sdelay $0x2  }
0x4c1: {  	v34 =	vshll.u32 v34, $0x7  }
0x4c2: {  	v61 =	vand.u32 $0x1F80, v34;
	[tilespmem:v32+s1+$0x0] =	vst.idx.msk $0xffff, v35  }
0x4c3: {  	v62 =	vor.u32 v0, v61;
	v35 =	vld.idx.msk [tilespmem:v36+s18+$0x0], $0xffff  }
0x4c4: {  	v37 =	vor.u32 v2, v33;
	_ =	sdelay $0x3  }
0x4c5: {  	[tilespmem:v62+s1+$0x0] =	vst.idx.msk $0xffff, v35  }
0x4c6: {  	v63 =	vor.u32 v3, v61;
	v35 =	vld.idx.msk [tilespmem:v37+s18+$0x0], $0xffff  }
0x4c7: {  	v40 =	vor.u32 v4, v33;
	_ =	sdelay $0x3  }
0x4c8: {  	[tilespmem:v63+s1+$0x0] =	vst.idx.msk $0xffff, v35  }
0x4c9: {  	v41 =	vor.u32 v5, v61;
	v35 =	vld.idx.msk [tilespmem:v40+s18+$0x0], $0xffff  }
0x4ca: {  	v42 =	vor.u32 v6, v33;
	_ =	sdelay $0x3  }
0x4cb: {  	[tilespmem:v41+s1+$0x0] =	vst.idx.msk $0xffff, v35  }
0x4cc: {  	v43 =	vor.u32 v7, v61;
	v35 =	vld.idx.msk [tilespmem:v42+s18+$0x0], $0xffff  }
0x4cd: {  	v44 =	vor.u32 v8, v33;
	_ =	sdelay $0x3  }
0x4ce: {  	[tilespmem:v43+s1+$0x0] =	vst.idx.msk $0xffff, v35  }
0x4cf: {  	v45 =	vor.u32 v9, v61;
	v35 =	vld.idx.msk [tilespmem:v44+s18+$0x0], $0xffff  }
0x4d0: {  	v46 =	vor.u32 v10, v33;
	_ =	sdelay $0x3  }
0x4d1: {  	[tilespmem:v45+s1+$0x0] =	vst.idx.msk $0xffff, v35  }
0x4d2: {  	v47 =	vor.u32 v11, v61;
	v35 =	vld.idx.msk [tilespmem:v46+s18+$0x0], $0xffff  }
0x4d3: {  	v48 =	vor.u32 v12, v33;
	_ =	sdelay $0x3  }
0x4d4: {  	[tilespmem:v47+s1+$0x0] =	vst.idx.msk $0xffff, v35  }
0x4d5: {  	v49 =	vor.u32 v13, v61;
	v35 =	vld.idx.msk [tilespmem:v48+s18+$0x0], $0xffff  }
0x4d6: {  	v50 =	vor.u32 v14, v33;
	_ =	sdelay $0x3  }
0x4d7: {  	[tilespmem:v49+s1+$0x0] =	vst.idx.msk $0xffff, v35  }
0x4d8: {  	v32 =	vor.u32 v15, v61;
	v35 =	vld.idx.msk [tilespmem:v50+s18+$0x0], $0xffff  }
0x4d9: {  	v51 =	vor.u32 v16, v33;
	_ =	sdelay $0x3  }
0x4da: {  	[tilespmem:v32+s1+$0x0] =	vst.idx.msk $0xffff, v35  }
0x4db: {  	v52 =	vor.u32 v17, v34;
	v32 =	vld.idx.msk [tilespmem:v51+s18+$0x0], $0xffff  }
0x4dc: {  	v53 =	vor.u32 v18, v33;
	_ =	sdelay $0x3  }
0x4dd: {  	[tilespmem:v52+s1+$0x0] =	vst.idx.msk $0xffff, v32  }
0x4de: {  	v54 =	vor.u32 v19, v34;
	v32 =	vld.idx.msk [tilespmem:v53+s18+$0x0], $0xffff  }
0x4df: {  	v55 =	vor.u32 v20, v33;
	_ =	sdelay $0x3  }
0x4e0: {  	[tilespmem:v54+s1+$0x0] =	vst.idx.msk $0xffff, v32  }
0x4e1: {  	v56 =	vor.u32 v21, v34;
	v32 =	vld.idx.msk [tilespmem:v55+s18+$0x0], $0xffff  }
0x4e2: {  	v57 =	vor.u32 v22, v33;
	_ =	sdelay $0x3  }
0x4e3: {  	[tilespmem:v56+s1+$0x0] =	vst.idx.msk $0xffff, v32  }
0x4e4: {  	v58 =	vor.u32 v23, v34;
	v32 =	vld.idx.msk [tilespmem:v57+s18+$0x0], $0xffff  }
0x4e5: {  	v59 =	vor.u32 v24, v33;
	_ =	sdelay $0x3  }
0x4e6: {  	[tilespmem:v58+s1+$0x0] =	vst.idx.msk $0xffff, v32  }
0x4e7: {  	v60 =	vor.u32 v25, v34;
	v32 =	vld.idx.msk [tilespmem:v59+s18+$0x0], $0xffff  }
0x4e8: {  	v61 =	vor.u32 v26, v33;
	_ =	sdelay $0x3  }
0x4e9: {  	[tilespmem:v60+s1+$0x0] =	vst.idx.msk $0xffff, v32  }
0x4ea: {  	v62 =	vor.u32 v27, v34;
	v32 =	vld.idx.msk [tilespmem:v61+s18+$0x0], $0xffff  }
0x4eb: {  	v63 =	vor.u32 v28, v33;
	_ =	sdelay $0x3  }
0x4ec: {  	[tilespmem:v62+s1+$0x0] =	vst.idx.msk $0xffff, v32  }
0x4ed: {  	v40 =	vor.u32 v29, v34;
	v32 =	vld.idx.msk [tilespmem:v63+s18+$0x0], $0xffff  }
0x4ee: {  	v33 =	vor.u32 v30, v33;
	_ =	sdelay $0x2  }
0x4ef: {  	s19 =	sadd.s32 $0x1, s17  }
0x4f0: {  	v41 =	vadd.s32 s19, v0;
	[tilespmem:v40+s1+$0x0] =	vst.idx.msk $0xffff, v32  }
0x4f1: {  	v34 =	vor.u32 v31, v34;
	v35 =	vand.u32 $0x3F, v41;
	v33 =	vld.idx.msk [tilespmem:v33+s18+$0x0], $0xffff  }
0x4f2: {  	v42 =	vor.u32 v1, v35;
	_ =	sdelay $0x2  }
0x4f3: {  	v32 =	vshll.u32 v41, $0x7  }
0x4f4: {  	v32 =	vand.u32 $0x1F80, v32;
	[tilespmem:v34+s1+$0x0] =	vst.idx.msk $0xffff, v33  }
0x4f5: {  	v43 =	vor.u32 v0, v32;
	v33 =	vld.idx.msk [tilespmem:v42+s18+$0x0], $0xffff  }
0x4f6: {  	v44 =	vor.u32 v2, v35;
	_ =	sdelay $0x3  }
0x4f7: {  	[tilespmem:v43+s1+$0x0] =	vst.idx.msk $0xffff, v33  }
0x4f8: {  	v45 =	vor.u32 v3, v32;
	v33 =	vld.idx.msk [tilespmem:v44+s18+$0x0], $0xffff  }
0x4f9: {  	v46 =	vor.u32 v4, v35;
	_ =	sdelay $0x3  }
0x4fa: {  	[tilespmem:v45+s1+$0x0] =	vst.idx.msk $0xffff, v33  }
0x4fb: {  	v47 =	vor.u32 v5, v32;
	v33 =	vld.idx.msk [tilespmem:v46+s18+$0x0], $0xffff  }
0x4fc: {  	v48 =	vor.u32 v6, v35;
	_ =	sdelay $0x3  }
0x4fd: {  	[tilespmem:v47+s1+$0x0] =	vst.idx.msk $0xffff, v33  }
0x4fe: {  	v49 =	vor.u32 v7, v32;
	v33 =	vld.idx.msk [tilespmem:v48+s18+$0x0], $0xffff  }
0x4ff: {  	v50 =	vor.u32 v8, v35;
	_ =	sdelay $0x3  }
0x500: {  	[tilespmem:v49+s1+$0x0] =	vst.idx.msk $0xffff, v33  }
0x501: {  	v51 =	vor.u32 v9, v32;
	v33 =	vld.idx.msk [tilespmem:v50+s18+$0x0], $0xffff  }
0x502: {  	v52 =	vor.u32 v10, v35;
	_ =	sdelay $0x3  }
0x503: {  	[tilespmem:v51+s1+$0x0] =	vst.idx.msk $0xffff, v33  }
0x504: {  	v53 =	vor.u32 v11, v32;
	v33 =	vld.idx.msk [tilespmem:v52+s18+$0x0], $0xffff  }
0x505: {  	v54 =	vor.u32 v12, v35;
	_ =	sdelay $0x3  }
0x506: {  	[tilespmem:v53+s1+$0x0] =	vst.idx.msk $0xffff, v33  }
0x507: {  	v55 =	vor.u32 v13, v32;
	v33 =	vld.idx.msk [tilespmem:v54+s18+$0x0], $0xffff  }
0x508: {  	v56 =	vor.u32 v14, v35;
	_ =	sdelay $0x3  }
0x509: {  	[tilespmem:v55+s1+$0x0] =	vst.idx.msk $0xffff, v33  }
0x50a: {  	v57 =	vor.u32 v15, v32;
	v33 =	vld.idx.msk [tilespmem:v56+s18+$0x0], $0xffff  }
0x50b: {  	v58 =	vor.u32 v16, v35;
	_ =	sdelay $0x3  }
0x50c: {  	[tilespmem:v57+s1+$0x0] =	vst.idx.msk $0xffff, v33  }
0x50d: {  	v59 =	vor.u32 v17, v32;
	v33 =	vld.idx.msk [tilespmem:v58+s18+$0x0], $0xffff  }
0x50e: {  	v60 =	vor.u32 v18, v35;
	_ =	sdelay $0x3  }
0x50f: {  	[tilespmem:v59+s1+$0x0] =	vst.idx.msk $0xffff, v33  }
0x510: {  	v61 =	vor.u32 v19, v32;
	v33 =	vld.idx.msk [tilespmem:v60+s18+$0x0], $0xffff  }
0x511: {  	v62 =	vor.u32 v20, v35;
	_ =	sdelay $0x3  }
0x512: {  	[tilespmem:v61+s1+$0x0] =	vst.idx.msk $0xffff, v33  }
0x513: {  	v63 =	vor.u32 v21, v32;
	v33 =	vld.idx.msk [tilespmem:v62+s18+$0x0], $0xffff  }
0x514: {  	v40 =	vor.u32 v22, v35;
	_ =	sdelay $0x3  }
0x515: {  	[tilespmem:v63+s1+$0x0] =	vst.idx.msk $0xffff, v33  }
0x516: {  	v41 =	vor.u32 v23, v32;
	v33 =	vld.idx.msk [tilespmem:v40+s18+$0x0], $0xffff  }
0x517: {  	v42 =	vor.u32 v24, v35;
	_ =	sdelay $0x3  }
0x518: {  	[tilespmem:v41+s1+$0x0] =	vst.idx.msk $0xffff, v33  }
0x519: {  	v43 =	vor.u32 v25, v32;
	v33 =	vld.idx.msk [tilespmem:v42+s18+$0x0], $0xffff  }
0x51a: {  	v44 =	vor.u32 v26, v35;
	_ =	sdelay $0x3  }
0x51b: {  	[tilespmem:v43+s1+$0x0] =	vst.idx.msk $0xffff, v33  }
0x51c: {  	v45 =	vor.u32 v27, v32;
	v33 =	vld.idx.msk [tilespmem:v44+s18+$0x0], $0xffff  }
0x51d: {  	v46 =	vor.u32 v28, v35;
	_ =	sdelay $0x3  }
0x51e: {  	[tilespmem:v45+s1+$0x0] =	vst.idx.msk $0xffff, v33  }
0x51f: {  	v47 =	vor.u32 v29, v32;
	v33 =	vld.idx.msk [tilespmem:v46+s18+$0x0], $0xffff  }
0x520: {  	v35 =	vor.u32 v30, v35;
	_ =	sdelay $0x2  }
0x521: {  	s21 =	sadd.s32 $0x2, s17  }
0x522: {  	v48 =	vadd.s32 s21, v0;
	[tilespmem:v47+s1+$0x0] =	vst.idx.msk $0xffff, v33  }
0x523: {  	v32 =	vor.u32 v31, v32;
	v34 =	vld.idx.msk [tilespmem:v35+s18+$0x0], $0xffff;
	v35 =	vand.u32 $0x3F, v48  }
0x524: {  	v49 =	vor.u32 v1, v35;
	_ =	sdelay $0x2  }
0x525: {  	v33 =	vshll.u32 v48, $0x7  }
0x526: {  	[tilespmem:v32+s1+$0x0] =	vst.idx.msk $0xffff, v34;
	v32 =	vand.u32 $0x1F80, v33  }
0x527: {  	v50 =	vld.idx.msk [tilespmem:v49+s18+$0x0], $0xffff;
	v51 =	vor.u32 v0, v32  }
0x528: {  	v52 =	vor.u32 v2, v35;
	_ =	sdelay $0x3  }
0x529: {  	[tilespmem:v51+s1+$0x0] =	vst.idx.msk $0xffff, v50  }
0x52a: {  	v53 =	vor.u32 v3, v32;
	v33 =	vld.idx.msk [tilespmem:v52+s18+$0x0], $0xffff  }
0x52b: {  	v54 =	vor.u32 v4, v35;
	_ =	sdelay $0x3  }
0x52c: {  	[tilespmem:v53+s1+$0x0] =	vst.idx.msk $0xffff, v33  }
0x52d: {  	v55 =	vor.u32 v5, v32;
	v33 =	vld.idx.msk [tilespmem:v54+s18+$0x0], $0xffff  }
0x52e: {  	v56 =	vor.u32 v6, v35;
	_ =	sdelay $0x3  }
0x52f: {  	[tilespmem:v55+s1+$0x0] =	vst.idx.msk $0xffff, v33  }
0x530: {  	v57 =	vor.u32 v7, v32;
	v33 =	vld.idx.msk [tilespmem:v56+s18+$0x0], $0xffff  }
0x531: {  	v58 =	vor.u32 v8, v35;
	_ =	sdelay $0x3  }
0x532: {  	[tilespmem:v57+s1+$0x0] =	vst.idx.msk $0xffff, v33  }
0x533: {  	v59 =	vor.u32 v9, v32;
	v33 =	vld.idx.msk [tilespmem:v58+s18+$0x0], $0xffff  }
0x534: {  	v60 =	vor.u32 v10, v35;
	_ =	sdelay $0x3  }
0x535: {  	[tilespmem:v59+s1+$0x0] =	vst.idx.msk $0xffff, v33  }
0x536: {  	v61 =	vor.u32 v11, v32;
	v33 =	vld.idx.msk [tilespmem:v60+s18+$0x0], $0xffff  }
0x537: {  	v62 =	vor.u32 v12, v35;
	_ =	sdelay $0x3  }
0x538: {  	[tilespmem:v61+s1+$0x0] =	vst.idx.msk $0xffff, v33  }
0x539: {  	v63 =	vor.u32 v13, v32;
	v33 =	vld.idx.msk [tilespmem:v62+s18+$0x0], $0xffff  }
0x53a: {  	v40 =	vor.u32 v14, v35;
	_ =	sdelay $0x3  }
0x53b: {  	[tilespmem:v63+s1+$0x0] =	vst.idx.msk $0xffff, v33  }
0x53c: {  	v41 =	vor.u32 v15, v32;
	v33 =	vld.idx.msk [tilespmem:v40+s18+$0x0], $0xffff  }
0x53d: {  	v42 =	vor.u32 v16, v35;
	_ =	sdelay $0x3  }
0x53e: {  	[tilespmem:v41+s1+$0x0] =	vst.idx.msk $0xffff, v33  }
0x53f: {  	v43 =	vor.u32 v17, v32;
	v33 =	vld.idx.msk [tilespmem:v42+s18+$0x0], $0xffff  }
0x540: {  	v44 =	vor.u32 v18, v35;
	_ =	sdelay $0x3  }
0x541: {  	[tilespmem:v43+s1+$0x0] =	vst.idx.msk $0xffff, v33  }
0x542: {  	v45 =	vor.u32 v19, v32;
	v33 =	vld.idx.msk [tilespmem:v44+s18+$0x0], $0xffff  }
0x543: {  	v46 =	vor.u32 v20, v35;
	_ =	sdelay $0x3  }
0x544: {  	[tilespmem:v45+s1+$0x0] =	vst.idx.msk $0xffff, v33  }
0x545: {  	v47 =	vor.u32 v21, v32;
	v33 =	vld.idx.msk [tilespmem:v46+s18+$0x0], $0xffff  }
0x546: {  	v48 =	vor.u32 v22, v35;
	_ =	sdelay $0x3  }
0x547: {  	[tilespmem:v47+s1+$0x0] =	vst.idx.msk $0xffff, v33  }
0x548: {  	v49 =	vor.u32 v23, v32;
	v33 =	vld.idx.msk [tilespmem:v48+s18+$0x0], $0xffff  }
0x549: {  	v50 =	vor.u32 v24, v35;
	_ =	sdelay $0x3  }
0x54a: {  	[tilespmem:v49+s1+$0x0] =	vst.idx.msk $0xffff, v33  }
0x54b: {  	v51 =	vor.u32 v25, v32;
	v33 =	vld.idx.msk [tilespmem:v50+s18+$0x0], $0xffff  }
0x54c: {  	v52 =	vor.u32 v26, v35;
	_ =	sdelay $0x3  }
0x54d: {  	[tilespmem:v51+s1+$0x0] =	vst.idx.msk $0xffff, v33  }
0x54e: {  	v53 =	vor.u32 v27, v32;
	v33 =	vld.idx.msk [tilespmem:v52+s18+$0x0], $0xffff  }
0x54f: {  	v54 =	vor.u32 v28, v35;
	_ =	sdelay $0x3  }
0x550: {  	[tilespmem:v53+s1+$0x0] =	vst.idx.msk $0xffff, v33  }
0x551: {  	v55 =	vor.u32 v29, v32;
	v33 =	vld.idx.msk [tilespmem:v54+s18+$0x0], $0xffff  }
0x552: {  	v35 =	vor.u32 v30, v35;
	_ =	sdelay $0x2  }
0x553: {  	s20 =	sadd.s32 $0x3, s17  }
0x554: {  	v56 =	vadd.s32 s20, v0;
	[tilespmem:v55+s1+$0x0] =	vst.idx.msk $0xffff, v33  }
0x555: {  	v32 =	vor.u32 v31, v32;
	v34 =	vld.idx.msk [tilespmem:v35+s18+$0x0], $0xffff;
	v35 =	vand.u32 $0x3F, v56  }
0x556: {  	v57 =	vor.u32 v1, v35;
	_ =	sdelay $0x2  }
0x557: {  	v33 =	vshll.u32 v56, $0x7  }
0x558: {  	[tilespmem:v32+s1+$0x0] =	vst.idx.msk $0xffff, v34;
	v32 =	vand.u32 $0x1F80, v33  }
0x559: {  	v58 =	vld.idx.msk [tilespmem:v57+s18+$0x0], $0xffff;
	v59 =	vor.u32 v0, v32  }
0x55a: {  	v60 =	vor.u32 v2, v35;
	_ =	sdelay $0x3  }
0x55b: {  	[tilespmem:v59+s1+$0x0] =	vst.idx.msk $0xffff, v58  }
0x55c: {  	v61 =	vor.u32 v3, v32;
	v33 =	vld.idx.msk [tilespmem:v60+s18+$0x0], $0xffff  }
0x55d: {  	v62 =	vor.u32 v4, v35;
	_ =	sdelay $0x3  }
0x55e: {  	[tilespmem:v61+s1+$0x0] =	vst.idx.msk $0xffff, v33  }
0x55f: {  	v63 =	vor.u32 v5, v32;
	v33 =	vld.idx.msk [tilespmem:v62+s18+$0x0], $0xffff  }
0x560: {  	v40 =	vor.u32 v6, v35;
	_ =	sdelay $0x3  }
0x561: {  	[tilespmem:v63+s1+$0x0] =	vst.idx.msk $0xffff, v33  }
0x562: {  	v41 =	vor.u32 v7, v32;
	v33 =	vld.idx.msk [tilespmem:v40+s18+$0x0], $0xffff  }
0x563: {  	v42 =	vor.u32 v8, v35;
	_ =	sdelay $0x3  }
0x564: {  	[tilespmem:v41+s1+$0x0] =	vst.idx.msk $0xffff, v33  }
0x565: {  	v43 =	vor.u32 v9, v32;
	v33 =	vld.idx.msk [tilespmem:v42+s18+$0x0], $0xffff  }
0x566: {  	v44 =	vor.u32 v10, v35;
	_ =	sdelay $0x3  }
0x567: {  	[tilespmem:v43+s1+$0x0] =	vst.idx.msk $0xffff, v33  }
0x568: {  	v45 =	vor.u32 v11, v32;
	v33 =	vld.idx.msk [tilespmem:v44+s18+$0x0], $0xffff  }
0x569: {  	v46 =	vor.u32 v12, v35;
	_ =	sdelay $0x3  }
0x56a: {  	[tilespmem:v45+s1+$0x0] =	vst.idx.msk $0xffff, v33  }
0x56b: {  	v47 =	vor.u32 v13, v32;
	v33 =	vld.idx.msk [tilespmem:v46+s18+$0x0], $0xffff  }
0x56c: {  	v48 =	vor.u32 v14, v35;
	_ =	sdelay $0x3  }
0x56d: {  	[tilespmem:v47+s1+$0x0] =	vst.idx.msk $0xffff, v33  }
0x56e: {  	v49 =	vor.u32 v15, v32;
	v33 =	vld.idx.msk [tilespmem:v48+s18+$0x0], $0xffff  }
0x56f: {  	v50 =	vor.u32 v16, v35;
	_ =	sdelay $0x3  }
0x570: {  	[tilespmem:v49+s1+$0x0] =	vst.idx.msk $0xffff, v33  }
0x571: {  	v51 =	vor.u32 v17, v32;
	v33 =	vld.idx.msk [tilespmem:v50+s18+$0x0], $0xffff  }
0x572: {  	v52 =	vor.u32 v18, v35;
	_ =	sdelay $0x3  }
0x573: {  	[tilespmem:v51+s1+$0x0] =	vst.idx.msk $0xffff, v33  }
0x574: {  	v53 =	vor.u32 v19, v32;
	v33 =	vld.idx.msk [tilespmem:v52+s18+$0x0], $0xffff  }
0x575: {  	v54 =	vor.u32 v20, v35;
	_ =	sdelay $0x3  }
0x576: {  	[tilespmem:v53+s1+$0x0] =	vst.idx.msk $0xffff, v33  }
0x577: {  	v55 =	vor.u32 v21, v32;
	v33 =	vld.idx.msk [tilespmem:v54+s18+$0x0], $0xffff  }
0x578: {  	v56 =	vor.u32 v22, v35;
	_ =	sdelay $0x3  }
0x579: {  	[tilespmem:v55+s1+$0x0] =	vst.idx.msk $0xffff, v33  }
0x57a: {  	v57 =	vor.u32 v23, v32;
	v33 =	vld.idx.msk [tilespmem:v56+s18+$0x0], $0xffff  }
0x57b: {  	v58 =	vor.u32 v24, v35;
	_ =	sdelay $0x3  }
0x57c: {  	[tilespmem:v57+s1+$0x0] =	vst.idx.msk $0xffff, v33  }
0x57d: {  	v59 =	vor.u32 v25, v32;
	v33 =	vld.idx.msk [tilespmem:v58+s18+$0x0], $0xffff  }
0x57e: {  	v60 =	vor.u32 v26, v35;
	_ =	sdelay $0x3  }
0x57f: {  	[tilespmem:v59+s1+$0x0] =	vst.idx.msk $0xffff, v33  }
0x580: {  	v61 =	vor.u32 v27, v32;
	v33 =	vld.idx.msk [tilespmem:v60+s18+$0x0], $0xffff  }
0x581: {  	v62 =	vor.u32 v28, v35;
	_ =	sdelay $0x3  }
0x582: {  	[tilespmem:v61+s1+$0x0] =	vst.idx.msk $0xffff, v33  }
0x583: {  	v63 =	vor.u32 v29, v32;
	v33 =	vld.idx.msk [tilespmem:v62+s18+$0x0], $0xffff  }
0x584: {  	v35 =	vor.u32 v30, v35;
	_ =	sdelay $0x3  }
0x585: {  	[tilespmem:v63+s1+$0x0] =	vst.idx.msk $0xffff, v33  }
0x586: {  	v32 =	vor.u32 v31, v32;
	v33 =	vld.idx.msk [tilespmem:v35+s18+$0x0], $0xffff;
	_ =	sdelay $0x1  }
0x587: {  	s16 =	sshll.u32 s16, $0x13  }
0x588: {  	s16 =	sor.u32 s6, s16  }
0x589: {  	s16 =	sshrl.u32 s16, $0x3  }
0x58a: {  	s21 =	sadd.s32 s2, s16;
	[tilespmem:v32+s1+$0x0] =	vst.idx.msk $0xffff, v33  }
0x58b: {  	[hbm4b:s21+s28] =	stream.strided.scatter [tilespmem:s1], [sflag:$0x4], $0x2000, s29, s28, $0x38;
	[tilespmem:$0x11900] =	vst v63  }
0x58c: {  	p0 =	sgt.u32 s15, $0xA;
	s16 =	sadd.s32 s16, s7  }
0x58d: {  	[hbm4b:s16+s28] =	stream.strided.scatter [tilespmem:s0], [sflag:$0x4], $0x2000, s29, s28, $0x38;
	[tilespmem:$0x11900] =	vst v63  }
0x58e: {  	s16 =	sshll.u32 @!p0 s15, $0x9  }
0x58f: {  	s16 =	sand.u32 @!p0 $0x3FFFFE00, s16  }
0x590: {  	s19 =	simm.s32 @!p0 $0x40;
	s20 =	simm.s32 @!p0 $0x5900;
	s17 =	sadd.s32 @!p0 $0x300, s16  }
0x591: {  	[tilespmem:s20], [sflag:$0x2] =	stream.indirect.gather @!p0 [hbm4b:s4+s19], $0x40, s17, s19, $0xb8;
	[tilespmem:$0x11900] =	vst v63  }
0x592: {  	s17 =	sadd.s32 @!p0 $0x340, s16;
	s20 =	simm.s32 @!p0 $0x6900  }
0x593: {  	[tilespmem:s20], [sflag:$0x2] =	stream.indirect.gather @!p0 [hbm4b:s4+s19], $0x40, s17, s19, $0xb8;
	[tilespmem:$0x11900] =	vst v63  }
.Ltmp7:
0x594: {  	_ = 	snop;
	(pc) =	sbr.rel .LBB2_8-.Ltmp7, $4  }
0x595: {  	s17 =	sadd.s32 @!p0 $0x380, s16;
	s20 =	simm.s32 @!p0 $0x7900  }
0x596: {  	[tilespmem:s20], [sflag:$0x2] =	stream.indirect.gather @!p0 [hbm4b:s4+s19], $0x40, s17, s19, $0xb8;
	[tilespmem:$0x11900] =	vst v63  }
0x597: {  	s16 =	sadd.s32 @!p0 $0x3C0, s16;
	s17 =	simm.s32 @!p0 $0x8900  }
0x598: {  	[tilespmem:s17], [sflag:$0x2] =	stream.indirect.gather @!p0 [hbm4b:s4+s19], $0x40, s16, s19, $0xb8;
	[tilespmem:$0x11900] =	vst v63  }
.LBB2_10:
0x599: {  	_ =	sfence.sel $0x180000  }
0x59a: {  	[bflag:$0x0] =	sbarrier.arrive $0xFFFF  }
0x59b: {  	_ =	strace $0x90000047  }
0x59c: {  	s0 =	stileid.u32;
	[bflag:$0x2] =	sbarrier.arrive $0xFFFF  }
0x59d: {  	p0 =	sne.s32 s0, $0x0;
	s0 =	rddreg [dreg:$0x2]  }
0x59e: {  	s0 =	sadd.s32 @!p0 $0x100000, s0  }
0x59f: {  	[sflag:s0] =	ssyncadd.tile.s32 @!p0 $0x1;
	_ =	shalt  }
.Lfunc_end2:
_tile_overlayer_lowered:
.L_overlay_start_2:
0x5a0: {  	(tag) =	ssettag $0x2  }
0x5a1: {  	s0 =	rddreg [dreg:$0x0];
	s2 =	stileid.u32  }
0x5a2: {  	s1 =	rddreg [dreg:$0x1];
	p0 =	sne.s32 s2, $0x0  }
0x5a3: {  	s3 =	rddreg [dreg:$0x2];
	[bflag:$0x3] =	sbarrier.arrive $0xFFFF;
	s2 =	simm.s32 @!p0 $0x1C05  }
0x5a4: {  	[timem:s3], [sflag:s2] =	dma.local @!p0 [hbm:s0], s1  }
0x5a5: {  	s0 =	simm.s32 @!p0 $0x5  }
0x5a6: {  	_ =	swait.ge @!p0 [sflag:s0], s1  }
0x5a7: {  	s1 =	ssub.s32 @!p0 $0x0, s1;
	[sflag:s0] =	ssyncset.done @!p0 $0x0  }
0x5a8: {  	[sflag:s0] =	ssyncadd.s32 @!p0 s1  }
0x5a9: {  	[bflag:$0x3] =	sbarrier.arrive $0xFFFF  }
0x5aa: {  	_ =	shalt  }

</sc_bundles>
